<compile_context>
chip_gen: v7x
topology: tpu7x:2x2x1
jax: 0.10.2.dev20260603
libtpu: 0.0.44.dev20260713+nightly
codegen_flags: <defaults>
</compile_context>

<pallas_src>
import functools

import jax
import jax.numpy as jnp
from jax import lax
from jax.experimental import pallas as pl
from jax.experimental.pallas import tpu as pltpu
from jax.experimental.pallas import tpu_sc as plsc

_N = 6400000
_G = 4096
_NC = 2
_NS = 16
_NW = _NC * _NS
_BLK = 63
_GELEM = 16 * _BLK
_GPT = 198
_EPT = _GPT * _GELEM
_XELEM = 1024
_XTILES = (_N - _EPT * _NW) // _XELEM
_GPP = 11
_PAGE = _GPP * _GELEM
_NPAGES = _GPT // _GPP
_NENT = _GPT * 16
_RING = 8
_ZCHUNK = _G // _NS


def _sc_partials(src1, batch1):
    mesh = plsc.VectorSubcoreMesh(core_axis_name="c", subcore_axis_name="s")

    @functools.partial(
        pl.kernel,
        out_type=jax.ShapeDtypeStruct((_NC, _G), jnp.float32),
        mesh=mesh,
        compiler_params=pltpu.CompilerParams(needs_layout_passes=False),
        scratch_types=[
            pltpu.VMEM((_PAGE + 16,), jnp.float32),
            pltpu.VMEM((_PAGE + 16,), jnp.int32),
            pltpu.VMEM((_PAGE + 16,), jnp.float32),
            pltpu.VMEM((_PAGE + 16,), jnp.int32),
            pltpu.VMEM((_NENT,), jnp.float32),
            pltpu.VMEM((_NENT,), jnp.int32),
            pltpu.VMEM((_RING, 64), jnp.float32),
            pltpu.VMEM((_RING, 64), jnp.int32),
            pltpu.VMEM((_XELEM,), jnp.float32),
            pltpu.VMEM((_XELEM,), jnp.int32),
            pltpu.VMEM((_ZCHUNK,), jnp.float32),
            pltpu.VMEM_SHARED((_G,), jnp.float32),
            pltpu.SemaphoreType.DMA,
            pltpu.SemaphoreType.DMA,
        ],
    )
    def k(src_hbm, idx_hbm, out_hbm, sv0, iv0, sv1, iv1, bsl, bil,
          bbv, bbi, xv, xi, zv, acc, sem_in, sem_bb):
        cid = lax.axis_index("c")
        sid = lax.axis_index("s")
        wid = cid * _NS + sid

        @pl.loop(0, _ZCHUNK // 16, unroll=8)
        def _(i):
            zv[pl.ds(i * 16, 16)] = jnp.zeros((16,), jnp.float32)

        pltpu.sync_copy(zv, acc.at[pl.ds(sid * _ZCHUNK, _ZCHUNK)])
        plsc.subcore_barrier()

        base = wid * _EPT
        lanes = lax.iota(jnp.int32, 16)
        last_lane = lanes == 15

        def start_in(p, sv_, iv_):
            e0 = base + p * _PAGE
            pltpu.async_copy(src_hbm.at[pl.ds(e0, _PAGE)],
                             sv_.at[pl.ds(0, _PAGE)], sem_in)
            pltpu.async_copy(idx_hbm.at[pl.ds(e0, _PAGE)],
                             iv_.at[pl.ds(0, _PAGE)], sem_in)

        def wait_in(p, sv_, iv_):
            e0 = base + p * _PAGE
            pltpu.make_async_copy(
                src_hbm.at[pl.ds(e0, _PAGE)],
                sv_.at[pl.ds(0, _PAGE)], sem_in).wait()
            pltpu.make_async_copy(
                idx_hbm.at[pl.ds(e0, _PAGE)],
                iv_.at[pl.ds(0, _PAGE)], sem_in).wait()

        def process_group(sv_, iv_, off, list_off, cnt):
            bidx = off + lanes * _BLK
            gfirst = plsc.load_gather(iv_, [bidx])
            glast = plsc.load_gather(iv_, [bidx + (_BLK - 1)])
            uniform = gfirst == glast

            nacc = 8
            a = [plsc.load_gather(sv_, [bidx + i]) for i in range(nacc)]
            for i in range(nacc, _BLK - (_BLK % nacc), nacc):
                for t in range(nacc):
                    a[t] = a[t] + plsc.load_gather(sv_, [bidx + i + t])
            for t in range(_BLK % nacc):
                a[t] = a[t] + plsc.load_gather(
                    sv_, [bidx + (_BLK - (_BLK % nacc)) + t])
            while len(a) > 1:
                a = [a[2 * t] + a[2 * t + 1] for t in range(len(a) // 2)]
            total = a[0]

            bsl[pl.ds(list_off, 16)] = jnp.where(
                uniform, total, jnp.float32(0.0))
            bil[pl.ds(list_off, 16)] = gfirst

            notuni = jnp.logical_not(uniform)
            nfired = plsc.all_reduce_population_count(notuni)
            nfired = nfired if jnp.ndim(nfired) == 0 else nfired[0]

            @pl.when(nfired > 0)
            def _():
                @pl.loop(0, nfired, init_carry=notuni.astype(jnp.int32))
                def _(f, m):
                    j = plsc.all_reduce_ffs(m != 0)
                    j = j if jnp.ndim(j) == 0 else j[0]
                    fidx = cnt + f
                    slot = lax.rem(fidx, _RING)

                    @pl.when(fidx >= _RING)
                    def _():
                        pltpu.make_async_copy(
                            bbv.at[slot], acc.at[bbi.at[slot]],
                            sem_bb).wait()

                    o = off + j * _BLK
                    for t in range(3):
                        bbv[slot, pl.ds(16 * t, 16)] = (
                            sv_[pl.ds(o + 16 * t, 16)])
                        bbi[slot, pl.ds(16 * t, 16)] = (
                            iv_[pl.ds(o + 16 * t, 16)])
                    bbv[slot, pl.ds(48, 16)] = jnp.where(
                        last_lane, jnp.float32(0.0), sv_[pl.ds(o + 48, 16)])
                    bbi[slot, pl.ds(48, 16)] = jnp.where(
                        last_lane, 0, iv_[pl.ds(o + 48, 16)])
                    pltpu.async_copy(
                        bbv.at[slot], acc.at[bbi.at[slot]], sem_bb,
                        add=True)
                    return m & (lanes != j).astype(jnp.int32)

            return cnt + nfired

        def process_page(p, sv_, iv_, cnt):
            @pl.loop(0, _GPP, init_carry=cnt)
            def gloop(g, cnt):
                return process_group(
                    sv_, iv_, g * _GELEM, (p * _GPP + g) * 16, cnt)

            return gloop

        start_in(0, sv0, iv0)

        @pl.loop(0, _NPAGES // 2, init_carry=jnp.int32(0))
        def pages(q, cnt):
            p0 = 2 * q
            start_in(p0 + 1, sv1, iv1)
            wait_in(p0, sv0, iv0)
            cnt = process_page(p0, sv0, iv0, cnt)

            @pl.when(q + 1 < _NPAGES // 2)
            def _():
                start_in(p0 + 2, sv0, iv0)

            wait_in(p0 + 1, sv1, iv1)
            return process_page(p0 + 1, sv1, iv1, cnt)

        cnt = pages

        @pl.loop(0, _RING)
        def _(i):
            @pl.when(i < jnp.minimum(cnt, _RING))
            def _():
                pltpu.make_async_copy(
                    bbv.at[i], acc.at[bbi.at[i]], sem_bb).wait()

        pltpu.sync_copy(bsl, acc.at[bil], add=True)

        @pl.when(wid < _XTILES)
        def _():
            e = _NW * _EPT + wid * _XELEM
            pltpu.sync_copy(src_hbm.at[pl.ds(e, _XELEM)], xv)
            pltpu.sync_copy(idx_hbm.at[pl.ds(e, _XELEM)], xi)
            pltpu.sync_copy(xv, acc.at[xi], add=True)

        plsc.subcore_barrier()

        @pl.when(sid == 0)
        def _():
            pltpu.sync_copy(acc, out_hbm.at[cid])

    return k(src1, batch1)


def _combine(partials):
    def body(p_ref, o_ref):
        o_ref[...] = p_ref[0, :] + p_ref[1, :]

    return pl.pallas_call(
        body, out_shape=jax.ShapeDtypeStruct((_G,), jnp.float32)
    )(partials)


@jax.jit
def _run(src, batch):
    return _combine(_sc_partials(src.reshape(_N), batch))


def kernel(src, batch, cell_volume):
    del cell_volume
    return _run(src, batch)

# --- scband reference (transcript-rebuilt; emitter-appended) ---
"""Pipeline reference for scband-atom-reduce-81604378624442 (READ-ONLY COPY).

The authoritative reference and input builder live on the scoring server;
editing this copy changes nothing except your own understanding.
"""

import jax, jax.numpy as jnp
import numpy as np

N = 6400000
G = 4096
CONSTANT = 1.0


def setup_inputs(seed: int = 0) -> dict:
    key = jax.random.key(seed)
    k1, k2, k3 = jax.random.split(key, 3)
    src = jax.random.normal(k1, (N, 1), dtype=jnp.float32)
    batch = jnp.sort(jax.random.randint(k2, (N,), 0, G, dtype=jnp.int32))
    cell_volume = jax.random.uniform(k3, (G,), dtype=jnp.float32, minval=0.5, maxval=1.5)
    return {"src": src, "batch": batch, "cell_volume": cell_volume}


def reference(src, batch, cell_volume):
    # AtomReduce forward, batched data, mode='energy'.
    # volume is read but unused in energy mode (kept for faithfulness).
    volume = cell_volume
    size = cell_volume.shape[0]
    # torch: zeros(size, *src.shape[1:]).scatter_reduce_(0, batch.expand_as(src), src, 'sum')
    output = jax.ops.segment_sum(src, batch, num_segments=size)
    # mode == 'energy': squeeze feature dim
    output = jnp.squeeze(output, axis=1)
    return output * CONSTANT

if __name__ == "__main__":
    import jax
    _d = setup_inputs()
    print(jax.jit(kernel)(*tuple(_d.values())))

</pallas_src>

<mosaic_0001>
#map = affine_map<(d0, d1) -> (0)>
#map1 = affine_map<(d0, d1) -> (0, 0)>
module attributes {stable_mosaic.version = 14 : i64} {
  func.func @k(%arg0: i32, %arg1: i32, %arg2: memref<6400000xf32, #tpu.memory_space<hbm>>, %arg3: memref<6400000xi32, #tpu.memory_space<hbm>>, %arg4: memref<2x4096xf32, #tpu.memory_space<hbm>>, %arg5: memref<11104xf32, #tpu.memory_space<vmem>>, %arg6: memref<11104xi32, #tpu.memory_space<vmem>>, %arg7: memref<11104xf32, #tpu.memory_space<vmem>>, %arg8: memref<11104xi32, #tpu.memory_space<vmem>>, %arg9: memref<3168xf32, #tpu.memory_space<vmem>>, %arg10: memref<3168xi32, #tpu.memory_space<vmem>>, %arg11: memref<8x64xf32, #tpu.memory_space<vmem>>, %arg12: memref<8x64xi32, #tpu.memory_space<vmem>>, %arg13: memref<1024xf32, #tpu.memory_space<vmem>>, %arg14: memref<1024xi32, #tpu.memory_space<vmem>>, %arg15: memref<256xf32, #tpu.memory_space<vmem>>, %arg16: memref<4096xf32, #tpu.memory_space<vmem_shared>>, %arg17: memref<!tpu.dma_semaphore, #tpu.memory_space<semaphore_mem>>, %arg18: memref<!tpu.dma_semaphore, #tpu.memory_space<semaphore_mem>>) attributes {dimension_semantics = [#tpu.dimension_semantics<core_parallel>, #tpu.dimension_semantics<subcore_parallel>], iteration_bounds = array<i64: 2, 16>, scalar_prefetch = 0 : i64, scratch_operands = 14 : i64, tpu.core_type = #tpu.core_type<sc_vector_subcore>, window_params = [{transform_indices = #map}, {transform_indices = #map}, {transform_indices = #map1}]} {
    %mul3A = arith.constant 16 : i32
    %mul3A_0 = arith.muli %arg0, %mul3A : i32
    %add3A = arith.addi %mul3A_0, %arg1 : i32
    %scan3A = arith.constant 0 : i32
    %scan3A_1 = arith.constant 16 : i32
    %scan3A_2 = arith.addi %scan3A, %scan3A_1 : i32
    %scan3A_3 = arith.constant 8 : i32
    scf.for %scan3A_44 = %scan3A to %scan3A_2 step %scan3A_3  : i32 {
      %mul3A_45 = arith.constant 1 : i32
      %mul3A_46 = arith.muli %scan3A_44, %mul3A_45 : i32
      %add3A_47 = arith.constant 0 : i32
      %add3A_48 = arith.addi %add3A_47, %mul3A_46 : i32
      %broadcast_in_dim3A = arith.constant 0.000000e+00 : f32
      %broadcast_in_dim3A_49 = vector.broadcast %broadcast_in_dim3A : f32 to vector<16xf32>
      %mul3A_50 = arith.constant 16 : i32
      %mul3A_51 = arith.muli %add3A_48, %mul3A_50 : i32
      %swap3A = arith.index_cast %mul3A_51 : i32 to index
      %swap3A_52 = tpu.vector_load %arg15[%swap3A] {strides = array<i32>} : memref<256xf32, #tpu.memory_space<vmem>>, vector<16xf32>,
      tpu.vector_store %arg15[%swap3A], %broadcast_in_dim3A_49 {strides = array<i32>} : memref<256xf32, #tpu.memory_space<vmem>>, vector<16xf32>,
      %scan3A_53 = arith.constant 1 : i32
      %scan3A_54 = arith.addi %scan3A_44, %scan3A_53 : i32
      %mul3A_55 = arith.constant 1 : i32
      %mul3A_56 = arith.muli %scan3A_54, %mul3A_55 : i32
      %add3A_57 = arith.constant 0 : i32
      %add3A_58 = arith.addi %add3A_57, %mul3A_56 : i32
      %broadcast_in_dim3A_59 = arith.constant 0.000000e+00 : f32
      %broadcast_in_dim3A_60 = vector.broadcast %broadcast_in_dim3A_59 : f32 to vector<16xf32>
      %mul3A_61 = arith.constant 16 : i32
      %mul3A_62 = arith.muli %add3A_58, %mul3A_61 : i32
      %swap3A_63 = arith.index_cast %mul3A_62 : i32 to index
      %swap3A_64 = tpu.vector_load %arg15[%swap3A_63] {strides = array<i32>} : memref<256xf32, #tpu.memory_space<vmem>>, vector<16xf32>,
      tpu.vector_store %arg15[%swap3A_63], %broadcast_in_dim3A_60 {strides = array<i32>} : memref<256xf32, #tpu.memory_space<vmem>>, vector<16xf32>,
      %scan3A_65 = arith.constant 2 : i32
      %scan3A_66 = arith.addi %scan3A_44, %scan3A_65 : i32
      %mul3A_67 = arith.constant 1 : i32
      %mul3A_68 = arith.muli %scan3A_66, %mul3A_67 : i32
      %add3A_69 = arith.constant 0 : i32
      %add3A_70 = arith.addi %add3A_69, %mul3A_68 : i32
      %broadcast_in_dim3A_71 = arith.constant 0.000000e+00 : f32
      %broadcast_in_dim3A_72 = vector.broadcast %broadcast_in_dim3A_71 : f32 to vector<16xf32>
      %mul3A_73 = arith.constant 16 : i32
      %mul3A_74 = arith.muli %add3A_70, %mul3A_73 : i32
      %swap3A_75 = arith.index_cast %mul3A_74 : i32 to index
      %swap3A_76 = tpu.vector_load %arg15[%swap3A_75] {strides = array<i32>} : memref<256xf32, #tpu.memory_space<vmem>>, vector<16xf32>,
      tpu.vector_store %arg15[%swap3A_75], %broadcast_in_dim3A_72 {strides = array<i32>} : memref<256xf32, #tpu.memory_space<vmem>>, vector<16xf32>,
      %scan3A_77 = arith.constant 3 : i32
      %scan3A_78 = arith.addi %scan3A_44, %scan3A_77 : i32
      %mul3A_79 = arith.constant 1 : i32
      %mul3A_80 = arith.muli %scan3A_78, %mul3A_79 : i32
      %add3A_81 = arith.constant 0 : i32
      %add3A_82 = arith.addi %add3A_81, %mul3A_80 : i32
      %broadcast_in_dim3A_83 = arith.constant 0.000000e+00 : f32
      %broadcast_in_dim3A_84 = vector.broadcast %broadcast_in_dim3A_83 : f32 to vector<16xf32>
      %mul3A_85 = arith.constant 16 : i32
      %mul3A_86 = arith.muli %add3A_82, %mul3A_85 : i32
      %swap3A_87 = arith.index_cast %mul3A_86 : i32 to index
      %swap3A_88 = tpu.vector_load %arg15[%swap3A_87] {strides = array<i32>} : memref<256xf32, #tpu.memory_space<vmem>>, vector<16xf32>,
      tpu.vector_store %arg15[%swap3A_87], %broadcast_in_dim3A_84 {strides = array<i32>} : memref<256xf32, #tpu.memory_space<vmem>>, vector<16xf32>,
      %scan3A_89 = arith.constant 4 : i32
      %scan3A_90 = arith.addi %scan3A_44, %scan3A_89 : i32
      %mul3A_91 = arith.constant 1 : i32
      %mul3A_92 = arith.muli %scan3A_90, %mul3A_91 : i32
      %add3A_93 = arith.constant 0 : i32
      %add3A_94 = arith.addi %add3A_93, %mul3A_92 : i32
      %broadcast_in_dim3A_95 = arith.constant 0.000000e+00 : f32
      %broadcast_in_dim3A_96 = vector.broadcast %broadcast_in_dim3A_95 : f32 to vector<16xf32>
      %mul3A_97 = arith.constant 16 : i32
      %mul3A_98 = arith.muli %add3A_94, %mul3A_97 : i32
      %swap3A_99 = arith.index_cast %mul3A_98 : i32 to index
      %swap3A_100 = tpu.vector_load %arg15[%swap3A_99] {strides = array<i32>} : memref<256xf32, #tpu.memory_space<vmem>>, vector<16xf32>,
      tpu.vector_store %arg15[%swap3A_99], %broadcast_in_dim3A_96 {strides = array<i32>} : memref<256xf32, #tpu.memory_space<vmem>>, vector<16xf32>,
      %scan3A_101 = arith.constant 5 : i32
      %scan3A_102 = arith.addi %scan3A_44, %scan3A_101 : i32
      %mul3A_103 = arith.constant 1 : i32
      %mul3A_104 = arith.muli %scan3A_102, %mul3A_103 : i32
      %add3A_105 = arith.constant 0 : i32
      %add3A_106 = arith.addi %add3A_105, %mul3A_104 : i32
      %broadcast_in_dim3A_107 = arith.constant 0.000000e+00 : f32
      %broadcast_in_dim3A_108 = vector.broadcast %broadcast_in_dim3A_107 : f32 to vector<16xf32>
      %mul3A_109 = arith.constant 16 : i32
      %mul3A_110 = arith.muli %add3A_106, %mul3A_109 : i32
      %swap3A_111 = arith.index_cast %mul3A_110 : i32 to index
      %swap3A_112 = tpu.vector_load %arg15[%swap3A_111] {strides = array<i32>} : memref<256xf32, #tpu.memory_space<vmem>>, vector<16xf32>,
      tpu.vector_store %arg15[%swap3A_111], %broadcast_in_dim3A_108 {strides = array<i32>} : memref<256xf32, #tpu.memory_space<vmem>>, vector<16xf32>,
      %scan3A_113 = arith.constant 6 : i32
      %scan3A_114 = arith.addi %scan3A_44, %scan3A_113 : i32
      %mul3A_115 = arith.constant 1 : i32
      %mul3A_116 = arith.muli %scan3A_114, %mul3A_115 : i32
      %add3A_117 = arith.constant 0 : i32
      %add3A_118 = arith.addi %add3A_117, %mul3A_116 : i32
      %broadcast_in_dim3A_119 = arith.constant 0.000000e+00 : f32
      %broadcast_in_dim3A_120 = vector.broadcast %broadcast_in_dim3A_119 : f32 to vector<16xf32>
      %mul3A_121 = arith.constant 16 : i32
      %mul3A_122 = arith.muli %add3A_118, %mul3A_121 : i32
      %swap3A_123 = arith.index_cast %mul3A_122 : i32 to index
      %swap3A_124 = tpu.vector_load %arg15[%swap3A_123] {strides = array<i32>} : memref<256xf32, #tpu.memory_space<vmem>>, vector<16xf32>,
      tpu.vector_store %arg15[%swap3A_123], %broadcast_in_dim3A_120 {strides = array<i32>} : memref<256xf32, #tpu.memory_space<vmem>>, vector<16xf32>,
      %scan3A_125 = arith.constant 7 : i32
      %scan3A_126 = arith.addi %scan3A_44, %scan3A_125 : i32
      %mul3A_127 = arith.constant 1 : i32
      %mul3A_128 = arith.muli %scan3A_126, %mul3A_127 : i32
      %add3A_129 = arith.constant 0 : i32
      %add3A_130 = arith.addi %add3A_129, %mul3A_128 : i32
      %broadcast_in_dim3A_131 = arith.constant 0.000000e+00 : f32
      %broadcast_in_dim3A_132 = vector.broadcast %broadcast_in_dim3A_131 : f32 to vector<16xf32>
      %mul3A_133 = arith.constant 16 : i32
      %mul3A_134 = arith.muli %add3A_130, %mul3A_133 : i32
      %swap3A_135 = arith.index_cast %mul3A_134 : i32 to index
      %swap3A_136 = tpu.vector_load %arg15[%swap3A_135] {strides = array<i32>} : memref<256xf32, #tpu.memory_space<vmem>>, vector<16xf32>,
      tpu.vector_store %arg15[%swap3A_135], %broadcast_in_dim3A_132 {strides = array<i32>} : memref<256xf32, #tpu.memory_space<vmem>>, vector<16xf32>,
    }
    %scan3A_4 = arith.constant 16 : i32
    %mul3A_5 = arith.constant 256 : i32
    %mul3A_6 = arith.muli %arg1, %mul3A_5 : i32
    "tpu.region"() ({
      %run_scoped3A = tpu.sem_alloc : memref<!tpu.dma_semaphore, #tpu.memory_space<semaphore_mem>>
      %dma_start3A_44 = tpu.memref_slice %arg16[%mul3A_6] : memref<4096xf32, #tpu.memory_space<vmem_shared>> -> memref<256xf32, #tpu.memory_space<vmem_shared>>
      %dma_start3A_45 = tpu.memref_slice %arg16[%mul3A_6] : memref<4096xf32, #tpu.memory_space<vmem_shared>> -> memref<256xf32, #tpu.memory_space<vmem_shared>>
      tpu.enqueue_dma source(%arg15 : memref<256xf32, #tpu.memory_space<vmem>>) target(%dma_start3A_45 : memref<256xf32, #tpu.memory_space<vmem_shared>>) target_semaphore(%run_scoped3A : memref<!tpu.dma_semaphore, #tpu.memory_space<semaphore_mem>>)
      %dma_wait3A = tpu.memref_slice %arg16[%mul3A_6] : memref<4096xf32, #tpu.memory_space<vmem_shared>> -> memref<256xf32, #tpu.memory_space<vmem_shared>>
      %dma_wait3A_46 = tpu.memref_slice %arg16[%mul3A_6] : memref<4096xf32, #tpu.memory_space<vmem_shared>> -> memref<256xf32, #tpu.memory_space<vmem_shared>>
      tpu.wait_dma2 semaphore(%run_scoped3A : memref<!tpu.dma_semaphore, #tpu.memory_space<semaphore_mem>>) src(%arg15 : memref<256xf32, #tpu.memory_space<vmem>>) dst(%dma_wait3A_46 : memref<256xf32, #tpu.memory_space<vmem_shared>>)
      tpu.yield
    }) : () -> ()
    %barrier3A = arith.constant 0 : index
    tpu.barrier barrier_id(%barrier3A)
    %mul3A_7 = arith.constant 199584 : i32
    %mul3A_8 = arith.muli %add3A, %mul3A_7 : i32
    %iota3A = tpu.iota {dimensions = array<i32: 0>} : vector<16xi32>
    %eq3A = arith.constant 15 : i32
    %eq3A_9 = vector.broadcast %eq3A : i32 to vector<16xi32>
    %eq3A_10 = arith.cmpi eq, %iota3A, %eq3A_9 : vector<16xi32>
    %add3A_11 = arith.constant 0 : i32
    %add3A_12 = arith.addi %mul3A_8, %add3A_11 : i32
    %dma_start3A = arith.constant 0 : i32
    %dma_start3A_13 = tpu.memref_slice %arg5[%dma_start3A] : memref<11104xf32, #tpu.memory_space<vmem>> -> memref<11088xf32, #tpu.memory_space<vmem>>
    %dma_start3A_14 = tpu.memref_slice %arg2[%add3A_12] : memref<6400000xf32, #tpu.memory_space<hbm>> -> memref<11088xf32, #tpu.memory_space<hbm>>
    %dma_start3A_15 = arith.constant 0 : i32
    %dma_start3A_16 = tpu.memref_slice %arg5[%dma_start3A_15] : memref<11104xf32, #tpu.memory_space<vmem>> -> memref<11088xf32, #tpu.memory_space<vmem>>
    %dma_start3A_17 = tpu.memref_slice %arg2[%add3A_12] : memref<6400000xf32, #tpu.memory_space<hbm>> -> memref<11088xf32, #tpu.memory_space<hbm>>
    tpu.enqueue_dma source(%dma_start3A_17 : memref<11088xf32, #tpu.memory_space<hbm>>) target(%dma_start3A_16 : memref<11088xf32, #tpu.memory_space<vmem>>) target_semaphore(%arg17 : memref<!tpu.dma_semaphore, #tpu.memory_space<semaphore_mem>>)
    %dma_start3A_18 = arith.constant 0 : i32
    %dma_start3A_19 = tpu.memref_slice %arg6[%dma_start3A_18] : memref<11104xi32, #tpu.memory_space<vmem>> -> memref<11088xi32, #tpu.memory_space<vmem>>
    %dma_start3A_20 = tpu.memref_slice %arg3[%add3A_12] : memref<6400000xi32, #tpu.memory_space<hbm>> -> memref<11088xi32, #tpu.memory_space<hbm>>
    %dma_start3A_21 = arith.constant 0 : i32
    %dma_start3A_22 = tpu.memref_slice %arg6[%dma_start3A_21] : memref<11104xi32, #tpu.memory_space<vmem>> -> memref<11088xi32, #tpu.memory_space<vmem>>
    %dma_start3A_23 = tpu.memref_slice %arg3[%add3A_12] : memref<6400000xi32, #tpu.memory_space<hbm>> -> memref<11088xi32, #tpu.memory_space<hbm>>
    tpu.enqueue_dma source(%dma_start3A_23 : memref<11088xi32, #tpu.memory_space<hbm>>) target(%dma_start3A_22 : memref<11088xi32, #tpu.memory_space<vmem>>) target_semaphore(%arg17 : memref<!tpu.dma_semaphore, #tpu.memory_space<semaphore_mem>>)
    %scan3A_24 = arith.constant 0 : i32
    %scan3A_25 = arith.constant 0 : i32
    %scan3A_26 = arith.constant 9 : i32
    %scan3A_27 = arith.addi %scan3A_25, %scan3A_26 : i32
    %scan3A_28 = arith.constant 1 : i32
    %scan3A_29 = scf.for %scan3A_44 = %scan3A_25 to %scan3A_27 step %scan3A_28 iter_args(%scan3A_45 = %scan3A_24) -> (i32)  : i32 {
      %mul3A_46 = arith.constant 1 : i32
      %mul3A_47 = arith.muli %scan3A_44, %mul3A_46 : i32
      %add3A_48 = arith.constant 0 : i32
      %add3A_49 = arith.addi %add3A_48, %mul3A_47 : i32
      %mul3A_50 = arith.constant 2 : i32
      %mul3A_51 = arith.muli %mul3A_50, %add3A_49 : i32
      %add3A_52 = arith.constant 1 : i32
      %add3A_53 = arith.addi %mul3A_51, %add3A_52 : i32
      %mul3A_54 = arith.constant 11088 : i32
      %mul3A_55 = arith.muli %add3A_53, %mul3A_54 : i32
      %add3A_56 = arith.addi %mul3A_8, %mul3A_55 : i32
      %dma_start3A_57 = arith.constant 0 : i32
      %dma_start3A_58 = tpu.memref_slice %arg7[%dma_start3A_57] : memref<11104xf32, #tpu.memory_space<vmem>> -> memref<11088xf32, #tpu.memory_space<vmem>>
      %dma_start3A_59 = tpu.memref_slice %arg2[%add3A_56] : memref<6400000xf32, #tpu.memory_space<hbm>> -> memref<11088xf32, #tpu.memory_space<hbm>>
      %dma_start3A_60 = arith.constant 0 : i32
      %dma_start3A_61 = tpu.memref_slice %arg7[%dma_start3A_60] : memref<11104xf32, #tpu.memory_space<vmem>> -> memref<11088xf32, #tpu.memory_space<vmem>>
      %dma_start3A_62 = tpu.memref_slice %arg2[%add3A_56] : memref<6400000xf32, #tpu.memory_space<hbm>> -> memref<11088xf32, #tpu.memory_space<hbm>>
      tpu.enqueue_dma source(%dma_start3A_62 : memref<11088xf32, #tpu.memory_space<hbm>>) target(%dma_start3A_61 : memref<11088xf32, #tpu.memory_space<vmem>>) target_semaphore(%arg17 : memref<!tpu.dma_semaphore, #tpu.memory_space<semaphore_mem>>)
      %dma_start3A_63 = arith.constant 0 : i32
      %dma_start3A_64 = tpu.memref_slice %arg8[%dma_start3A_63] : memref<11104xi32, #tpu.memory_space<vmem>> -> memref<11088xi32, #tpu.memory_space<vmem>>
      %dma_start3A_65 = tpu.memref_slice %arg3[%add3A_56] : memref<6400000xi32, #tpu.memory_space<hbm>> -> memref<11088xi32, #tpu.memory_space<hbm>>
      %dma_start3A_66 = arith.constant 0 : i32
      %dma_start3A_67 = tpu.memref_slice %arg8[%dma_start3A_66] : memref<11104xi32, #tpu.memory_space<vmem>> -> memref<11088xi32, #tpu.memory_space<vmem>>
      %dma_start3A_68 = tpu.memref_slice %arg3[%add3A_56] : memref<6400000xi32, #tpu.memory_space<hbm>> -> memref<11088xi32, #tpu.memory_space<hbm>>
      tpu.enqueue_dma source(%dma_start3A_68 : memref<11088xi32, #tpu.memory_space<hbm>>) target(%dma_start3A_67 : memref<11088xi32, #tpu.memory_space<vmem>>) target_semaphore(%arg17 : memref<!tpu.dma_semaphore, #tpu.memory_space<semaphore_mem>>)
      %mul3A_69 = arith.constant 11088 : i32
      %mul3A_70 = arith.muli %mul3A_51, %mul3A_69 : i32
      %add3A_71 = arith.addi %mul3A_8, %mul3A_70 : i32
      %dma_wait3A = arith.constant 0 : i32
      %dma_wait3A_72 = tpu.memref_slice %arg5[%dma_wait3A] : memref<11104xf32, #tpu.memory_space<vmem>> -> memref<11088xf32, #tpu.memory_space<vmem>>
      %dma_wait3A_73 = tpu.memref_slice %arg2[%add3A_71] : memref<6400000xf32, #tpu.memory_space<hbm>> -> memref<11088xf32, #tpu.memory_space<hbm>>
      %dma_wait3A_74 = arith.constant 0 : i32
      %dma_wait3A_75 = tpu.memref_slice %arg5[%dma_wait3A_74] : memref<11104xf32, #tpu.memory_space<vmem>> -> memref<11088xf32, #tpu.memory_space<vmem>>
      %dma_wait3A_76 = tpu.memref_slice %arg2[%add3A_71] : memref<6400000xf32, #tpu.memory_space<hbm>> -> memref<11088xf32, #tpu.memory_space<hbm>>
      tpu.wait_dma2 semaphore(%arg17 : memref<!tpu.dma_semaphore, #tpu.memory_space<semaphore_mem>>) src(%dma_wait3A_76 : memref<11088xf32, #tpu.memory_space<hbm>>) dst(%dma_wait3A_75 : memref<11088xf32, #tpu.memory_space<vmem>>)
      %dma_wait3A_77 = arith.constant 0 : i32
      %dma_wait3A_78 = tpu.memref_slice %arg6[%dma_wait3A_77] : memref<11104xi32, #tpu.memory_space<vmem>> -> memref<11088xi32, #tpu.memory_space<vmem>>
      %dma_wait3A_79 = tpu.memref_slice %arg3[%add3A_71] : memref<6400000xi32, #tpu.memory_space<hbm>> -> memref<11088xi32, #tpu.memory_space<hbm>>
      %dma_wait3A_80 = arith.constant 0 : i32
      %dma_wait3A_81 = tpu.memref_slice %arg6[%dma_wait3A_80] : memref<11104xi32, #tpu.memory_space<vmem>> -> memref<11088xi32, #tpu.memory_space<vmem>>
      %dma_wait3A_82 = tpu.memref_slice %arg3[%add3A_71] : memref<6400000xi32, #tpu.memory_space<hbm>> -> memref<11088xi32, #tpu.memory_space<hbm>>
      tpu.wait_dma2 semaphore(%arg17 : memref<!tpu.dma_semaphore, #tpu.memory_space<semaphore_mem>>) src(%dma_wait3A_82 : memref<11088xi32, #tpu.memory_space<hbm>>) dst(%dma_wait3A_81 : memref<11088xi32, #tpu.memory_space<vmem>>)
      %scan3A_83 = arith.constant 0 : i32
      %scan3A_84 = arith.constant 11 : i32
      %scan3A_85 = arith.addi %scan3A_83, %scan3A_84 : i32
      %scan3A_86 = arith.constant 1 : i32
      %scan3A_87 = scf.for %scan3A_121 = %scan3A_83 to %scan3A_85 step %scan3A_86 iter_args(%scan3A_122 = %scan3A_45) -> (i32)  : i32 {
        %mul3A_123 = arith.constant 1 : i32
        %mul3A_124 = arith.muli %scan3A_121, %mul3A_123 : i32
        %add3A_125 = arith.constant 0 : i32
        %add3A_126 = arith.addi %add3A_125, %mul3A_124 : i32
        %mul3A_127 = arith.constant 1008 : i32
        %mul3A_128 = arith.muli %add3A_126, %mul3A_127 : i32
        %mul3A_129 = arith.constant 11 : i32
        %mul3A_130 = arith.muli %mul3A_51, %mul3A_129 : i32
        %add3A_131 = arith.addi %mul3A_130, %add3A_126 : i32
        %mul3A_132 = arith.constant 16 : i32
        %mul3A_133 = arith.muli %add3A_131, %mul3A_132 : i32
        %mul3A_134 = arith.constant 63 : i32
        %mul3A_135 = vector.broadcast %mul3A_134 : i32 to vector<16xi32>
        %mul3A_136 = arith.muli %iota3A, %mul3A_135 : vector<16xi32>
        %add3A_137 = vector.broadcast %mul3A_128 : i32 to vector<16xi32>
        %add3A_138 = arith.addi %add3A_137, %mul3A_136 : vector<16xi32>
        %gather3A = tpu.vector_load_idx %arg6[%add3A_138] : memref<11104xi32, #tpu.memory_space<vmem>>[vector<16xi32>], vector<16xi32>,
        %add3A_139 = arith.constant 62 : i32
        %add3A_140 = vector.broadcast %add3A_139 : i32 to vector<16xi32>
        %add3A_141 = arith.addi %add3A_138, %add3A_140 : vector<16xi32>
        %gather3A_142 = tpu.vector_load_idx %arg6[%add3A_141] : memref<11104xi32, #tpu.memory_space<vmem>>[vector<16xi32>], vector<16xi32>,
        %eq3A_143 = arith.cmpi eq, %gather3A, %gather3A_142 : vector<16xi32>
        %add3A_144 = arith.constant 0 : i32
        %add3A_145 = vector.broadcast %add3A_144 : i32 to vector<16xi32>
        %add3A_146 = arith.addi %add3A_138, %add3A_145 : vector<16xi32>
        %gather3A_147 = tpu.vector_load_idx %arg5[%add3A_146] : memref<11104xf32, #tpu.memory_space<vmem>>[vector<16xi32>], vector<16xf32>,
        %add3A_148 = arith.constant 1 : i32
        %add3A_149 = vector.broadcast %add3A_148 : i32 to vector<16xi32>
        %add3A_150 = arith.addi %add3A_138, %add3A_149 : vector<16xi32>
        %gather3A_151 = tpu.vector_load_idx %arg5[%add3A_150] : memref<11104xf32, #tpu.memory_space<vmem>>[vector<16xi32>], vector<16xf32>,
        %add3A_152 = arith.constant 2 : i32
        %add3A_153 = vector.broadcast %add3A_152 : i32 to vector<16xi32>
        %add3A_154 = arith.addi %add3A_138, %add3A_153 : vector<16xi32>
        %gather3A_155 = tpu.vector_load_idx %arg5[%add3A_154] : memref<11104xf32, #tpu.memory_space<vmem>>[vector<16xi32>], vector<16xf32>,
        %add3A_156 = arith.constant 3 : i32
        %add3A_157 = vector.broadcast %add3A_156 : i32 to vector<16xi32>
        %add3A_158 = arith.addi %add3A_138, %add3A_157 : vector<16xi32>
        %gather3A_159 = tpu.vector_load_idx %arg5[%add3A_158] : memref<11104xf32, #tpu.memory_space<vmem>>[vector<16xi32>], vector<16xf32>,
        %add3A_160 = arith.constant 4 : i32
        %add3A_161 = vector.broadcast %add3A_160 : i32 to vector<16xi32>
        %add3A_162 = arith.addi %add3A_138, %add3A_161 : vector<16xi32>
        %gather3A_163 = tpu.vector_load_idx %arg5[%add3A_162] : memref<11104xf32, #tpu.memory_space<vmem>>[vector<16xi32>], vector<16xf32>,
        %add3A_164 = arith.constant 5 : i32
        %add3A_165 = vector.broadcast %add3A_164 : i32 to vector<16xi32>
        %add3A_166 = arith.addi %add3A_138, %add3A_165 : vector<16xi32>
        %gather3A_167 = tpu.vector_load_idx %arg5[%add3A_166] : memref<11104xf32, #tpu.memory_space<vmem>>[vector<16xi32>], vector<16xf32>,
        %add3A_168 = arith.constant 6 : i32
        %add3A_169 = vector.broadcast %add3A_168 : i32 to vector<16xi32>
        %add3A_170 = arith.addi %add3A_138, %add3A_169 : vector<16xi32>
        %gather3A_171 = tpu.vector_load_idx %arg5[%add3A_170] : memref<11104xf32, #tpu.memory_space<vmem>>[vector<16xi32>], vector<16xf32>,
        %add3A_172 = arith.constant 7 : i32
        %add3A_173 = vector.broadcast %add3A_172 : i32 to vector<16xi32>
        %add3A_174 = arith.addi %add3A_138, %add3A_173 : vector<16xi32>
        %gather3A_175 = tpu.vector_load_idx %arg5[%add3A_174] : memref<11104xf32, #tpu.memory_space<vmem>>[vector<16xi32>], vector<16xf32>,
        %add3A_176 = arith.constant 8 : i32
        %add3A_177 = vector.broadcast %add3A_176 : i32 to vector<16xi32>
        %add3A_178 = arith.addi %add3A_138, %add3A_177 : vector<16xi32>
        %add3A_179 = arith.constant 0 : i32
        %add3A_180 = vector.broadcast %add3A_179 : i32 to vector<16xi32>
        %add3A_181 = arith.addi %add3A_178, %add3A_180 : vector<16xi32>
        %gather3A_182 = tpu.vector_load_idx %arg5[%add3A_181] : memref<11104xf32, #tpu.memory_space<vmem>>[vector<16xi32>], vector<16xf32>,
        %add3A_183 = arith.addf %gather3A_147, %gather3A_182 : vector<16xf32>
        %add3A_184 = arith.constant 8 : i32
        %add3A_185 = vector.broadcast %add3A_184 : i32 to vector<16xi32>
        %add3A_186 = arith.addi %add3A_138, %add3A_185 : vector<16xi32>
        %add3A_187 = arith.constant 1 : i32
        %add3A_188 = vector.broadcast %add3A_187 : i32 to vector<16xi32>
        %add3A_189 = arith.addi %add3A_186, %add3A_188 : vector<16xi32>
        %gather3A_190 = tpu.vector_load_idx %arg5[%add3A_189] : memref<11104xf32, #tpu.memory_space<vmem>>[vector<16xi32>], vector<16xf32>,
        %add3A_191 = arith.addf %gather3A_151, %gather3A_190 : vector<16xf32>
        %add3A_192 = arith.constant 8 : i32
        %add3A_193 = vector.broadcast %add3A_192 : i32 to vector<16xi32>
        %add3A_194 = arith.addi %add3A_138, %add3A_193 : vector<16xi32>
        %add3A_195 = arith.constant 2 : i32
        %add3A_196 = vector.broadcast %add3A_195 : i32 to vector<16xi32>
        %add3A_197 = arith.addi %add3A_194, %add3A_196 : vector<16xi32>
        %gather3A_198 = tpu.vector_load_idx %arg5[%add3A_197] : memref<11104xf32, #tpu.memory_space<vmem>>[vector<16xi32>], vector<16xf32>,
        %add3A_199 = arith.addf %gather3A_155, %gather3A_198 : vector<16xf32>
        %add3A_200 = arith.constant 8 : i32
        %add3A_201 = vector.broadcast %add3A_200 : i32 to vector<16xi32>
        %add3A_202 = arith.addi %add3A_138, %add3A_201 : vector<16xi32>
        %add3A_203 = arith.constant 3 : i32
        %add3A_204 = vector.broadcast %add3A_203 : i32 to vector<16xi32>
        %add3A_205 = arith.addi %add3A_202, %add3A_204 : vector<16xi32>
        %gather3A_206 = tpu.vector_load_idx %arg5[%add3A_205] : memref<11104xf32, #tpu.memory_space<vmem>>[vector<16xi32>], vector<16xf32>,
        %add3A_207 = arith.addf %gather3A_159, %gather3A_206 : vector<16xf32>
        %add3A_208 = arith.constant 8 : i32
        %add3A_209 = vector.broadcast %add3A_208 : i32 to vector<16xi32>
        %add3A_210 = arith.addi %add3A_138, %add3A_209 : vector<16xi32>
        %add3A_211 = arith.constant 4 : i32
        %add3A_212 = vector.broadcast %add3A_211 : i32 to vector<16xi32>
        %add3A_213 = arith.addi %add3A_210, %add3A_212 : vector<16xi32>
        %gather3A_214 = tpu.vector_load_idx %arg5[%add3A_213] : memref<11104xf32, #tpu.memory_space<vmem>>[vector<16xi32>], vector<16xf32>,
        %add3A_215 = arith.addf %gather3A_163, %gather3A_214 : vector<16xf32>
        %add3A_216 = arith.constant 8 : i32
        %add3A_217 = vector.broadcast %add3A_216 : i32 to vector<16xi32>
        %add3A_218 = arith.addi %add3A_138, %add3A_217 : vector<16xi32>
        %add3A_219 = arith.constant 5 : i32
        %add3A_220 = vector.broadcast %add3A_219 : i32 to vector<16xi32>
        %add3A_221 = arith.addi %add3A_218, %add3A_220 : vector<16xi32>
        %gather3A_222 = tpu.vector_load_idx %arg5[%add3A_221] : memref<11104xf32, #tpu.memory_space<vmem>>[vector<16xi32>], vector<16xf32>,
        %add3A_223 = arith.addf %gather3A_167, %gather3A_222 : vector<16xf32>
        %add3A_224 = arith.constant 8 : i32
        %add3A_225 = vector.broadcast %add3A_224 : i32 to vector<16xi32>
        %add3A_226 = arith.addi %add3A_138, %add3A_225 : vector<16xi32>
        %add3A_227 = arith.constant 6 : i32
        %add3A_228 = vector.broadcast %add3A_227 : i32 to vector<16xi32>
        %add3A_229 = arith.addi %add3A_226, %add3A_228 : vector<16xi32>
        %gather3A_230 = tpu.vector_load_idx %arg5[%add3A_229] : memref<11104xf32, #tpu.memory_space<vmem>>[vector<16xi32>], vector<16xf32>,
        %add3A_231 = arith.addf %gather3A_171, %gather3A_230 : vector<16xf32>
        %add3A_232 = arith.constant 8 : i32
        %add3A_233 = vector.broadcast %add3A_232 : i32 to vector<16xi32>
        %add3A_234 = arith.addi %add3A_138, %add3A_233 : vector<16xi32>
        %add3A_235 = arith.constant 7 : i32
        %add3A_236 = vector.broadcast %add3A_235 : i32 to vector<16xi32>
        %add3A_237 = arith.addi %add3A_234, %add3A_236 : vector<16xi32>
        %gather3A_238 = tpu.vector_load_idx %arg5[%add3A_237] : memref<11104xf32, #tpu.memory_space<vmem>>[vector<16xi32>], vector<16xf32>,
        %add3A_239 = arith.addf %gather3A_175, %gather3A_238 : vector<16xf32>
        %add3A_240 = arith.constant 16 : i32
        %add3A_241 = vector.broadcast %add3A_240 : i32 to vector<16xi32>
        %add3A_242 = arith.addi %add3A_138, %add3A_241 : vector<16xi32>
        %add3A_243 = arith.constant 0 : i32
        %add3A_244 = vector.broadcast %add3A_243 : i32 to vector<16xi32>
        %add3A_245 = arith.addi %add3A_242, %add3A_244 : vector<16xi32>
        %gather3A_246 = tpu.vector_load_idx %arg5[%add3A_245] : memref<11104xf32, #tpu.memory_space<vmem>>[vector<16xi32>], vector<16xf32>,
        %add3A_247 = arith.addf %add3A_183, %gather3A_246 : vector<16xf32>
        %add3A_248 = arith.constant 16 : i32
        %add3A_249 = vector.broadcast %add3A_248 : i32 to vector<16xi32>
        %add3A_250 = arith.addi %add3A_138, %add3A_249 : vector<16xi32>
        %add3A_251 = arith.constant 1 : i32
        %add3A_252 = vector.broadcast %add3A_251 : i32 to vector<16xi32>
        %add3A_253 = arith.addi %add3A_250, %add3A_252 : vector<16xi32>
        %gather3A_254 = tpu.vector_load_idx %arg5[%add3A_253] : memref<11104xf32, #tpu.memory_space<vmem>>[vector<16xi32>], vector<16xf32>,
        %add3A_255 = arith.addf %add3A_191, %gather3A_254 : vector<16xf32>
        %add3A_256 = arith.constant 16 : i32
        %add3A_257 = vector.broadcast %add3A_256 : i32 to vector<16xi32>
        %add3A_258 = arith.addi %add3A_138, %add3A_257 : vector<16xi32>
        %add3A_259 = arith.constant 2 : i32
        %add3A_260 = vector.broadcast %add3A_259 : i32 to vector<16xi32>
        %add3A_261 = arith.addi %add3A_258, %add3A_260 : vector<16xi32>
        %gather3A_262 = tpu.vector_load_idx %arg5[%add3A_261] : memref<11104xf32, #tpu.memory_space<vmem>>[vector<16xi32>], vector<16xf32>,
        %add3A_263 = arith.addf %add3A_199, %gather3A_262 : vector<16xf32>
        %add3A_264 = arith.constant 16 : i32
        %add3A_265 = vector.broadcast %add3A_264 : i32 to vector<16xi32>
        %add3A_266 = arith.addi %add3A_138, %add3A_265 : vector<16xi32>
        %add3A_267 = arith.constant 3 : i32
        %add3A_268 = vector.broadcast %add3A_267 : i32 to vector<16xi32>
        %add3A_269 = arith.addi %add3A_266, %add3A_268 : vector<16xi32>
        %gather3A_270 = tpu.vector_load_idx %arg5[%add3A_269] : memref<11104xf32, #tpu.memory_space<vmem>>[vector<16xi32>], vector<16xf32>,
        %add3A_271 = arith.addf %add3A_207, %gather3A_270 : vector<16xf32>
        %add3A_272 = arith.constant 16 : i32
        %add3A_273 = vector.broadcast %add3A_272 : i32 to vector<16xi32>
        %add3A_274 = arith.addi %add3A_138, %add3A_273 : vector<16xi32>
        %add3A_275 = arith.constant 4 : i32
        %add3A_276 = vector.broadcast %add3A_275 : i32 to vector<16xi32>
        %add3A_277 = arith.addi %add3A_274, %add3A_276 : vector<16xi32>
        %gather3A_278 = tpu.vector_load_idx %arg5[%add3A_277] : memref<11104xf32, #tpu.memory_space<vmem>>[vector<16xi32>], vector<16xf32>,
        %add3A_279 = arith.addf %add3A_215, %gather3A_278 : vector<16xf32>
        %add3A_280 = arith.constant 16 : i32
        %add3A_281 = vector.broadcast %add3A_280 : i32 to vector<16xi32>
        %add3A_282 = arith.addi %add3A_138, %add3A_281 : vector<16xi32>
        %add3A_283 = arith.constant 5 : i32
        %add3A_284 = vector.broadcast %add3A_283 : i32 to vector<16xi32>
        %add3A_285 = arith.addi %add3A_282, %add3A_284 : vector<16xi32>
        %gather3A_286 = tpu.vector_load_idx %arg5[%add3A_285] : memref<11104xf32, #tpu.memory_space<vmem>>[vector<16xi32>], vector<16xf32>,
        %add3A_287 = arith.addf %add3A_223, %gather3A_286 : vector<16xf32>
        %add3A_288 = arith.constant 16 : i32
        %add3A_289 = vector.broadcast %add3A_288 : i32 to vector<16xi32>
        %add3A_290 = arith.addi %add3A_138, %add3A_289 : vector<16xi32>
        %add3A_291 = arith.constant 6 : i32
        %add3A_292 = vector.broadcast %add3A_291 : i32 to vector<16xi32>
        %add3A_293 = arith.addi %add3A_290, %add3A_292 : vector<16xi32>
        %gather3A_294 = tpu.vector_load_idx %arg5[%add3A_293] : memref<11104xf32, #tpu.memory_space<vmem>>[vector<16xi32>], vector<16xf32>,
        %add3A_295 = arith.addf %add3A_231, %gather3A_294 : vector<16xf32>
        %add3A_296 = arith.constant 16 : i32
        %add3A_297 = vector.broadcast %add3A_296 : i32 to vector<16xi32>
        %add3A_298 = arith.addi %add3A_138, %add3A_297 : vector<16xi32>
        %add3A_299 = arith.constant 7 : i32
        %add3A_300 = vector.broadcast %add3A_299 : i32 to vector<16xi32>
        %add3A_301 = arith.addi %add3A_298, %add3A_300 : vector<16xi32>
        %gather3A_302 = tpu.vector_load_idx %arg5[%add3A_301] : memref<11104xf32, #tpu.memory_space<vmem>>[vector<16xi32>], vector<16xf32>,
        %add3A_303 = arith.addf %add3A_239, %gather3A_302 : vector<16xf32>
        %add3A_304 = arith.constant 24 : i32
        %add3A_305 = vector.broadcast %add3A_304 : i32 to vector<16xi32>
        %add3A_306 = arith.addi %add3A_138, %add3A_305 : vector<16xi32>
        %add3A_307 = arith.constant 0 : i32
        %add3A_308 = vector.broadcast %add3A_307 : i32 to vector<16xi32>
        %add3A_309 = arith.addi %add3A_306, %add3A_308 : vector<16xi32>
        %gather3A_310 = tpu.vector_load_idx %arg5[%add3A_309] : memref<11104xf32, #tpu.memory_space<vmem>>[vector<16xi32>], vector<16xf32>,
        %add3A_311 = arith.addf %add3A_247, %gather3A_310 : vector<16xf32>
        %add3A_312 = arith.constant 24 : i32
        %add3A_313 = vector.broadcast %add3A_312 : i32 to vector<16xi32>
        %add3A_314 = arith.addi %add3A_138, %add3A_313 : vector<16xi32>
        %add3A_315 = arith.constant 1 : i32
        %add3A_316 = vector.broadcast %add3A_315 : i32 to vector<16xi32>
        %add3A_317 = arith.addi %add3A_314, %add3A_316 : vector<16xi32>
        %gather3A_318 = tpu.vector_load_idx %arg5[%add3A_317] : memref<11104xf32, #tpu.memory_space<vmem>>[vector<16xi32>], vector<16xf32>,
        %add3A_319 = arith.addf %add3A_255, %gather3A_318 : vector<16xf32>
        %add3A_320 = arith.constant 24 : i32
        %add3A_321 = vector.broadcast %add3A_320 : i32 to vector<16xi32>
        %add3A_322 = arith.addi %add3A_138, %add3A_321 : vector<16xi32>
        %add3A_323 = arith.constant 2 : i32
        %add3A_324 = vector.broadcast %add3A_323 : i32 to vector<16xi32>
        %add3A_325 = arith.addi %add3A_322, %add3A_324 : vector<16xi32>
        %gather3A_326 = tpu.vector_load_idx %arg5[%add3A_325] : memref<11104xf32, #tpu.memory_space<vmem>>[vector<16xi32>], vector<16xf32>,
        %add3A_327 = arith.addf %add3A_263, %gather3A_326 : vector<16xf32>
        %add3A_328 = arith.constant 24 : i32
        %add3A_329 = vector.broadcast %add3A_328 : i32 to vector<16xi32>
        %add3A_330 = arith.addi %add3A_138, %add3A_329 : vector<16xi32>
        %add3A_331 = arith.constant 3 : i32
        %add3A_332 = vector.broadcast %add3A_331 : i32 to vector<16xi32>
        %add3A_333 = arith.addi %add3A_330, %add3A_332 : vector<16xi32>
        %gather3A_334 = tpu.vector_load_idx %arg5[%add3A_333] : memref<11104xf32, #tpu.memory_space<vmem>>[vector<16xi32>], vector<16xf32>,
        %add3A_335 = arith.addf %add3A_271, %gather3A_334 : vector<16xf32>
        %add3A_336 = arith.constant 24 : i32
        %add3A_337 = vector.broadcast %add3A_336 : i32 to vector<16xi32>
        %add3A_338 = arith.addi %add3A_138, %add3A_337 : vector<16xi32>
        %add3A_339 = arith.constant 4 : i32
        %add3A_340 = vector.broadcast %add3A_339 : i32 to vector<16xi32>
        %add3A_341 = arith.addi %add3A_338, %add3A_340 : vector<16xi32>
        %gather3A_342 = tpu.vector_load_idx %arg5[%add3A_341] : memref<11104xf32, #tpu.memory_space<vmem>>[vector<16xi32>], vector<16xf32>,
        %add3A_343 = arith.addf %add3A_279, %gather3A_342 : vector<16xf32>
        %add3A_344 = arith.constant 24 : i32
        %add3A_345 = vector.broadcast %add3A_344 : i32 to vector<16xi32>
        %add3A_346 = arith.addi %add3A_138, %add3A_345 : vector<16xi32>
        %add3A_347 = arith.constant 5 : i32
        %add3A_348 = vector.broadcast %add3A_347 : i32 to vector<16xi32>
        %add3A_349 = arith.addi %add3A_346, %add3A_348 : vector<16xi32>
        %gather3A_350 = tpu.vector_load_idx %arg5[%add3A_349] : memref<11104xf32, #tpu.memory_space<vmem>>[vector<16xi32>], vector<16xf32>,
        %add3A_351 = arith.addf %add3A_287, %gather3A_350 : vector<16xf32>
        %add3A_352 = arith.constant 24 : i32
        %add3A_353 = vector.broadcast %add3A_352 : i32 to vector<16xi32>
        %add3A_354 = arith.addi %add3A_138, %add3A_353 : vector<16xi32>
        %add3A_355 = arith.constant 6 : i32
        %add3A_356 = vector.broadcast %add3A_355 : i32 to vector<16xi32>
        %add3A_357 = arith.addi %add3A_354, %add3A_356 : vector<16xi32>
        %gather3A_358 = tpu.vector_load_idx %arg5[%add3A_357] : memref<11104xf32, #tpu.memory_space<vmem>>[vector<16xi32>], vector<16xf32>,
        %add3A_359 = arith.addf %add3A_295, %gather3A_358 : vector<16xf32>
        %add3A_360 = arith.constant 24 : i32
        %add3A_361 = vector.broadcast %add3A_360 : i32 to vector<16xi32>
        %add3A_362 = arith.addi %add3A_138, %add3A_361 : vector<16xi32>
        %add3A_363 = arith.constant 7 : i32
        %add3A_364 = vector.broadcast %add3A_363 : i32 to vector<16xi32>
        %add3A_365 = arith.addi %add3A_362, %add3A_364 : vector<16xi32>
        %gather3A_366 = tpu.vector_load_idx %arg5[%add3A_365] : memref<11104xf32, #tpu.memory_space<vmem>>[vector<16xi32>], vector<16xf32>,
        %add3A_367 = arith.addf %add3A_303, %gather3A_366 : vector<16xf32>
        %add3A_368 = arith.constant 32 : i32
        %add3A_369 = vector.broadcast %add3A_368 : i32 to vector<16xi32>
        %add3A_370 = arith.addi %add3A_138, %add3A_369 : vector<16xi32>
        %add3A_371 = arith.constant 0 : i32
        %add3A_372 = vector.broadcast %add3A_371 : i32 to vector<16xi32>
        %add3A_373 = arith.addi %add3A_370, %add3A_372 : vector<16xi32>
        %gather3A_374 = tpu.vector_load_idx %arg5[%add3A_373] : memref<11104xf32, #tpu.memory_space<vmem>>[vector<16xi32>], vector<16xf32>,
        %add3A_375 = arith.addf %add3A_311, %gather3A_374 : vector<16xf32>
        %add3A_376 = arith.constant 32 : i32
        %add3A_377 = vector.broadcast %add3A_376 : i32 to vector<16xi32>
        %add3A_378 = arith.addi %add3A_138, %add3A_377 : vector<16xi32>
        %add3A_379 = arith.constant 1 : i32
        %add3A_380 = vector.broadcast %add3A_379 : i32 to vector<16xi32>
        %add3A_381 = arith.addi %add3A_378, %add3A_380 : vector<16xi32>
        %gather3A_382 = tpu.vector_load_idx %arg5[%add3A_381] : memref<11104xf32, #tpu.memory_space<vmem>>[vector<16xi32>], vector<16xf32>,
        %add3A_383 = arith.addf %add3A_319, %gather3A_382 : vector<16xf32>
        %add3A_384 = arith.constant 32 : i32
        %add3A_385 = vector.broadcast %add3A_384 : i32 to vector<16xi32>
        %add3A_386 = arith.addi %add3A_138, %add3A_385 : vector<16xi32>
        %add3A_387 = arith.constant 2 : i32
        %add3A_388 = vector.broadcast %add3A_387 : i32 to vector<16xi32>
        %add3A_389 = arith.addi %add3A_386, %add3A_388 : vector<16xi32>
        %gather3A_390 = tpu.vector_load_idx %arg5[%add3A_389] : memref<11104xf32, #tpu.memory_space<vmem>>[vector<16xi32>], vector<16xf32>,
        %add3A_391 = arith.addf %add3A_327, %gather3A_390 : vector<16xf32>
        %add3A_392 = arith.constant 32 : i32
        %add3A_393 = vector.broadcast %add3A_392 : i32 to vector<16xi32>
        %add3A_394 = arith.addi %add3A_138, %add3A_393 : vector<16xi32>
        %add3A_395 = arith.constant 3 : i32
        %add3A_396 = vector.broadcast %add3A_395 : i32 to vector<16xi32>
        %add3A_397 = arith.addi %add3A_394, %add3A_396 : vector<16xi32>
        %gather3A_398 = tpu.vector_load_idx %arg5[%add3A_397] : memref<11104xf32, #tpu.memory_space<vmem>>[vector<16xi32>], vector<16xf32>,
        %add3A_399 = arith.addf %add3A_335, %gather3A_398 : vector<16xf32>
        %add3A_400 = arith.constant 32 : i32
        %add3A_401 = vector.broadcast %add3A_400 : i32 to vector<16xi32>
        %add3A_402 = arith.addi %add3A_138, %add3A_401 : vector<16xi32>
        %add3A_403 = arith.constant 4 : i32
        %add3A_404 = vector.broadcast %add3A_403 : i32 to vector<16xi32>
        %add3A_405 = arith.addi %add3A_402, %add3A_404 : vector<16xi32>
        %gather3A_406 = tpu.vector_load_idx %arg5[%add3A_405] : memref<11104xf32, #tpu.memory_space<vmem>>[vector<16xi32>], vector<16xf32>,
        %add3A_407 = arith.addf %add3A_343, %gather3A_406 : vector<16xf32>
        %add3A_408 = arith.constant 32 : i32
        %add3A_409 = vector.broadcast %add3A_408 : i32 to vector<16xi32>
        %add3A_410 = arith.addi %add3A_138, %add3A_409 : vector<16xi32>
        %add3A_411 = arith.constant 5 : i32
        %add3A_412 = vector.broadcast %add3A_411 : i32 to vector<16xi32>
        %add3A_413 = arith.addi %add3A_410, %add3A_412 : vector<16xi32>
        %gather3A_414 = tpu.vector_load_idx %arg5[%add3A_413] : memref<11104xf32, #tpu.memory_space<vmem>>[vector<16xi32>], vector<16xf32>,
        %add3A_415 = arith.addf %add3A_351, %gather3A_414 : vector<16xf32>
        %add3A_416 = arith.constant 32 : i32
        %add3A_417 = vector.broadcast %add3A_416 : i32 to vector<16xi32>
        %add3A_418 = arith.addi %add3A_138, %add3A_417 : vector<16xi32>
        %add3A_419 = arith.constant 6 : i32
        %add3A_420 = vector.broadcast %add3A_419 : i32 to vector<16xi32>
        %add3A_421 = arith.addi %add3A_418, %add3A_420 : vector<16xi32>
        %gather3A_422 = tpu.vector_load_idx %arg5[%add3A_421] : memref<11104xf32, #tpu.memory_space<vmem>>[vector<16xi32>], vector<16xf32>,
        %add3A_423 = arith.addf %add3A_359, %gather3A_422 : vector<16xf32>
        %add3A_424 = arith.constant 32 : i32
        %add3A_425 = vector.broadcast %add3A_424 : i32 to vector<16xi32>
        %add3A_426 = arith.addi %add3A_138, %add3A_425 : vector<16xi32>
        %add3A_427 = arith.constant 7 : i32
        %add3A_428 = vector.broadcast %add3A_427 : i32 to vector<16xi32>
        %add3A_429 = arith.addi %add3A_426, %add3A_428 : vector<16xi32>
        %gather3A_430 = tpu.vector_load_idx %arg5[%add3A_429] : memref<11104xf32, #tpu.memory_space<vmem>>[vector<16xi32>], vector<16xf32>,
        %add3A_431 = arith.addf %add3A_367, %gather3A_430 : vector<16xf32>
        %add3A_432 = arith.constant 40 : i32
        %add3A_433 = vector.broadcast %add3A_432 : i32 to vector<16xi32>
        %add3A_434 = arith.addi %add3A_138, %add3A_433 : vector<16xi32>
        %add3A_435 = arith.constant 0 : i32
        %add3A_436 = vector.broadcast %add3A_435 : i32 to vector<16xi32>
        %add3A_437 = arith.addi %add3A_434, %add3A_436 : vector<16xi32>
        %gather3A_438 = tpu.vector_load_idx %arg5[%add3A_437] : memref<11104xf32, #tpu.memory_space<vmem>>[vector<16xi32>], vector<16xf32>,
        %add3A_439 = arith.addf %add3A_375, %gather3A_438 : vector<16xf32>
        %add3A_440 = arith.constant 40 : i32
        %add3A_441 = vector.broadcast %add3A_440 : i32 to vector<16xi32>
        %add3A_442 = arith.addi %add3A_138, %add3A_441 : vector<16xi32>
        %add3A_443 = arith.constant 1 : i32
        %add3A_444 = vector.broadcast %add3A_443 : i32 to vector<16xi32>
        %add3A_445 = arith.addi %add3A_442, %add3A_444 : vector<16xi32>
        %gather3A_446 = tpu.vector_load_idx %arg5[%add3A_445] : memref<11104xf32, #tpu.memory_space<vmem>>[vector<16xi32>], vector<16xf32>,
        %add3A_447 = arith.addf %add3A_383, %gather3A_446 : vector<16xf32>
        %add3A_448 = arith.constant 40 : i32
        %add3A_449 = vector.broadcast %add3A_448 : i32 to vector<16xi32>
        %add3A_450 = arith.addi %add3A_138, %add3A_449 : vector<16xi32>
        %add3A_451 = arith.constant 2 : i32
        %add3A_452 = vector.broadcast %add3A_451 : i32 to vector<16xi32>
        %add3A_453 = arith.addi %add3A_450, %add3A_452 : vector<16xi32>
        %gather3A_454 = tpu.vector_load_idx %arg5[%add3A_453] : memref<11104xf32, #tpu.memory_space<vmem>>[vector<16xi32>], vector<16xf32>,
        %add3A_455 = arith.addf %add3A_391, %gather3A_454 : vector<16xf32>
        %add3A_456 = arith.constant 40 : i32
        %add3A_457 = vector.broadcast %add3A_456 : i32 to vector<16xi32>
        %add3A_458 = arith.addi %add3A_138, %add3A_457 : vector<16xi32>
        %add3A_459 = arith.constant 3 : i32
        %add3A_460 = vector.broadcast %add3A_459 : i32 to vector<16xi32>
        %add3A_461 = arith.addi %add3A_458, %add3A_460 : vector<16xi32>
        %gather3A_462 = tpu.vector_load_idx %arg5[%add3A_461] : memref<11104xf32, #tpu.memory_space<vmem>>[vector<16xi32>], vector<16xf32>,
        %add3A_463 = arith.addf %add3A_399, %gather3A_462 : vector<16xf32>
        %add3A_464 = arith.constant 40 : i32
        %add3A_465 = vector.broadcast %add3A_464 : i32 to vector<16xi32>
        %add3A_466 = arith.addi %add3A_138, %add3A_465 : vector<16xi32>
        %add3A_467 = arith.constant 4 : i32
        %add3A_468 = vector.broadcast %add3A_467 : i32 to vector<16xi32>
        %add3A_469 = arith.addi %add3A_466, %add3A_468 : vector<16xi32>
        %gather3A_470 = tpu.vector_load_idx %arg5[%add3A_469] : memref<11104xf32, #tpu.memory_space<vmem>>[vector<16xi32>], vector<16xf32>,
        %add3A_471 = arith.addf %add3A_407, %gather3A_470 : vector<16xf32>
        %add3A_472 = arith.constant 40 : i32
        %add3A_473 = vector.broadcast %add3A_472 : i32 to vector<16xi32>
        %add3A_474 = arith.addi %add3A_138, %add3A_473 : vector<16xi32>
        %add3A_475 = arith.constant 5 : i32
        %add3A_476 = vector.broadcast %add3A_475 : i32 to vector<16xi32>
        %add3A_477 = arith.addi %add3A_474, %add3A_476 : vector<16xi32>
        %gather3A_478 = tpu.vector_load_idx %arg5[%add3A_477] : memref<11104xf32, #tpu.memory_space<vmem>>[vector<16xi32>], vector<16xf32>,
        %add3A_479 = arith.addf %add3A_415, %gather3A_478 : vector<16xf32>
        %add3A_480 = arith.constant 40 : i32
        %add3A_481 = vector.broadcast %add3A_480 : i32 to vector<16xi32>
        %add3A_482 = arith.addi %add3A_138, %add3A_481 : vector<16xi32>
        %add3A_483 = arith.constant 6 : i32
        %add3A_484 = vector.broadcast %add3A_483 : i32 to vector<16xi32>
        %add3A_485 = arith.addi %add3A_482, %add3A_484 : vector<16xi32>
        %gather3A_486 = tpu.vector_load_idx %arg5[%add3A_485] : memref<11104xf32, #tpu.memory_space<vmem>>[vector<16xi32>], vector<16xf32>,
        %add3A_487 = arith.addf %add3A_423, %gather3A_486 : vector<16xf32>
        %add3A_488 = arith.constant 40 : i32
        %add3A_489 = vector.broadcast %add3A_488 : i32 to vector<16xi32>
        %add3A_490 = arith.addi %add3A_138, %add3A_489 : vector<16xi32>
        %add3A_491 = arith.constant 7 : i32
        %add3A_492 = vector.broadcast %add3A_491 : i32 to vector<16xi32>
        %add3A_493 = arith.addi %add3A_490, %add3A_492 : vector<16xi32>
        %gather3A_494 = tpu.vector_load_idx %arg5[%add3A_493] : memref<11104xf32, #tpu.memory_space<vmem>>[vector<16xi32>], vector<16xf32>,
        %add3A_495 = arith.addf %add3A_431, %gather3A_494 : vector<16xf32>
        %add3A_496 = arith.constant 48 : i32
        %add3A_497 = vector.broadcast %add3A_496 : i32 to vector<16xi32>
        %add3A_498 = arith.addi %add3A_138, %add3A_497 : vector<16xi32>
        %add3A_499 = arith.constant 0 : i32
        %add3A_500 = vector.broadcast %add3A_499 : i32 to vector<16xi32>
        %add3A_501 = arith.addi %add3A_498, %add3A_500 : vector<16xi32>
        %gather3A_502 = tpu.vector_load_idx %arg5[%add3A_501] : memref<11104xf32, #tpu.memory_space<vmem>>[vector<16xi32>], vector<16xf32>,
        %add3A_503 = arith.addf %add3A_439, %gather3A_502 : vector<16xf32>
        %add3A_504 = arith.constant 48 : i32
        %add3A_505 = vector.broadcast %add3A_504 : i32 to vector<16xi32>
        %add3A_506 = arith.addi %add3A_138, %add3A_505 : vector<16xi32>
        %add3A_507 = arith.constant 1 : i32
        %add3A_508 = vector.broadcast %add3A_507 : i32 to vector<16xi32>
        %add3A_509 = arith.addi %add3A_506, %add3A_508 : vector<16xi32>
        %gather3A_510 = tpu.vector_load_idx %arg5[%add3A_509] : memref<11104xf32, #tpu.memory_space<vmem>>[vector<16xi32>], vector<16xf32>,
        %add3A_511 = arith.addf %add3A_447, %gather3A_510 : vector<16xf32>
        %add3A_512 = arith.constant 48 : i32
        %add3A_513 = vector.broadcast %add3A_512 : i32 to vector<16xi32>
        %add3A_514 = arith.addi %add3A_138, %add3A_513 : vector<16xi32>
        %add3A_515 = arith.constant 2 : i32
        %add3A_516 = vector.broadcast %add3A_515 : i32 to vector<16xi32>
        %add3A_517 = arith.addi %add3A_514, %add3A_516 : vector<16xi32>
        %gather3A_518 = tpu.vector_load_idx %arg5[%add3A_517] : memref<11104xf32, #tpu.memory_space<vmem>>[vector<16xi32>], vector<16xf32>,
        %add3A_519 = arith.addf %add3A_455, %gather3A_518 : vector<16xf32>
        %add3A_520 = arith.constant 48 : i32
        %add3A_521 = vector.broadcast %add3A_520 : i32 to vector<16xi32>
        %add3A_522 = arith.addi %add3A_138, %add3A_521 : vector<16xi32>
        %add3A_523 = arith.constant 3 : i32
        %add3A_524 = vector.broadcast %add3A_523 : i32 to vector<16xi32>
        %add3A_525 = arith.addi %add3A_522, %add3A_524 : vector<16xi32>
        %gather3A_526 = tpu.vector_load_idx %arg5[%add3A_525] : memref<11104xf32, #tpu.memory_space<vmem>>[vector<16xi32>], vector<16xf32>,
        %add3A_527 = arith.addf %add3A_463, %gather3A_526 : vector<16xf32>
        %add3A_528 = arith.constant 48 : i32
        %add3A_529 = vector.broadcast %add3A_528 : i32 to vector<16xi32>
        %add3A_530 = arith.addi %add3A_138, %add3A_529 : vector<16xi32>
        %add3A_531 = arith.constant 4 : i32
        %add3A_532 = vector.broadcast %add3A_531 : i32 to vector<16xi32>
        %add3A_533 = arith.addi %add3A_530, %add3A_532 : vector<16xi32>
        %gather3A_534 = tpu.vector_load_idx %arg5[%add3A_533] : memref<11104xf32, #tpu.memory_space<vmem>>[vector<16xi32>], vector<16xf32>,
        %add3A_535 = arith.addf %add3A_471, %gather3A_534 : vector<16xf32>
        %add3A_536 = arith.constant 48 : i32
        %add3A_537 = vector.broadcast %add3A_536 : i32 to vector<16xi32>
        %add3A_538 = arith.addi %add3A_138, %add3A_537 : vector<16xi32>
        %add3A_539 = arith.constant 5 : i32
        %add3A_540 = vector.broadcast %add3A_539 : i32 to vector<16xi32>
        %add3A_541 = arith.addi %add3A_538, %add3A_540 : vector<16xi32>
        %gather3A_542 = tpu.vector_load_idx %arg5[%add3A_541] : memref<11104xf32, #tpu.memory_space<vmem>>[vector<16xi32>], vector<16xf32>,
        %add3A_543 = arith.addf %add3A_479, %gather3A_542 : vector<16xf32>
        %add3A_544 = arith.constant 48 : i32
        %add3A_545 = vector.broadcast %add3A_544 : i32 to vector<16xi32>
        %add3A_546 = arith.addi %add3A_138, %add3A_545 : vector<16xi32>
        %add3A_547 = arith.constant 6 : i32
        %add3A_548 = vector.broadcast %add3A_547 : i32 to vector<16xi32>
        %add3A_549 = arith.addi %add3A_546, %add3A_548 : vector<16xi32>
        %gather3A_550 = tpu.vector_load_idx %arg5[%add3A_549] : memref<11104xf32, #tpu.memory_space<vmem>>[vector<16xi32>], vector<16xf32>,
        %add3A_551 = arith.addf %add3A_487, %gather3A_550 : vector<16xf32>
        %add3A_552 = arith.constant 48 : i32
        %add3A_553 = vector.broadcast %add3A_552 : i32 to vector<16xi32>
        %add3A_554 = arith.addi %add3A_138, %add3A_553 : vector<16xi32>
        %add3A_555 = arith.constant 7 : i32
        %add3A_556 = vector.broadcast %add3A_555 : i32 to vector<16xi32>
        %add3A_557 = arith.addi %add3A_554, %add3A_556 : vector<16xi32>
        %gather3A_558 = tpu.vector_load_idx %arg5[%add3A_557] : memref<11104xf32, #tpu.memory_space<vmem>>[vector<16xi32>], vector<16xf32>,
        %add3A_559 = arith.addf %add3A_495, %gather3A_558 : vector<16xf32>
        %add3A_560 = arith.constant 56 : i32
        %add3A_561 = vector.broadcast %add3A_560 : i32 to vector<16xi32>
        %add3A_562 = arith.addi %add3A_138, %add3A_561 : vector<16xi32>
        %add3A_563 = arith.constant 0 : i32
        %add3A_564 = vector.broadcast %add3A_563 : i32 to vector<16xi32>
        %add3A_565 = arith.addi %add3A_562, %add3A_564 : vector<16xi32>
        %gather3A_566 = tpu.vector_load_idx %arg5[%add3A_565] : memref<11104xf32, #tpu.memory_space<vmem>>[vector<16xi32>], vector<16xf32>,
        %add3A_567 = arith.addf %add3A_503, %gather3A_566 : vector<16xf32>
        %add3A_568 = arith.constant 56 : i32
        %add3A_569 = vector.broadcast %add3A_568 : i32 to vector<16xi32>
        %add3A_570 = arith.addi %add3A_138, %add3A_569 : vector<16xi32>
        %add3A_571 = arith.constant 1 : i32
        %add3A_572 = vector.broadcast %add3A_571 : i32 to vector<16xi32>
        %add3A_573 = arith.addi %add3A_570, %add3A_572 : vector<16xi32>
        %gather3A_574 = tpu.vector_load_idx %arg5[%add3A_573] : memref<11104xf32, #tpu.memory_space<vmem>>[vector<16xi32>], vector<16xf32>,
        %add3A_575 = arith.addf %add3A_511, %gather3A_574 : vector<16xf32>
        %add3A_576 = arith.constant 56 : i32
        %add3A_577 = vector.broadcast %add3A_576 : i32 to vector<16xi32>
        %add3A_578 = arith.addi %add3A_138, %add3A_577 : vector<16xi32>
        %add3A_579 = arith.constant 2 : i32
        %add3A_580 = vector.broadcast %add3A_579 : i32 to vector<16xi32>
        %add3A_581 = arith.addi %add3A_578, %add3A_580 : vector<16xi32>
        %gather3A_582 = tpu.vector_load_idx %arg5[%add3A_581] : memref<11104xf32, #tpu.memory_space<vmem>>[vector<16xi32>], vector<16xf32>,
        %add3A_583 = arith.addf %add3A_519, %gather3A_582 : vector<16xf32>
        %add3A_584 = arith.constant 56 : i32
        %add3A_585 = vector.broadcast %add3A_584 : i32 to vector<16xi32>
        %add3A_586 = arith.addi %add3A_138, %add3A_585 : vector<16xi32>
        %add3A_587 = arith.constant 3 : i32
        %add3A_588 = vector.broadcast %add3A_587 : i32 to vector<16xi32>
        %add3A_589 = arith.addi %add3A_586, %add3A_588 : vector<16xi32>
        %gather3A_590 = tpu.vector_load_idx %arg5[%add3A_589] : memref<11104xf32, #tpu.memory_space<vmem>>[vector<16xi32>], vector<16xf32>,
        %add3A_591 = arith.addf %add3A_527, %gather3A_590 : vector<16xf32>
        %add3A_592 = arith.constant 56 : i32
        %add3A_593 = vector.broadcast %add3A_592 : i32 to vector<16xi32>
        %add3A_594 = arith.addi %add3A_138, %add3A_593 : vector<16xi32>
        %add3A_595 = arith.constant 4 : i32
        %add3A_596 = vector.broadcast %add3A_595 : i32 to vector<16xi32>
        %add3A_597 = arith.addi %add3A_594, %add3A_596 : vector<16xi32>
        %gather3A_598 = tpu.vector_load_idx %arg5[%add3A_597] : memref<11104xf32, #tpu.memory_space<vmem>>[vector<16xi32>], vector<16xf32>,
        %add3A_599 = arith.addf %add3A_535, %gather3A_598 : vector<16xf32>
        %add3A_600 = arith.constant 56 : i32
        %add3A_601 = vector.broadcast %add3A_600 : i32 to vector<16xi32>
        %add3A_602 = arith.addi %add3A_138, %add3A_601 : vector<16xi32>
        %add3A_603 = arith.constant 5 : i32
        %add3A_604 = vector.broadcast %add3A_603 : i32 to vector<16xi32>
        %add3A_605 = arith.addi %add3A_602, %add3A_604 : vector<16xi32>
        %gather3A_606 = tpu.vector_load_idx %arg5[%add3A_605] : memref<11104xf32, #tpu.memory_space<vmem>>[vector<16xi32>], vector<16xf32>,
        %add3A_607 = arith.addf %add3A_543, %gather3A_606 : vector<16xf32>
        %add3A_608 = arith.constant 56 : i32
        %add3A_609 = vector.broadcast %add3A_608 : i32 to vector<16xi32>
        %add3A_610 = arith.addi %add3A_138, %add3A_609 : vector<16xi32>
        %add3A_611 = arith.constant 6 : i32
        %add3A_612 = vector.broadcast %add3A_611 : i32 to vector<16xi32>
        %add3A_613 = arith.addi %add3A_610, %add3A_612 : vector<16xi32>
        %gather3A_614 = tpu.vector_load_idx %arg5[%add3A_613] : memref<11104xf32, #tpu.memory_space<vmem>>[vector<16xi32>], vector<16xf32>,
        %add3A_615 = arith.addf %add3A_551, %gather3A_614 : vector<16xf32>
        %add3A_616 = arith.addf %add3A_567, %add3A_575 : vector<16xf32>
        %add3A_617 = arith.addf %add3A_583, %add3A_591 : vector<16xf32>
        %add3A_618 = arith.addf %add3A_599, %add3A_607 : vector<16xf32>
        %add3A_619 = arith.addf %add3A_615, %add3A_559 : vector<16xf32>
        %add3A_620 = arith.addf %add3A_616, %add3A_617 : vector<16xf32>
        %add3A_621 = arith.addf %add3A_618, %add3A_619 : vector<16xf32>
        %add3A_622 = arith.addf %add3A_620, %add3A_621 : vector<16xf32>
        %jit3A = arith.constant 0.000000e+00 : f32
        %broadcast_in_dim3A = vector.broadcast %jit3A : f32 to vector<16xf32>
        %select_n3A = arith.select %eq3A_143, %add3A_622, %broadcast_in_dim3A : vector<16xi1>, vector<16xf32>
        %swap3A = arith.index_cast %mul3A_133 : i32 to index
        %swap3A_623 = tpu.vector_load %arg9[%swap3A] {strides = array<i32>} : memref<3168xf32, #tpu.memory_space<vmem>>, vector<16xf32>,
        tpu.vector_store %arg9[%swap3A], %select_n3A {strides = array<i32>} : memref<3168xf32, #tpu.memory_space<vmem>>, vector<16xf32>,
        %swap3A_624 = arith.index_cast %mul3A_133 : i32 to index
        %swap3A_625 = tpu.vector_load %arg10[%swap3A_624] {strides = array<i32>} : memref<3168xi32, #tpu.memory_space<vmem>>, vector<16xi32>,
        tpu.vector_store %arg10[%swap3A_624], %gather3A {strides = array<i32>} : memref<3168xi32, #tpu.memory_space<vmem>>, vector<16xi32>,
        %not3A = arith.constant dense<true> : vector<16xi1>
        %not3A_626 = arith.xori %eq3A_143, %not3A : vector<16xi1>
        %all_reduce_population_count3A = tpu.all_reduce %not3A_626 {dim = 0 : i64, kind = #tpu.reduction_kind<sum>} : vector<16xi1> -> vector<16xi32>
        %slice3A = vector.extract_strided_slice %all_reduce_population_count3A {offsets = [0], sizes = [1], strides = [1]} : vector<16xi32> to vector<1xi32>
        %squeeze3A = vector.extract %slice3A[0] : i32 from vector<1xi32>
        %gt3A = arith.constant 0 : i32
        %gt3A_627 = arith.cmpi sgt, %squeeze3A, %gt3A : i32
        %convert_element_type3A_628 = arith.extui %gt3A_627 : i1 to i32
        %cond3A_629 = arith.constant 0 : i32
        %cond3A_630 = arith.cmpi ne, %convert_element_type3A_628, %cond3A_629 : i32
        scf.if %cond3A_630 {
          %convert_element_type3A_632 = arith.extui %not3A_626 : vector<16xi1> to vector<16xi32>
          %sub3A = arith.constant 0 : i32
          %sub3A_633 = arith.subi %squeeze3A, %sub3A : i32
          %sub3A_634 = arith.constant 1 : i32
          %sub3A_635 = arith.constant 1 : i32
          %sub3A_636 = arith.subi %sub3A_634, %sub3A_635 : i32
          %add3A_637 = arith.addi %sub3A_633, %sub3A_636 : i32
          %div3A = arith.constant 1 : i32
          %div3A_638 = arith.divsi %add3A_637, %div3A : i32
          %while3A = arith.constant 1 : i32
          %while3A_639 = arith.constant 0 : i32
          %while3A_640 = arith.constant 0 : i32
          %while3A_641 = arith.subi %div3A_638, %while3A_640 : i32
          %while3A_642 = arith.addi %while3A_640, %while3A_641 : i32
          %while3A_643 = arith.constant 1 : i32
          %while3A_644 = arith.divsi %while3A_641, %while3A_643 : i32
          %while3A_645 = arith.muli %while3A_644, %while3A_643 : i32
          %while3A_646 = arith.addi %while3A_640, %while3A_645 : i32
          %while3A_647 = arith.constant 1 : i32
          %while3A_648 = scf.for %while3A_651 = %while3A_640 to %while3A_646 step %while3A_647 iter_args(%while3A_652 = %convert_element_type3A_632) -> (vector<16xi32>)  : i32 {
            %mul3A_653 = arith.muli %while3A_651, %while3A : i32
            %add3A_654 = arith.addi %while3A_639, %mul3A_653 : i32
            %ne3A = arith.constant 0 : i32
            %ne3A_655 = vector.broadcast %ne3A : i32 to vector<16xi32>
            %ne3A_656 = arith.cmpi ne, %while3A_652, %ne3A_655 : vector<16xi32>
            %all_reduce_ffs3A = tpu.all_reduce %ne3A_656 {dim = 0 : i64, kind = #tpu.reduction_kind<find_first_set>} : vector<16xi1> -> vector<16xi32>
            %slice3A_657 = vector.extract_strided_slice %all_reduce_ffs3A {offsets = [0], sizes = [1], strides = [1]} : vector<16xi32> to vector<1xi32>
            %squeeze3A_658 = vector.extract %slice3A_657[0] : i32 from vector<1xi32>
            %add3A_659 = arith.addi %scan3A_122, %add3A_654 : i32
            %rem3A = arith.constant 8 : i32
            %rem3A_660 = arith.remsi %add3A_659, %rem3A : i32
            %ge3A = arith.constant 8 : i32
            %ge3A_661 = arith.cmpi sge, %add3A_659, %ge3A : i32
            %convert_element_type3A_662 = arith.extui %ge3A_661 : i1 to i32
            %cond3A_663 = arith.constant 0 : i32
            %cond3A_664 = arith.cmpi ne, %convert_element_type3A_662, %cond3A_663 : i32
            scf.if %cond3A_664 {
              %dma_wait3A_740 = arith.constant 0 : i32
              %dma_wait3A_741 = tpu.memref_slice %arg11[%rem3A_660, %dma_wait3A_740] : memref<8x64xf32, #tpu.memory_space<vmem>> -> memref<1x64xf32, #tpu.memory_space<vmem>>
              %dma_wait3A_742 = tpu.memref_squeeze %dma_wait3A_741 : memref<1x64xf32, #tpu.memory_space<vmem>> -> memref<64xf32, #tpu.memory_space<vmem>>
              %dma_wait3A_743 = arith.constant 0 : i32
              %dma_wait3A_744 = tpu.memref_slice %arg12[%rem3A_660, %dma_wait3A_743] : memref<8x64xi32, #tpu.memory_space<vmem>> -> memref<1x64xi32, #tpu.memory_space<vmem>>
              %dma_wait3A_745 = tpu.memref_squeeze %dma_wait3A_744 : memref<1x64xi32, #tpu.memory_space<vmem>> -> memref<64xi32, #tpu.memory_space<vmem>>
              %dma_wait3A_746 = arith.constant 0 : i32
              %dma_wait3A_747 = tpu.memref_slice %arg16[%dma_wait3A_746] : memref<4096xf32, #tpu.memory_space<vmem_shared>> -> memref<4096xf32, #tpu.memory_space<vmem_shared>>
              tpu.wait_indirect_dma semaphore(%arg18 : memref<!tpu.dma_semaphore, #tpu.memory_space<semaphore_mem>>) src(%dma_wait3A_742 : memref<64xf32, #tpu.memory_space<vmem>>) dst(%dma_wait3A_747 : memref<4096xf32, #tpu.memory_space<vmem_shared>>)
            } else {
            }
            %mul3A_665 = arith.constant 63 : i32
            %mul3A_666 = arith.muli %squeeze3A_658, %mul3A_665 : i32
            %add3A_667 = arith.addi %mul3A_128, %mul3A_666 : i32
            %add3A_668 = arith.constant 0 : i32
            %add3A_669 = arith.addi %add3A_667, %add3A_668 : i32
            %get3A = arith.index_cast %add3A_669 : i32 to index
            %get3A_670 = tpu.vector_load %arg5[%get3A] {strides = array<i32>} : memref<11104xf32, #tpu.memory_space<vmem>>, vector<16xf32>,
            %swap3A_671 = arith.index_cast %rem3A_660 : i32 to index
            %swap3A_672 = arith.constant 0 : index
            %swap3A_673 = tpu.vector_load %arg11[%swap3A_671, %swap3A_672] {strides = array<i32>} : memref<8x64xf32, #tpu.memory_space<vmem>>, vector<16xf32>,
            tpu.vector_store %arg11[%swap3A_671, %swap3A_672], %get3A_670 {strides = array<i32>} : memref<8x64xf32, #tpu.memory_space<vmem>>, vector<16xf32>,
            %add3A_674 = arith.constant 0 : i32
            %add3A_675 = arith.addi %add3A_667, %add3A_674 : i32
            %get3A_676 = arith.index_cast %add3A_675 : i32 to index
            %get3A_677 = tpu.vector_load %arg6[%get3A_676] {strides = array<i32>} : memref<11104xi32, #tpu.memory_space<vmem>>, vector<16xi32>,
            %swap3A_678 = arith.index_cast %rem3A_660 : i32 to index
            %swap3A_679 = arith.constant 0 : index
            %swap3A_680 = tpu.vector_load %arg12[%swap3A_678, %swap3A_679] {strides = array<i32>} : memref<8x64xi32, #tpu.memory_space<vmem>>, vector<16xi32>,
            tpu.vector_store %arg12[%swap3A_678, %swap3A_679], %get3A_677 {strides = array<i32>} : memref<8x64xi32, #tpu.memory_space<vmem>>, vector<16xi32>,
            %add3A_681 = arith.constant 16 : i32
            %add3A_682 = arith.addi %add3A_667, %add3A_681 : i32
            %get3A_683 = arith.index_cast %add3A_682 : i32 to index
            %get3A_684 = tpu.vector_load %arg5[%get3A_683] {strides = array<i32>} : memref<11104xf32, #tpu.memory_space<vmem>>, vector<16xf32>,
            %swap3A_685 = arith.index_cast %rem3A_660 : i32 to index
            %swap3A_686 = arith.constant 16 : index
            %swap3A_687 = tpu.vector_load %arg11[%swap3A_685, %swap3A_686] {strides = array<i32>} : memref<8x64xf32, #tpu.memory_space<vmem>>, vector<16xf32>,
            tpu.vector_store %arg11[%swap3A_685, %swap3A_686], %get3A_684 {strides = array<i32>} : memref<8x64xf32, #tpu.memory_space<vmem>>, vector<16xf32>,
            %add3A_688 = arith.constant 16 : i32
            %add3A_689 = arith.addi %add3A_667, %add3A_688 : i32
            %get3A_690 = arith.index_cast %add3A_689 : i32 to index
            %get3A_691 = tpu.vector_load %arg6[%get3A_690] {strides = array<i32>} : memref<11104xi32, #tpu.memory_space<vmem>>, vector<16xi32>,
            %swap3A_692 = arith.index_cast %rem3A_660 : i32 to index
            %swap3A_693 = arith.constant 16 : index
            %swap3A_694 = tpu.vector_load %arg12[%swap3A_692, %swap3A_693] {strides = array<i32>} : memref<8x64xi32, #tpu.memory_space<vmem>>, vector<16xi32>,
            tpu.vector_store %arg12[%swap3A_692, %swap3A_693], %get3A_691 {strides = array<i32>} : memref<8x64xi32, #tpu.memory_space<vmem>>, vector<16xi32>,
            %add3A_695 = arith.constant 32 : i32
            %add3A_696 = arith.addi %add3A_667, %add3A_695 : i32
            %get3A_697 = arith.index_cast %add3A_696 : i32 to index
            %get3A_698 = tpu.vector_load %arg5[%get3A_697] {strides = array<i32>} : memref<11104xf32, #tpu.memory_space<vmem>>, vector<16xf32>,
            %swap3A_699 = arith.index_cast %rem3A_660 : i32 to index
            %swap3A_700 = arith.constant 32 : index
            %swap3A_701 = tpu.vector_load %arg11[%swap3A_699, %swap3A_700] {strides = array<i32>} : memref<8x64xf32, #tpu.memory_space<vmem>>, vector<16xf32>,
            tpu.vector_store %arg11[%swap3A_699, %swap3A_700], %get3A_698 {strides = array<i32>} : memref<8x64xf32, #tpu.memory_space<vmem>>, vector<16xf32>,
            %add3A_702 = arith.constant 32 : i32
            %add3A_703 = arith.addi %add3A_667, %add3A_702 : i32
            %get3A_704 = arith.index_cast %add3A_703 : i32 to index
            %get3A_705 = tpu.vector_load %arg6[%get3A_704] {strides = array<i32>} : memref<11104xi32, #tpu.memory_space<vmem>>, vector<16xi32>,
            %swap3A_706 = arith.index_cast %rem3A_660 : i32 to index
            %swap3A_707 = arith.constant 32 : index
            %swap3A_708 = tpu.vector_load %arg12[%swap3A_706, %swap3A_707] {strides = array<i32>} : memref<8x64xi32, #tpu.memory_space<vmem>>, vector<16xi32>,
            tpu.vector_store %arg12[%swap3A_706, %swap3A_707], %get3A_705 {strides = array<i32>} : memref<8x64xi32, #tpu.memory_space<vmem>>, vector<16xi32>,
            %add3A_709 = arith.constant 48 : i32
            %add3A_710 = arith.addi %add3A_667, %add3A_709 : i32
            %get3A_711 = arith.index_cast %add3A_710 : i32 to index
            %get3A_712 = tpu.vector_load %arg5[%get3A_711] {strides = array<i32>} : memref<11104xf32, #tpu.memory_space<vmem>>, vector<16xf32>,
            %jit3A_713 = arith.constant 0.000000e+00 : f32
            %broadcast_in_dim3A_714 = vector.broadcast %jit3A_713 : f32 to vector<16xf32>
            %select_n3A_715 = arith.select %eq3A_10, %broadcast_in_dim3A_714, %get3A_712 : vector<16xi1>, vector<16xf32>
            %swap3A_716 = arith.index_cast %rem3A_660 : i32 to index
            %swap3A_717 = arith.constant 48 : index
            %swap3A_718 = tpu.vector_load %arg11[%swap3A_716, %swap3A_717] {strides = array<i32>} : memref<8x64xf32, #tpu.memory_space<vmem>>, vector<16xf32>,
            tpu.vector_store %arg11[%swap3A_716, %swap3A_717], %select_n3A_715 {strides = array<i32>} : memref<8x64xf32, #tpu.memory_space<vmem>>, vector<16xf32>,
            %add3A_719 = arith.constant 48 : i32
            %add3A_720 = arith.addi %add3A_667, %add3A_719 : i32
            %get3A_721 = arith.index_cast %add3A_720 : i32 to index
            %get3A_722 = tpu.vector_load %arg6[%get3A_721] {strides = array<i32>} : memref<11104xi32, #tpu.memory_space<vmem>>, vector<16xi32>,
            %jit3A_723 = arith.constant 0 : i32
            %broadcast_in_dim3A_724 = vector.broadcast %jit3A_723 : i32 to vector<16xi32>
            %select_n3A_725 = arith.select %eq3A_10, %broadcast_in_dim3A_724, %get3A_722 : vector<16xi1>, vector<16xi32>
            %swap3A_726 = arith.index_cast %rem3A_660 : i32 to index
            %swap3A_727 = arith.constant 48 : index
            %swap3A_728 = tpu.vector_load %arg12[%swap3A_726, %swap3A_727] {strides = array<i32>} : memref<8x64xi32, #tpu.memory_space<vmem>>, vector<16xi32>,
            tpu.vector_store %arg12[%swap3A_726, %swap3A_727], %select_n3A_725 {strides = array<i32>} : memref<8x64xi32, #tpu.memory_space<vmem>>, vector<16xi32>,
            %dma_start3A_729 = arith.constant 0 : i32
            %dma_start3A_730 = tpu.memref_slice %arg11[%rem3A_660, %dma_start3A_729] : memref<8x64xf32, #tpu.memory_space<vmem>> -> memref<1x64xf32, #tpu.memory_space<vmem>>
            %dma_start3A_731 = tpu.memref_squeeze %dma_start3A_730 : memref<1x64xf32, #tpu.memory_space<vmem>> -> memref<64xf32, #tpu.memory_space<vmem>>
            %dma_start3A_732 = arith.constant 0 : i32
            %dma_start3A_733 = tpu.memref_slice %arg12[%rem3A_660, %dma_start3A_732] : memref<8x64xi32, #tpu.memory_space<vmem>> -> memref<1x64xi32, #tpu.memory_space<vmem>>
            %dma_start3A_734 = tpu.memref_squeeze %dma_start3A_733 : memref<1x64xi32, #tpu.memory_space<vmem>> -> memref<64xi32, #tpu.memory_space<vmem>>
            %dma_start3A_735 = arith.constant 0 : i32
            %dma_start3A_736 = tpu.memref_slice %arg16[%dma_start3A_735] : memref<4096xf32, #tpu.memory_space<vmem_shared>> -> memref<4096xf32, #tpu.memory_space<vmem_shared>>
            tpu.enqueue_indirect_dma source(%dma_start3A_731 : memref<64xf32, #tpu.memory_space<vmem>>) target(%dma_start3A_736 : memref<4096xf32, #tpu.memory_space<vmem_shared>>) offsets(%dma_start3A_734 : memref<64xi32, #tpu.memory_space<vmem>>) semaphore(%arg18 : memref<!tpu.dma_semaphore, #tpu.memory_space<semaphore_mem>>) {add = true}
            %ne3A_737 = vector.broadcast %squeeze3A_658 : i32 to vector<16xi32>
            %ne3A_738 = arith.cmpi ne, %iota3A, %ne3A_737 : vector<16xi32>
            %convert_element_type3A_739 = arith.extui %ne3A_738 : vector<16xi1> to vector<16xi32>
            %and3A = arith.andi %while3A_652, %convert_element_type3A_739 : vector<16xi32>
            scf.yield %and3A : vector<16xi32>
          }
          %while3A_649 = arith.constant 1 : i32
          %while3A_650 = scf.for %while3A_651 = %while3A_646 to %while3A_642 step %while3A_649 iter_args(%while3A_652 = %while3A_648) -> (vector<16xi32>)  : i32 {
            %mul3A_653 = arith.muli %while3A_651, %while3A : i32
            %add3A_654 = arith.addi %while3A_639, %mul3A_653 : i32
            %ne3A = arith.constant 0 : i32
            %ne3A_655 = vector.broadcast %ne3A : i32 to vector<16xi32>
            %ne3A_656 = arith.cmpi ne, %while3A_652, %ne3A_655 : vector<16xi32>
            %all_reduce_ffs3A = tpu.all_reduce %ne3A_656 {dim = 0 : i64, kind = #tpu.reduction_kind<find_first_set>} : vector<16xi1> -> vector<16xi32>
            %slice3A_657 = vector.extract_strided_slice %all_reduce_ffs3A {offsets = [0], sizes = [1], strides = [1]} : vector<16xi32> to vector<1xi32>
            %squeeze3A_658 = vector.extract %slice3A_657[0] : i32 from vector<1xi32>
            %add3A_659 = arith.addi %scan3A_122, %add3A_654 : i32
            %rem3A = arith.constant 8 : i32
            %rem3A_660 = arith.remsi %add3A_659, %rem3A : i32
            %ge3A = arith.constant 8 : i32
            %ge3A_661 = arith.cmpi sge, %add3A_659, %ge3A : i32
            %convert_element_type3A_662 = arith.extui %ge3A_661 : i1 to i32
            %cond3A_663 = arith.constant 0 : i32
            %cond3A_664 = arith.cmpi ne, %convert_element_type3A_662, %cond3A_663 : i32
            scf.if %cond3A_664 {
              %dma_wait3A_740 = arith.constant 0 : i32
              %dma_wait3A_741 = tpu.memref_slice %arg11[%rem3A_660, %dma_wait3A_740] : memref<8x64xf32, #tpu.memory_space<vmem>> -> memref<1x64xf32, #tpu.memory_space<vmem>>
              %dma_wait3A_742 = tpu.memref_squeeze %dma_wait3A_741 : memref<1x64xf32, #tpu.memory_space<vmem>> -> memref<64xf32, #tpu.memory_space<vmem>>
              %dma_wait3A_743 = arith.constant 0 : i32
              %dma_wait3A_744 = tpu.memref_slice %arg12[%rem3A_660, %dma_wait3A_743] : memref<8x64xi32, #tpu.memory_space<vmem>> -> memref<1x64xi32, #tpu.memory_space<vmem>>
              %dma_wait3A_745 = tpu.memref_squeeze %dma_wait3A_744 : memref<1x64xi32, #tpu.memory_space<vmem>> -> memref<64xi32, #tpu.memory_space<vmem>>
              %dma_wait3A_746 = arith.constant 0 : i32
              %dma_wait3A_747 = tpu.memref_slice %arg16[%dma_wait3A_746] : memref<4096xf32, #tpu.memory_space<vmem_shared>> -> memref<4096xf32, #tpu.memory_space<vmem_shared>>
              tpu.wait_indirect_dma semaphore(%arg18 : memref<!tpu.dma_semaphore, #tpu.memory_space<semaphore_mem>>) src(%dma_wait3A_742 : memref<64xf32, #tpu.memory_space<vmem>>) dst(%dma_wait3A_747 : memref<4096xf32, #tpu.memory_space<vmem_shared>>)
            } else {
            }
            %mul3A_665 = arith.constant 63 : i32
            %mul3A_666 = arith.muli %squeeze3A_658, %mul3A_665 : i32
            %add3A_667 = arith.addi %mul3A_128, %mul3A_666 : i32
            %add3A_668 = arith.constant 0 : i32
            %add3A_669 = arith.addi %add3A_667, %add3A_668 : i32
            %get3A = arith.index_cast %add3A_669 : i32 to index
            %get3A_670 = tpu.vector_load %arg5[%get3A] {strides = array<i32>} : memref<11104xf32, #tpu.memory_space<vmem>>, vector<16xf32>,
            %swap3A_671 = arith.index_cast %rem3A_660 : i32 to index
            %swap3A_672 = arith.constant 0 : index
            %swap3A_673 = tpu.vector_load %arg11[%swap3A_671, %swap3A_672] {strides = array<i32>} : memref<8x64xf32, #tpu.memory_space<vmem>>, vector<16xf32>,
            tpu.vector_store %arg11[%swap3A_671, %swap3A_672], %get3A_670 {strides = array<i32>} : memref<8x64xf32, #tpu.memory_space<vmem>>, vector<16xf32>,
            %add3A_674 = arith.constant 0 : i32
            %add3A_675 = arith.addi %add3A_667, %add3A_674 : i32
            %get3A_676 = arith.index_cast %add3A_675 : i32 to index
            %get3A_677 = tpu.vector_load %arg6[%get3A_676] {strides = array<i32>} : memref<11104xi32, #tpu.memory_space<vmem>>, vector<16xi32>,
            %swap3A_678 = arith.index_cast %rem3A_660 : i32 to index
            %swap3A_679 = arith.constant 0 : index
            %swap3A_680 = tpu.vector_load %arg12[%swap3A_678, %swap3A_679] {strides = array<i32>} : memref<8x64xi32, #tpu.memory_space<vmem>>, vector<16xi32>,
            tpu.vector_store %arg12[%swap3A_678, %swap3A_679], %get3A_677 {strides = array<i32>} : memref<8x64xi32, #tpu.memory_space<vmem>>, vector<16xi32>,
            %add3A_681 = arith.constant 16 : i32
            %add3A_682 = arith.addi %add3A_667, %add3A_681 : i32
            %get3A_683 = arith.index_cast %add3A_682 : i32 to index
            %get3A_684 = tpu.vector_load %arg5[%get3A_683] {strides = array<i32>} : memref<11104xf32, #tpu.memory_space<vmem>>, vector<16xf32>,
            %swap3A_685 = arith.index_cast %rem3A_660 : i32 to index
            %swap3A_686 = arith.constant 16 : index
            %swap3A_687 = tpu.vector_load %arg11[%swap3A_685, %swap3A_686] {strides = array<i32>} : memref<8x64xf32, #tpu.memory_space<vmem>>, vector<16xf32>,
            tpu.vector_store %arg11[%swap3A_685, %swap3A_686], %get3A_684 {strides = array<i32>} : memref<8x64xf32, #tpu.memory_space<vmem>>, vector<16xf32>,
            %add3A_688 = arith.constant 16 : i32
            %add3A_689 = arith.addi %add3A_667, %add3A_688 : i32
            %get3A_690 = arith.index_cast %add3A_689 : i32 to index
            %get3A_691 = tpu.vector_load %arg6[%get3A_690] {strides = array<i32>} : memref<11104xi32, #tpu.memory_space<vmem>>, vector<16xi32>,
            %swap3A_692 = arith.index_cast %rem3A_660 : i32 to index
            %swap3A_693 = arith.constant 16 : index
            %swap3A_694 = tpu.vector_load %arg12[%swap3A_692, %swap3A_693] {strides = array<i32>} : memref<8x64xi32, #tpu.memory_space<vmem>>, vector<16xi32>,
            tpu.vector_store %arg12[%swap3A_692, %swap3A_693], %get3A_691 {strides = array<i32>} : memref<8x64xi32, #tpu.memory_space<vmem>>, vector<16xi32>,
            %add3A_695 = arith.constant 32 : i32
            %add3A_696 = arith.addi %add3A_667, %add3A_695 : i32
            %get3A_697 = arith.index_cast %add3A_696 : i32 to index
            %get3A_698 = tpu.vector_load %arg5[%get3A_697] {strides = array<i32>} : memref<11104xf32, #tpu.memory_space<vmem>>, vector<16xf32>,
            %swap3A_699 = arith.index_cast %rem3A_660 : i32 to index
            %swap3A_700 = arith.constant 32 : index
            %swap3A_701 = tpu.vector_load %arg11[%swap3A_699, %swap3A_700] {strides = array<i32>} : memref<8x64xf32, #tpu.memory_space<vmem>>, vector<16xf32>,
            tpu.vector_store %arg11[%swap3A_699, %swap3A_700], %get3A_698 {strides = array<i32>} : memref<8x64xf32, #tpu.memory_space<vmem>>, vector<16xf32>,
            %add3A_702 = arith.constant 32 : i32
            %add3A_703 = arith.addi %add3A_667, %add3A_702 : i32
            %get3A_704 = arith.index_cast %add3A_703 : i32 to index
            %get3A_705 = tpu.vector_load %arg6[%get3A_704] {strides = array<i32>} : memref<11104xi32, #tpu.memory_space<vmem>>, vector<16xi32>,
            %swap3A_706 = arith.index_cast %rem3A_660 : i32 to index
            %swap3A_707 = arith.constant 32 : index
            %swap3A_708 = tpu.vector_load %arg12[%swap3A_706, %swap3A_707] {strides = array<i32>} : memref<8x64xi32, #tpu.memory_space<vmem>>, vector<16xi32>,
            tpu.vector_store %arg12[%swap3A_706, %swap3A_707], %get3A_705 {strides = array<i32>} : memref<8x64xi32, #tpu.memory_space<vmem>>, vector<16xi32>,
            %add3A_709 = arith.constant 48 : i32
            %add3A_710 = arith.addi %add3A_667, %add3A_709 : i32
            %get3A_711 = arith.index_cast %add3A_710 : i32 to index
            %get3A_712 = tpu.vector_load %arg5[%get3A_711] {strides = array<i32>} : memref<11104xf32, #tpu.memory_space<vmem>>, vector<16xf32>,
            %jit3A_713 = arith.constant 0.000000e+00 : f32
            %broadcast_in_dim3A_714 = vector.broadcast %jit3A_713 : f32 to vector<16xf32>
            %select_n3A_715 = arith.select %eq3A_10, %broadcast_in_dim3A_714, %get3A_712 : vector<16xi1>, vector<16xf32>
            %swap3A_716 = arith.index_cast %rem3A_660 : i32 to index
            %swap3A_717 = arith.constant 48 : index
            %swap3A_718 = tpu.vector_load %arg11[%swap3A_716, %swap3A_717] {strides = array<i32>} : memref<8x64xf32, #tpu.memory_space<vmem>>, vector<16xf32>,
            tpu.vector_store %arg11[%swap3A_716, %swap3A_717], %select_n3A_715 {strides = array<i32>} : memref<8x64xf32, #tpu.memory_space<vmem>>, vector<16xf32>,
            %add3A_719 = arith.constant 48 : i32
            %add3A_720 = arith.addi %add3A_667, %add3A_719 : i32
            %get3A_721 = arith.index_cast %add3A_720 : i32 to index
            %get3A_722 = tpu.vector_load %arg6[%get3A_721] {strides = array<i32>} : memref<11104xi32, #tpu.memory_space<vmem>>, vector<16xi32>,
            %jit3A_723 = arith.constant 0 : i32
            %broadcast_in_dim3A_724 = vector.broadcast %jit3A_723 : i32 to vector<16xi32>
            %select_n3A_725 = arith.select %eq3A_10, %broadcast_in_dim3A_724, %get3A_722 : vector<16xi1>, vector<16xi32>
            %swap3A_726 = arith.index_cast %rem3A_660 : i32 to index
            %swap3A_727 = arith.constant 48 : index
            %swap3A_728 = tpu.vector_load %arg12[%swap3A_726, %swap3A_727] {strides = array<i32>} : memref<8x64xi32, #tpu.memory_space<vmem>>, vector<16xi32>,
            tpu.vector_store %arg12[%swap3A_726, %swap3A_727], %select_n3A_725 {strides = array<i32>} : memref<8x64xi32, #tpu.memory_space<vmem>>, vector<16xi32>,
            %dma_start3A_729 = arith.constant 0 : i32
            %dma_start3A_730 = tpu.memref_slice %arg11[%rem3A_660, %dma_start3A_729] : memref<8x64xf32, #tpu.memory_space<vmem>> -> memref<1x64xf32, #tpu.memory_space<vmem>>
            %dma_start3A_731 = tpu.memref_squeeze %dma_start3A_730 : memref<1x64xf32, #tpu.memory_space<vmem>> -> memref<64xf32, #tpu.memory_space<vmem>>
            %dma_start3A_732 = arith.constant 0 : i32
            %dma_start3A_733 = tpu.memref_slice %arg12[%rem3A_660, %dma_start3A_732] : memref<8x64xi32, #tpu.memory_space<vmem>> -> memref<1x64xi32, #tpu.memory_space<vmem>>
            %dma_start3A_734 = tpu.memref_squeeze %dma_start3A_733 : memref<1x64xi32, #tpu.memory_space<vmem>> -> memref<64xi32, #tpu.memory_space<vmem>>
            %dma_start3A_735 = arith.constant 0 : i32
            %dma_start3A_736 = tpu.memref_slice %arg16[%dma_start3A_735] : memref<4096xf32, #tpu.memory_space<vmem_shared>> -> memref<4096xf32, #tpu.memory_space<vmem_shared>>
            tpu.enqueue_indirect_dma source(%dma_start3A_731 : memref<64xf32, #tpu.memory_space<vmem>>) target(%dma_start3A_736 : memref<4096xf32, #tpu.memory_space<vmem_shared>>) offsets(%dma_start3A_734 : memref<64xi32, #tpu.memory_space<vmem>>) semaphore(%arg18 : memref<!tpu.dma_semaphore, #tpu.memory_space<semaphore_mem>>) {add = true}
            %ne3A_737 = vector.broadcast %squeeze3A_658 : i32 to vector<16xi32>
            %ne3A_738 = arith.cmpi ne, %iota3A, %ne3A_737 : vector<16xi32>
            %convert_element_type3A_739 = arith.extui %ne3A_738 : vector<16xi1> to vector<16xi32>
            %and3A = arith.andi %while3A_652, %convert_element_type3A_739 : vector<16xi32>
            scf.yield %and3A : vector<16xi32>
          }
        } else {
        }
        %add3A_631 = arith.addi %scan3A_122, %squeeze3A : i32
        scf.yield %add3A_631 : i32
      }
      %scan3A_88 = arith.constant 11 : i32
      %add3A_89 = arith.constant 1 : i32
      %add3A_90 = arith.addi %add3A_49, %add3A_89 : i32
      %lt3A_91 = arith.constant 9 : i32
      %lt3A_92 = arith.cmpi slt, %add3A_90, %lt3A_91 : i32
      %convert_element_type3A_93 = arith.extui %lt3A_92 : i1 to i32
      %cond3A_94 = arith.constant 0 : i32
      %cond3A_95 = arith.cmpi ne, %convert_element_type3A_93, %cond3A_94 : i32
      scf.if %cond3A_95 {
        %add3A_121 = arith.constant 2 : i32
        %add3A_122 = arith.addi %mul3A_51, %add3A_121 : i32
        %mul3A_123 = arith.constant 11088 : i32
        %mul3A_124 = arith.muli %add3A_122, %mul3A_123 : i32
        %add3A_125 = arith.addi %mul3A_8, %mul3A_124 : i32
        %dma_start3A_126 = arith.constant 0 : i32
        %dma_start3A_127 = tpu.memref_slice %arg5[%dma_start3A_126] : memref<11104xf32, #tpu.memory_space<vmem>> -> memref<11088xf32, #tpu.memory_space<vmem>>
        %dma_start3A_128 = tpu.memref_slice %arg2[%add3A_125] : memref<6400000xf32, #tpu.memory_space<hbm>> -> memref<11088xf32, #tpu.memory_space<hbm>>
        %dma_start3A_129 = arith.constant 0 : i32
        %dma_start3A_130 = tpu.memref_slice %arg5[%dma_start3A_129] : memref<11104xf32, #tpu.memory_space<vmem>> -> memref<11088xf32, #tpu.memory_space<vmem>>
        %dma_start3A_131 = tpu.memref_slice %arg2[%add3A_125] : memref<6400000xf32, #tpu.memory_space<hbm>> -> memref<11088xf32, #tpu.memory_space<hbm>>
        tpu.enqueue_dma source(%dma_start3A_131 : memref<11088xf32, #tpu.memory_space<hbm>>) target(%dma_start3A_130 : memref<11088xf32, #tpu.memory_space<vmem>>) target_semaphore(%arg17 : memref<!tpu.dma_semaphore, #tpu.memory_space<semaphore_mem>>)
        %dma_start3A_132 = arith.constant 0 : i32
        %dma_start3A_133 = tpu.memref_slice %arg6[%dma_start3A_132] : memref<11104xi32, #tpu.memory_space<vmem>> -> memref<11088xi32, #tpu.memory_space<vmem>>
        %dma_start3A_134 = tpu.memref_slice %arg3[%add3A_125] : memref<6400000xi32, #tpu.memory_space<hbm>> -> memref<11088xi32, #tpu.memory_space<hbm>>
        %dma_start3A_135 = arith.constant 0 : i32
        %dma_start3A_136 = tpu.memref_slice %arg6[%dma_start3A_135] : memref<11104xi32, #tpu.memory_space<vmem>> -> memref<11088xi32, #tpu.memory_space<vmem>>
        %dma_start3A_137 = tpu.memref_slice %arg3[%add3A_125] : memref<6400000xi32, #tpu.memory_space<hbm>> -> memref<11088xi32, #tpu.memory_space<hbm>>
        tpu.enqueue_dma source(%dma_start3A_137 : memref<11088xi32, #tpu.memory_space<hbm>>) target(%dma_start3A_136 : memref<11088xi32, #tpu.memory_space<vmem>>) target_semaphore(%arg17 : memref<!tpu.dma_semaphore, #tpu.memory_space<semaphore_mem>>)
      } else {
      }
      %add3A_96 = arith.constant 1 : i32
      %add3A_97 = arith.addi %mul3A_51, %add3A_96 : i32
      %mul3A_98 = arith.constant 11088 : i32
      %mul3A_99 = arith.muli %add3A_97, %mul3A_98 : i32
      %add3A_100 = arith.addi %mul3A_8, %mul3A_99 : i32
      %dma_wait3A_101 = arith.constant 0 : i32
      %dma_wait3A_102 = tpu.memref_slice %arg7[%dma_wait3A_101] : memref<11104xf32, #tpu.memory_space<vmem>> -> memref<11088xf32, #tpu.memory_space<vmem>>
      %dma_wait3A_103 = tpu.memref_slice %arg2[%add3A_100] : memref<6400000xf32, #tpu.memory_space<hbm>> -> memref<11088xf32, #tpu.memory_space<hbm>>
      %dma_wait3A_104 = arith.constant 0 : i32
      %dma_wait3A_105 = tpu.memref_slice %arg7[%dma_wait3A_104] : memref<11104xf32, #tpu.memory_space<vmem>> -> memref<11088xf32, #tpu.memory_space<vmem>>
      %dma_wait3A_106 = tpu.memref_slice %arg2[%add3A_100] : memref<6400000xf32, #tpu.memory_space<hbm>> -> memref<11088xf32, #tpu.memory_space<hbm>>
      tpu.wait_dma2 semaphore(%arg17 : memref<!tpu.dma_semaphore, #tpu.memory_space<semaphore_mem>>) src(%dma_wait3A_106 : memref<11088xf32, #tpu.memory_space<hbm>>) dst(%dma_wait3A_105 : memref<11088xf32, #tpu.memory_space<vmem>>)
      %dma_wait3A_107 = arith.constant 0 : i32
      %dma_wait3A_108 = tpu.memref_slice %arg8[%dma_wait3A_107] : memref<11104xi32, #tpu.memory_space<vmem>> -> memref<11088xi32, #tpu.memory_space<vmem>>
      %dma_wait3A_109 = tpu.memref_slice %arg3[%add3A_100] : memref<6400000xi32, #tpu.memory_space<hbm>> -> memref<11088xi32, #tpu.memory_space<hbm>>
      %dma_wait3A_110 = arith.constant 0 : i32
      %dma_wait3A_111 = tpu.memref_slice %arg8[%dma_wait3A_110] : memref<11104xi32, #tpu.memory_space<vmem>> -> memref<11088xi32, #tpu.memory_space<vmem>>
      %dma_wait3A_112 = tpu.memref_slice %arg3[%add3A_100] : memref<6400000xi32, #tpu.memory_space<hbm>> -> memref<11088xi32, #tpu.memory_space<hbm>>
      tpu.wait_dma2 semaphore(%arg17 : memref<!tpu.dma_semaphore, #tpu.memory_space<semaphore_mem>>) src(%dma_wait3A_112 : memref<11088xi32, #tpu.memory_space<hbm>>) dst(%dma_wait3A_111 : memref<11088xi32, #tpu.memory_space<vmem>>)
      %add3A_113 = arith.constant 1 : i32
      %add3A_114 = arith.addi %mul3A_51, %add3A_113 : i32
      %scan3A_115 = arith.constant 0 : i32
      %scan3A_116 = arith.constant 11 : i32
      %scan3A_117 = arith.addi %scan3A_115, %scan3A_116 : i32
      %scan3A_118 = arith.constant 1 : i32
      %scan3A_119 = scf.for %scan3A_121 = %scan3A_115 to %scan3A_117 step %scan3A_118 iter_args(%scan3A_122 = %scan3A_87) -> (i32)  : i32 {
        %mul3A_123 = arith.constant 1 : i32
        %mul3A_124 = arith.muli %scan3A_121, %mul3A_123 : i32
        %add3A_125 = arith.constant 0 : i32
        %add3A_126 = arith.addi %add3A_125, %mul3A_124 : i32
        %mul3A_127 = arith.constant 1008 : i32
        %mul3A_128 = arith.muli %add3A_126, %mul3A_127 : i32
        %mul3A_129 = arith.constant 11 : i32
        %mul3A_130 = arith.muli %add3A_114, %mul3A_129 : i32
        %add3A_131 = arith.addi %mul3A_130, %add3A_126 : i32
        %mul3A_132 = arith.constant 16 : i32
        %mul3A_133 = arith.muli %add3A_131, %mul3A_132 : i32
        %mul3A_134 = arith.constant 63 : i32
        %mul3A_135 = vector.broadcast %mul3A_134 : i32 to vector<16xi32>
        %mul3A_136 = arith.muli %iota3A, %mul3A_135 : vector<16xi32>
        %add3A_137 = vector.broadcast %mul3A_128 : i32 to vector<16xi32>
        %add3A_138 = arith.addi %add3A_137, %mul3A_136 : vector<16xi32>
        %gather3A = tpu.vector_load_idx %arg8[%add3A_138] : memref<11104xi32, #tpu.memory_space<vmem>>[vector<16xi32>], vector<16xi32>,
        %add3A_139 = arith.constant 62 : i32
        %add3A_140 = vector.broadcast %add3A_139 : i32 to vector<16xi32>
        %add3A_141 = arith.addi %add3A_138, %add3A_140 : vector<16xi32>
        %gather3A_142 = tpu.vector_load_idx %arg8[%add3A_141] : memref<11104xi32, #tpu.memory_space<vmem>>[vector<16xi32>], vector<16xi32>,
        %eq3A_143 = arith.cmpi eq, %gather3A, %gather3A_142 : vector<16xi32>
        %add3A_144 = arith.constant 0 : i32
        %add3A_145 = vector.broadcast %add3A_144 : i32 to vector<16xi32>
        %add3A_146 = arith.addi %add3A_138, %add3A_145 : vector<16xi32>
        %gather3A_147 = tpu.vector_load_idx %arg7[%add3A_146] : memref<11104xf32, #tpu.memory_space<vmem>>[vector<16xi32>], vector<16xf32>,
        %add3A_148 = arith.constant 1 : i32
        %add3A_149 = vector.broadcast %add3A_148 : i32 to vector<16xi32>
        %add3A_150 = arith.addi %add3A_138, %add3A_149 : vector<16xi32>
        %gather3A_151 = tpu.vector_load_idx %arg7[%add3A_150] : memref<11104xf32, #tpu.memory_space<vmem>>[vector<16xi32>], vector<16xf32>,
        %add3A_152 = arith.constant 2 : i32
        %add3A_153 = vector.broadcast %add3A_152 : i32 to vector<16xi32>
        %add3A_154 = arith.addi %add3A_138, %add3A_153 : vector<16xi32>
        %gather3A_155 = tpu.vector_load_idx %arg7[%add3A_154] : memref<11104xf32, #tpu.memory_space<vmem>>[vector<16xi32>], vector<16xf32>,
        %add3A_156 = arith.constant 3 : i32
        %add3A_157 = vector.broadcast %add3A_156 : i32 to vector<16xi32>
        %add3A_158 = arith.addi %add3A_138, %add3A_157 : vector<16xi32>
        %gather3A_159 = tpu.vector_load_idx %arg7[%add3A_158] : memref<11104xf32, #tpu.memory_space<vmem>>[vector<16xi32>], vector<16xf32>,
        %add3A_160 = arith.constant 4 : i32
        %add3A_161 = vector.broadcast %add3A_160 : i32 to vector<16xi32>
        %add3A_162 = arith.addi %add3A_138, %add3A_161 : vector<16xi32>
        %gather3A_163 = tpu.vector_load_idx %arg7[%add3A_162] : memref<11104xf32, #tpu.memory_space<vmem>>[vector<16xi32>], vector<16xf32>,
        %add3A_164 = arith.constant 5 : i32
        %add3A_165 = vector.broadcast %add3A_164 : i32 to vector<16xi32>
        %add3A_166 = arith.addi %add3A_138, %add3A_165 : vector<16xi32>
        %gather3A_167 = tpu.vector_load_idx %arg7[%add3A_166] : memref<11104xf32, #tpu.memory_space<vmem>>[vector<16xi32>], vector<16xf32>,
        %add3A_168 = arith.constant 6 : i32
        %add3A_169 = vector.broadcast %add3A_168 : i32 to vector<16xi32>
        %add3A_170 = arith.addi %add3A_138, %add3A_169 : vector<16xi32>
        %gather3A_171 = tpu.vector_load_idx %arg7[%add3A_170] : memref<11104xf32, #tpu.memory_space<vmem>>[vector<16xi32>], vector<16xf32>,
        %add3A_172 = arith.constant 7 : i32
        %add3A_173 = vector.broadcast %add3A_172 : i32 to vector<16xi32>
        %add3A_174 = arith.addi %add3A_138, %add3A_173 : vector<16xi32>
        %gather3A_175 = tpu.vector_load_idx %arg7[%add3A_174] : memref<11104xf32, #tpu.memory_space<vmem>>[vector<16xi32>], vector<16xf32>,
        %add3A_176 = arith.constant 8 : i32
        %add3A_177 = vector.broadcast %add3A_176 : i32 to vector<16xi32>
        %add3A_178 = arith.addi %add3A_138, %add3A_177 : vector<16xi32>
        %add3A_179 = arith.constant 0 : i32
        %add3A_180 = vector.broadcast %add3A_179 : i32 to vector<16xi32>
        %add3A_181 = arith.addi %add3A_178, %add3A_180 : vector<16xi32>
        %gather3A_182 = tpu.vector_load_idx %arg7[%add3A_181] : memref<11104xf32, #tpu.memory_space<vmem>>[vector<16xi32>], vector<16xf32>,
        %add3A_183 = arith.addf %gather3A_147, %gather3A_182 : vector<16xf32>
        %add3A_184 = arith.constant 8 : i32
        %add3A_185 = vector.broadcast %add3A_184 : i32 to vector<16xi32>
        %add3A_186 = arith.addi %add3A_138, %add3A_185 : vector<16xi32>
        %add3A_187 = arith.constant 1 : i32
        %add3A_188 = vector.broadcast %add3A_187 : i32 to vector<16xi32>
        %add3A_189 = arith.addi %add3A_186, %add3A_188 : vector<16xi32>
        %gather3A_190 = tpu.vector_load_idx %arg7[%add3A_189] : memref<11104xf32, #tpu.memory_space<vmem>>[vector<16xi32>], vector<16xf32>,
        %add3A_191 = arith.addf %gather3A_151, %gather3A_190 : vector<16xf32>
        %add3A_192 = arith.constant 8 : i32
        %add3A_193 = vector.broadcast %add3A_192 : i32 to vector<16xi32>
        %add3A_194 = arith.addi %add3A_138, %add3A_193 : vector<16xi32>
        %add3A_195 = arith.constant 2 : i32
        %add3A_196 = vector.broadcast %add3A_195 : i32 to vector<16xi32>
        %add3A_197 = arith.addi %add3A_194, %add3A_196 : vector<16xi32>
        %gather3A_198 = tpu.vector_load_idx %arg7[%add3A_197] : memref<11104xf32, #tpu.memory_space<vmem>>[vector<16xi32>], vector<16xf32>,
        %add3A_199 = arith.addf %gather3A_155, %gather3A_198 : vector<16xf32>
        %add3A_200 = arith.constant 8 : i32
        %add3A_201 = vector.broadcast %add3A_200 : i32 to vector<16xi32>
        %add3A_202 = arith.addi %add3A_138, %add3A_201 : vector<16xi32>
        %add3A_203 = arith.constant 3 : i32
        %add3A_204 = vector.broadcast %add3A_203 : i32 to vector<16xi32>
        %add3A_205 = arith.addi %add3A_202, %add3A_204 : vector<16xi32>
        %gather3A_206 = tpu.vector_load_idx %arg7[%add3A_205] : memref<11104xf32, #tpu.memory_space<vmem>>[vector<16xi32>], vector<16xf32>,
        %add3A_207 = arith.addf %gather3A_159, %gather3A_206 : vector<16xf32>
        %add3A_208 = arith.constant 8 : i32
        %add3A_209 = vector.broadcast %add3A_208 : i32 to vector<16xi32>
        %add3A_210 = arith.addi %add3A_138, %add3A_209 : vector<16xi32>
        %add3A_211 = arith.constant 4 : i32
        %add3A_212 = vector.broadcast %add3A_211 : i32 to vector<16xi32>
        %add3A_213 = arith.addi %add3A_210, %add3A_212 : vector<16xi32>
        %gather3A_214 = tpu.vector_load_idx %arg7[%add3A_213] : memref<11104xf32, #tpu.memory_space<vmem>>[vector<16xi32>], vector<16xf32>,
        %add3A_215 = arith.addf %gather3A_163, %gather3A_214 : vector<16xf32>
        %add3A_216 = arith.constant 8 : i32
        %add3A_217 = vector.broadcast %add3A_216 : i32 to vector<16xi32>
        %add3A_218 = arith.addi %add3A_138, %add3A_217 : vector<16xi32>
        %add3A_219 = arith.constant 5 : i32
        %add3A_220 = vector.broadcast %add3A_219 : i32 to vector<16xi32>
        %add3A_221 = arith.addi %add3A_218, %add3A_220 : vector<16xi32>
        %gather3A_222 = tpu.vector_load_idx %arg7[%add3A_221] : memref<11104xf32, #tpu.memory_space<vmem>>[vector<16xi32>], vector<16xf32>,
        %add3A_223 = arith.addf %gather3A_167, %gather3A_222 : vector<16xf32>
        %add3A_224 = arith.constant 8 : i32
        %add3A_225 = vector.broadcast %add3A_224 : i32 to vector<16xi32>
        %add3A_226 = arith.addi %add3A_138, %add3A_225 : vector<16xi32>
        %add3A_227 = arith.constant 6 : i32
        %add3A_228 = vector.broadcast %add3A_227 : i32 to vector<16xi32>
        %add3A_229 = arith.addi %add3A_226, %add3A_228 : vector<16xi32>
        %gather3A_230 = tpu.vector_load_idx %arg7[%add3A_229] : memref<11104xf32, #tpu.memory_space<vmem>>[vector<16xi32>], vector<16xf32>,
        %add3A_231 = arith.addf %gather3A_171, %gather3A_230 : vector<16xf32>
        %add3A_232 = arith.constant 8 : i32
        %add3A_233 = vector.broadcast %add3A_232 : i32 to vector<16xi32>
        %add3A_234 = arith.addi %add3A_138, %add3A_233 : vector<16xi32>
        %add3A_235 = arith.constant 7 : i32
        %add3A_236 = vector.broadcast %add3A_235 : i32 to vector<16xi32>
        %add3A_237 = arith.addi %add3A_234, %add3A_236 : vector<16xi32>
        %gather3A_238 = tpu.vector_load_idx %arg7[%add3A_237] : memref<11104xf32, #tpu.memory_space<vmem>>[vector<16xi32>], vector<16xf32>,
        %add3A_239 = arith.addf %gather3A_175, %gather3A_238 : vector<16xf32>
        %add3A_240 = arith.constant 16 : i32
        %add3A_241 = vector.broadcast %add3A_240 : i32 to vector<16xi32>
        %add3A_242 = arith.addi %add3A_138, %add3A_241 : vector<16xi32>
        %add3A_243 = arith.constant 0 : i32
        %add3A_244 = vector.broadcast %add3A_243 : i32 to vector<16xi32>
        %add3A_245 = arith.addi %add3A_242, %add3A_244 : vector<16xi32>
        %gather3A_246 = tpu.vector_load_idx %arg7[%add3A_245] : memref<11104xf32, #tpu.memory_space<vmem>>[vector<16xi32>], vector<16xf32>,
        %add3A_247 = arith.addf %add3A_183, %gather3A_246 : vector<16xf32>
        %add3A_248 = arith.constant 16 : i32
        %add3A_249 = vector.broadcast %add3A_248 : i32 to vector<16xi32>
        %add3A_250 = arith.addi %add3A_138, %add3A_249 : vector<16xi32>
        %add3A_251 = arith.constant 1 : i32
        %add3A_252 = vector.broadcast %add3A_251 : i32 to vector<16xi32>
        %add3A_253 = arith.addi %add3A_250, %add3A_252 : vector<16xi32>
        %gather3A_254 = tpu.vector_load_idx %arg7[%add3A_253] : memref<11104xf32, #tpu.memory_space<vmem>>[vector<16xi32>], vector<16xf32>,
        %add3A_255 = arith.addf %add3A_191, %gather3A_254 : vector<16xf32>
        %add3A_256 = arith.constant 16 : i32
        %add3A_257 = vector.broadcast %add3A_256 : i32 to vector<16xi32>
        %add3A_258 = arith.addi %add3A_138, %add3A_257 : vector<16xi32>
        %add3A_259 = arith.constant 2 : i32
        %add3A_260 = vector.broadcast %add3A_259 : i32 to vector<16xi32>
        %add3A_261 = arith.addi %add3A_258, %add3A_260 : vector<16xi32>
        %gather3A_262 = tpu.vector_load_idx %arg7[%add3A_261] : memref<11104xf32, #tpu.memory_space<vmem>>[vector<16xi32>], vector<16xf32>,
        %add3A_263 = arith.addf %add3A_199, %gather3A_262 : vector<16xf32>
        %add3A_264 = arith.constant 16 : i32
        %add3A_265 = vector.broadcast %add3A_264 : i32 to vector<16xi32>
        %add3A_266 = arith.addi %add3A_138, %add3A_265 : vector<16xi32>
        %add3A_267 = arith.constant 3 : i32
        %add3A_268 = vector.broadcast %add3A_267 : i32 to vector<16xi32>
        %add3A_269 = arith.addi %add3A_266, %add3A_268 : vector<16xi32>
        %gather3A_270 = tpu.vector_load_idx %arg7[%add3A_269] : memref<11104xf32, #tpu.memory_space<vmem>>[vector<16xi32>], vector<16xf32>,
        %add3A_271 = arith.addf %add3A_207, %gather3A_270 : vector<16xf32>
        %add3A_272 = arith.constant 16 : i32
        %add3A_273 = vector.broadcast %add3A_272 : i32 to vector<16xi32>
        %add3A_274 = arith.addi %add3A_138, %add3A_273 : vector<16xi32>
        %add3A_275 = arith.constant 4 : i32
        %add3A_276 = vector.broadcast %add3A_275 : i32 to vector<16xi32>
        %add3A_277 = arith.addi %add3A_274, %add3A_276 : vector<16xi32>
        %gather3A_278 = tpu.vector_load_idx %arg7[%add3A_277] : memref<11104xf32, #tpu.memory_space<vmem>>[vector<16xi32>], vector<16xf32>,
        %add3A_279 = arith.addf %add3A_215, %gather3A_278 : vector<16xf32>
        %add3A_280 = arith.constant 16 : i32
        %add3A_281 = vector.broadcast %add3A_280 : i32 to vector<16xi32>
        %add3A_282 = arith.addi %add3A_138, %add3A_281 : vector<16xi32>
        %add3A_283 = arith.constant 5 : i32
        %add3A_284 = vector.broadcast %add3A_283 : i32 to vector<16xi32>
        %add3A_285 = arith.addi %add3A_282, %add3A_284 : vector<16xi32>
        %gather3A_286 = tpu.vector_load_idx %arg7[%add3A_285] : memref<11104xf32, #tpu.memory_space<vmem>>[vector<16xi32>], vector<16xf32>,
        %add3A_287 = arith.addf %add3A_223, %gather3A_286 : vector<16xf32>
        %add3A_288 = arith.constant 16 : i32
        %add3A_289 = vector.broadcast %add3A_288 : i32 to vector<16xi32>
        %add3A_290 = arith.addi %add3A_138, %add3A_289 : vector<16xi32>
        %add3A_291 = arith.constant 6 : i32
        %add3A_292 = vector.broadcast %add3A_291 : i32 to vector<16xi32>
        %add3A_293 = arith.addi %add3A_290, %add3A_292 : vector<16xi32>
        %gather3A_294 = tpu.vector_load_idx %arg7[%add3A_293] : memref<11104xf32, #tpu.memory_space<vmem>>[vector<16xi32>], vector<16xf32>,
        %add3A_295 = arith.addf %add3A_231, %gather3A_294 : vector<16xf32>
        %add3A_296 = arith.constant 16 : i32
        %add3A_297 = vector.broadcast %add3A_296 : i32 to vector<16xi32>
        %add3A_298 = arith.addi %add3A_138, %add3A_297 : vector<16xi32>
        %add3A_299 = arith.constant 7 : i32
        %add3A_300 = vector.broadcast %add3A_299 : i32 to vector<16xi32>
        %add3A_301 = arith.addi %add3A_298, %add3A_300 : vector<16xi32>
        %gather3A_302 = tpu.vector_load_idx %arg7[%add3A_301] : memref<11104xf32, #tpu.memory_space<vmem>>[vector<16xi32>], vector<16xf32>,
        %add3A_303 = arith.addf %add3A_239, %gather3A_302 : vector<16xf32>
        %add3A_304 = arith.constant 24 : i32
        %add3A_305 = vector.broadcast %add3A_304 : i32 to vector<16xi32>
        %add3A_306 = arith.addi %add3A_138, %add3A_305 : vector<16xi32>
        %add3A_307 = arith.constant 0 : i32
        %add3A_308 = vector.broadcast %add3A_307 : i32 to vector<16xi32>
        %add3A_309 = arith.addi %add3A_306, %add3A_308 : vector<16xi32>
        %gather3A_310 = tpu.vector_load_idx %arg7[%add3A_309] : memref<11104xf32, #tpu.memory_space<vmem>>[vector<16xi32>], vector<16xf32>,
        %add3A_311 = arith.addf %add3A_247, %gather3A_310 : vector<16xf32>
        %add3A_312 = arith.constant 24 : i32
        %add3A_313 = vector.broadcast %add3A_312 : i32 to vector<16xi32>
        %add3A_314 = arith.addi %add3A_138, %add3A_313 : vector<16xi32>
        %add3A_315 = arith.constant 1 : i32
        %add3A_316 = vector.broadcast %add3A_315 : i32 to vector<16xi32>
        %add3A_317 = arith.addi %add3A_314, %add3A_316 : vector<16xi32>
        %gather3A_318 = tpu.vector_load_idx %arg7[%add3A_317] : memref<11104xf32, #tpu.memory_space<vmem>>[vector<16xi32>], vector<16xf32>,
        %add3A_319 = arith.addf %add3A_255, %gather3A_318 : vector<16xf32>
        %add3A_320 = arith.constant 24 : i32
        %add3A_321 = vector.broadcast %add3A_320 : i32 to vector<16xi32>
        %add3A_322 = arith.addi %add3A_138, %add3A_321 : vector<16xi32>
        %add3A_323 = arith.constant 2 : i32
        %add3A_324 = vector.broadcast %add3A_323 : i32 to vector<16xi32>
        %add3A_325 = arith.addi %add3A_322, %add3A_324 : vector<16xi32>
        %gather3A_326 = tpu.vector_load_idx %arg7[%add3A_325] : memref<11104xf32, #tpu.memory_space<vmem>>[vector<16xi32>], vector<16xf32>,
        %add3A_327 = arith.addf %add3A_263, %gather3A_326 : vector<16xf32>
        %add3A_328 = arith.constant 24 : i32
        %add3A_329 = vector.broadcast %add3A_328 : i32 to vector<16xi32>
        %add3A_330 = arith.addi %add3A_138, %add3A_329 : vector<16xi32>
        %add3A_331 = arith.constant 3 : i32
        %add3A_332 = vector.broadcast %add3A_331 : i32 to vector<16xi32>
        %add3A_333 = arith.addi %add3A_330, %add3A_332 : vector<16xi32>
        %gather3A_334 = tpu.vector_load_idx %arg7[%add3A_333] : memref<11104xf32, #tpu.memory_space<vmem>>[vector<16xi32>], vector<16xf32>,
        %add3A_335 = arith.addf %add3A_271, %gather3A_334 : vector<16xf32>
        %add3A_336 = arith.constant 24 : i32
        %add3A_337 = vector.broadcast %add3A_336 : i32 to vector<16xi32>
        %add3A_338 = arith.addi %add3A_138, %add3A_337 : vector<16xi32>
        %add3A_339 = arith.constant 4 : i32
        %add3A_340 = vector.broadcast %add3A_339 : i32 to vector<16xi32>
        %add3A_341 = arith.addi %add3A_338, %add3A_340 : vector<16xi32>
        %gather3A_342 = tpu.vector_load_idx %arg7[%add3A_341] : memref<11104xf32, #tpu.memory_space<vmem>>[vector<16xi32>], vector<16xf32>,
        %add3A_343 = arith.addf %add3A_279, %gather3A_342 : vector<16xf32>
        %add3A_344 = arith.constant 24 : i32
        %add3A_345 = vector.broadcast %add3A_344 : i32 to vector<16xi32>
        %add3A_346 = arith.addi %add3A_138, %add3A_345 : vector<16xi32>
        %add3A_347 = arith.constant 5 : i32
        %add3A_348 = vector.broadcast %add3A_347 : i32 to vector<16xi32>
        %add3A_349 = arith.addi %add3A_346, %add3A_348 : vector<16xi32>
        %gather3A_350 = tpu.vector_load_idx %arg7[%add3A_349] : memref<11104xf32, #tpu.memory_space<vmem>>[vector<16xi32>], vector<16xf32>,
        %add3A_351 = arith.addf %add3A_287, %gather3A_350 : vector<16xf32>
        %add3A_352 = arith.constant 24 : i32
        %add3A_353 = vector.broadcast %add3A_352 : i32 to vector<16xi32>
        %add3A_354 = arith.addi %add3A_138, %add3A_353 : vector<16xi32>
        %add3A_355 = arith.constant 6 : i32
        %add3A_356 = vector.broadcast %add3A_355 : i32 to vector<16xi32>
        %add3A_357 = arith.addi %add3A_354, %add3A_356 : vector<16xi32>
        %gather3A_358 = tpu.vector_load_idx %arg7[%add3A_357] : memref<11104xf32, #tpu.memory_space<vmem>>[vector<16xi32>], vector<16xf32>,
        %add3A_359 = arith.addf %add3A_295, %gather3A_358 : vector<16xf32>
        %add3A_360 = arith.constant 24 : i32
        %add3A_361 = vector.broadcast %add3A_360 : i32 to vector<16xi32>
        %add3A_362 = arith.addi %add3A_138, %add3A_361 : vector<16xi32>
        %add3A_363 = arith.constant 7 : i32
        %add3A_364 = vector.broadcast %add3A_363 : i32 to vector<16xi32>
        %add3A_365 = arith.addi %add3A_362, %add3A_364 : vector<16xi32>
        %gather3A_366 = tpu.vector_load_idx %arg7[%add3A_365] : memref<11104xf32, #tpu.memory_space<vmem>>[vector<16xi32>], vector<16xf32>,
        %add3A_367 = arith.addf %add3A_303, %gather3A_366 : vector<16xf32>
        %add3A_368 = arith.constant 32 : i32
        %add3A_369 = vector.broadcast %add3A_368 : i32 to vector<16xi32>
        %add3A_370 = arith.addi %add3A_138, %add3A_369 : vector<16xi32>
        %add3A_371 = arith.constant 0 : i32
        %add3A_372 = vector.broadcast %add3A_371 : i32 to vector<16xi32>
        %add3A_373 = arith.addi %add3A_370, %add3A_372 : vector<16xi32>
        %gather3A_374 = tpu.vector_load_idx %arg7[%add3A_373] : memref<11104xf32, #tpu.memory_space<vmem>>[vector<16xi32>], vector<16xf32>,
        %add3A_375 = arith.addf %add3A_311, %gather3A_374 : vector<16xf32>
        %add3A_376 = arith.constant 32 : i32
        %add3A_377 = vector.broadcast %add3A_376 : i32 to vector<16xi32>
        %add3A_378 = arith.addi %add3A_138, %add3A_377 : vector<16xi32>
        %add3A_379 = arith.constant 1 : i32
        %add3A_380 = vector.broadcast %add3A_379 : i32 to vector<16xi32>
        %add3A_381 = arith.addi %add3A_378, %add3A_380 : vector<16xi32>
        %gather3A_382 = tpu.vector_load_idx %arg7[%add3A_381] : memref<11104xf32, #tpu.memory_space<vmem>>[vector<16xi32>], vector<16xf32>,
        %add3A_383 = arith.addf %add3A_319, %gather3A_382 : vector<16xf32>
        %add3A_384 = arith.constant 32 : i32
        %add3A_385 = vector.broadcast %add3A_384 : i32 to vector<16xi32>
        %add3A_386 = arith.addi %add3A_138, %add3A_385 : vector<16xi32>
        %add3A_387 = arith.constant 2 : i32
        %add3A_388 = vector.broadcast %add3A_387 : i32 to vector<16xi32>
        %add3A_389 = arith.addi %add3A_386, %add3A_388 : vector<16xi32>
        %gather3A_390 = tpu.vector_load_idx %arg7[%add3A_389] : memref<11104xf32, #tpu.memory_space<vmem>>[vector<16xi32>], vector<16xf32>,
        %add3A_391 = arith.addf %add3A_327, %gather3A_390 : vector<16xf32>
        %add3A_392 = arith.constant 32 : i32
        %add3A_393 = vector.broadcast %add3A_392 : i32 to vector<16xi32>
        %add3A_394 = arith.addi %add3A_138, %add3A_393 : vector<16xi32>
        %add3A_395 = arith.constant 3 : i32
        %add3A_396 = vector.broadcast %add3A_395 : i32 to vector<16xi32>
        %add3A_397 = arith.addi %add3A_394, %add3A_396 : vector<16xi32>
        %gather3A_398 = tpu.vector_load_idx %arg7[%add3A_397] : memref<11104xf32, #tpu.memory_space<vmem>>[vector<16xi32>], vector<16xf32>,
        %add3A_399 = arith.addf %add3A_335, %gather3A_398 : vector<16xf32>
        %add3A_400 = arith.constant 32 : i32
        %add3A_401 = vector.broadcast %add3A_400 : i32 to vector<16xi32>
        %add3A_402 = arith.addi %add3A_138, %add3A_401 : vector<16xi32>
        %add3A_403 = arith.constant 4 : i32
        %add3A_404 = vector.broadcast %add3A_403 : i32 to vector<16xi32>
        %add3A_405 = arith.addi %add3A_402, %add3A_404 : vector<16xi32>
        %gather3A_406 = tpu.vector_load_idx %arg7[%add3A_405] : memref<11104xf32, #tpu.memory_space<vmem>>[vector<16xi32>], vector<16xf32>,
        %add3A_407 = arith.addf %add3A_343, %gather3A_406 : vector<16xf32>
        %add3A_408 = arith.constant 32 : i32
        %add3A_409 = vector.broadcast %add3A_408 : i32 to vector<16xi32>
        %add3A_410 = arith.addi %add3A_138, %add3A_409 : vector<16xi32>
        %add3A_411 = arith.constant 5 : i32
        %add3A_412 = vector.broadcast %add3A_411 : i32 to vector<16xi32>
        %add3A_413 = arith.addi %add3A_410, %add3A_412 : vector<16xi32>
        %gather3A_414 = tpu.vector_load_idx %arg7[%add3A_413] : memref<11104xf32, #tpu.memory_space<vmem>>[vector<16xi32>], vector<16xf32>,
        %add3A_415 = arith.addf %add3A_351, %gather3A_414 : vector<16xf32>
        %add3A_416 = arith.constant 32 : i32
        %add3A_417 = vector.broadcast %add3A_416 : i32 to vector<16xi32>
        %add3A_418 = arith.addi %add3A_138, %add3A_417 : vector<16xi32>
        %add3A_419 = arith.constant 6 : i32
        %add3A_420 = vector.broadcast %add3A_419 : i32 to vector<16xi32>
        %add3A_421 = arith.addi %add3A_418, %add3A_420 : vector<16xi32>
        %gather3A_422 = tpu.vector_load_idx %arg7[%add3A_421] : memref<11104xf32, #tpu.memory_space<vmem>>[vector<16xi32>], vector<16xf32>,
        %add3A_423 = arith.addf %add3A_359, %gather3A_422 : vector<16xf32>
        %add3A_424 = arith.constant 32 : i32
        %add3A_425 = vector.broadcast %add3A_424 : i32 to vector<16xi32>
        %add3A_426 = arith.addi %add3A_138, %add3A_425 : vector<16xi32>
        %add3A_427 = arith.constant 7 : i32
        %add3A_428 = vector.broadcast %add3A_427 : i32 to vector<16xi32>
        %add3A_429 = arith.addi %add3A_426, %add3A_428 : vector<16xi32>
        %gather3A_430 = tpu.vector_load_idx %arg7[%add3A_429] : memref<11104xf32, #tpu.memory_space<vmem>>[vector<16xi32>], vector<16xf32>,
        %add3A_431 = arith.addf %add3A_367, %gather3A_430 : vector<16xf32>
        %add3A_432 = arith.constant 40 : i32
        %add3A_433 = vector.broadcast %add3A_432 : i32 to vector<16xi32>
        %add3A_434 = arith.addi %add3A_138, %add3A_433 : vector<16xi32>
        %add3A_435 = arith.constant 0 : i32
        %add3A_436 = vector.broadcast %add3A_435 : i32 to vector<16xi32>
        %add3A_437 = arith.addi %add3A_434, %add3A_436 : vector<16xi32>
        %gather3A_438 = tpu.vector_load_idx %arg7[%add3A_437] : memref<11104xf32, #tpu.memory_space<vmem>>[vector<16xi32>], vector<16xf32>,
        %add3A_439 = arith.addf %add3A_375, %gather3A_438 : vector<16xf32>
        %add3A_440 = arith.constant 40 : i32
        %add3A_441 = vector.broadcast %add3A_440 : i32 to vector<16xi32>
        %add3A_442 = arith.addi %add3A_138, %add3A_441 : vector<16xi32>
        %add3A_443 = arith.constant 1 : i32
        %add3A_444 = vector.broadcast %add3A_443 : i32 to vector<16xi32>
        %add3A_445 = arith.addi %add3A_442, %add3A_444 : vector<16xi32>
        %gather3A_446 = tpu.vector_load_idx %arg7[%add3A_445] : memref<11104xf32, #tpu.memory_space<vmem>>[vector<16xi32>], vector<16xf32>,
        %add3A_447 = arith.addf %add3A_383, %gather3A_446 : vector<16xf32>
        %add3A_448 = arith.constant 40 : i32
        %add3A_449 = vector.broadcast %add3A_448 : i32 to vector<16xi32>
        %add3A_450 = arith.addi %add3A_138, %add3A_449 : vector<16xi32>
        %add3A_451 = arith.constant 2 : i32
        %add3A_452 = vector.broadcast %add3A_451 : i32 to vector<16xi32>
        %add3A_453 = arith.addi %add3A_450, %add3A_452 : vector<16xi32>
        %gather3A_454 = tpu.vector_load_idx %arg7[%add3A_453] : memref<11104xf32, #tpu.memory_space<vmem>>[vector<16xi32>], vector<16xf32>,
        %add3A_455 = arith.addf %add3A_391, %gather3A_454 : vector<16xf32>
        %add3A_456 = arith.constant 40 : i32
        %add3A_457 = vector.broadcast %add3A_456 : i32 to vector<16xi32>
        %add3A_458 = arith.addi %add3A_138, %add3A_457 : vector<16xi32>
        %add3A_459 = arith.constant 3 : i32
        %add3A_460 = vector.broadcast %add3A_459 : i32 to vector<16xi32>
        %add3A_461 = arith.addi %add3A_458, %add3A_460 : vector<16xi32>
        %gather3A_462 = tpu.vector_load_idx %arg7[%add3A_461] : memref<11104xf32, #tpu.memory_space<vmem>>[vector<16xi32>], vector<16xf32>,
        %add3A_463 = arith.addf %add3A_399, %gather3A_462 : vector<16xf32>
        %add3A_464 = arith.constant 40 : i32
        %add3A_465 = vector.broadcast %add3A_464 : i32 to vector<16xi32>
        %add3A_466 = arith.addi %add3A_138, %add3A_465 : vector<16xi32>
        %add3A_467 = arith.constant 4 : i32
        %add3A_468 = vector.broadcast %add3A_467 : i32 to vector<16xi32>
        %add3A_469 = arith.addi %add3A_466, %add3A_468 : vector<16xi32>
        %gather3A_470 = tpu.vector_load_idx %arg7[%add3A_469] : memref<11104xf32, #tpu.memory_space<vmem>>[vector<16xi32>], vector<16xf32>,
        %add3A_471 = arith.addf %add3A_407, %gather3A_470 : vector<16xf32>
        %add3A_472 = arith.constant 40 : i32
        %add3A_473 = vector.broadcast %add3A_472 : i32 to vector<16xi32>
        %add3A_474 = arith.addi %add3A_138, %add3A_473 : vector<16xi32>
        %add3A_475 = arith.constant 5 : i32
        %add3A_476 = vector.broadcast %add3A_475 : i32 to vector<16xi32>
        %add3A_477 = arith.addi %add3A_474, %add3A_476 : vector<16xi32>
        %gather3A_478 = tpu.vector_load_idx %arg7[%add3A_477] : memref<11104xf32, #tpu.memory_space<vmem>>[vector<16xi32>], vector<16xf32>,
        %add3A_479 = arith.addf %add3A_415, %gather3A_478 : vector<16xf32>
        %add3A_480 = arith.constant 40 : i32
        %add3A_481 = vector.broadcast %add3A_480 : i32 to vector<16xi32>
        %add3A_482 = arith.addi %add3A_138, %add3A_481 : vector<16xi32>
        %add3A_483 = arith.constant 6 : i32
        %add3A_484 = vector.broadcast %add3A_483 : i32 to vector<16xi32>
        %add3A_485 = arith.addi %add3A_482, %add3A_484 : vector<16xi32>
        %gather3A_486 = tpu.vector_load_idx %arg7[%add3A_485] : memref<11104xf32, #tpu.memory_space<vmem>>[vector<16xi32>], vector<16xf32>,
        %add3A_487 = arith.addf %add3A_423, %gather3A_486 : vector<16xf32>
        %add3A_488 = arith.constant 40 : i32
        %add3A_489 = vector.broadcast %add3A_488 : i32 to vector<16xi32>
        %add3A_490 = arith.addi %add3A_138, %add3A_489 : vector<16xi32>
        %add3A_491 = arith.constant 7 : i32
        %add3A_492 = vector.broadcast %add3A_491 : i32 to vector<16xi32>
        %add3A_493 = arith.addi %add3A_490, %add3A_492 : vector<16xi32>
        %gather3A_494 = tpu.vector_load_idx %arg7[%add3A_493] : memref<11104xf32, #tpu.memory_space<vmem>>[vector<16xi32>], vector<16xf32>,
        %add3A_495 = arith.addf %add3A_431, %gather3A_494 : vector<16xf32>
        %add3A_496 = arith.constant 48 : i32
        %add3A_497 = vector.broadcast %add3A_496 : i32 to vector<16xi32>
        %add3A_498 = arith.addi %add3A_138, %add3A_497 : vector<16xi32>
        %add3A_499 = arith.constant 0 : i32
        %add3A_500 = vector.broadcast %add3A_499 : i32 to vector<16xi32>
        %add3A_501 = arith.addi %add3A_498, %add3A_500 : vector<16xi32>
        %gather3A_502 = tpu.vector_load_idx %arg7[%add3A_501] : memref<11104xf32, #tpu.memory_space<vmem>>[vector<16xi32>], vector<16xf32>,
        %add3A_503 = arith.addf %add3A_439, %gather3A_502 : vector<16xf32>
        %add3A_504 = arith.constant 48 : i32
        %add3A_505 = vector.broadcast %add3A_504 : i32 to vector<16xi32>
        %add3A_506 = arith.addi %add3A_138, %add3A_505 : vector<16xi32>
        %add3A_507 = arith.constant 1 : i32
        %add3A_508 = vector.broadcast %add3A_507 : i32 to vector<16xi32>
        %add3A_509 = arith.addi %add3A_506, %add3A_508 : vector<16xi32>
        %gather3A_510 = tpu.vector_load_idx %arg7[%add3A_509] : memref<11104xf32, #tpu.memory_space<vmem>>[vector<16xi32>], vector<16xf32>,
        %add3A_511 = arith.addf %add3A_447, %gather3A_510 : vector<16xf32>
        %add3A_512 = arith.constant 48 : i32
        %add3A_513 = vector.broadcast %add3A_512 : i32 to vector<16xi32>
        %add3A_514 = arith.addi %add3A_138, %add3A_513 : vector<16xi32>
        %add3A_515 = arith.constant 2 : i32
        %add3A_516 = vector.broadcast %add3A_515 : i32 to vector<16xi32>
        %add3A_517 = arith.addi %add3A_514, %add3A_516 : vector<16xi32>
        %gather3A_518 = tpu.vector_load_idx %arg7[%add3A_517] : memref<11104xf32, #tpu.memory_space<vmem>>[vector<16xi32>], vector<16xf32>,
        %add3A_519 = arith.addf %add3A_455, %gather3A_518 : vector<16xf32>
        %add3A_520 = arith.constant 48 : i32
        %add3A_521 = vector.broadcast %add3A_520 : i32 to vector<16xi32>
        %add3A_522 = arith.addi %add3A_138, %add3A_521 : vector<16xi32>
        %add3A_523 = arith.constant 3 : i32
        %add3A_524 = vector.broadcast %add3A_523 : i32 to vector<16xi32>
        %add3A_525 = arith.addi %add3A_522, %add3A_524 : vector<16xi32>
        %gather3A_526 = tpu.vector_load_idx %arg7[%add3A_525] : memref<11104xf32, #tpu.memory_space<vmem>>[vector<16xi32>], vector<16xf32>,
        %add3A_527 = arith.addf %add3A_463, %gather3A_526 : vector<16xf32>
        %add3A_528 = arith.constant 48 : i32
        %add3A_529 = vector.broadcast %add3A_528 : i32 to vector<16xi32>
        %add3A_530 = arith.addi %add3A_138, %add3A_529 : vector<16xi32>
        %add3A_531 = arith.constant 4 : i32
        %add3A_532 = vector.broadcast %add3A_531 : i32 to vector<16xi32>
        %add3A_533 = arith.addi %add3A_530, %add3A_532 : vector<16xi32>
        %gather3A_534 = tpu.vector_load_idx %arg7[%add3A_533] : memref<11104xf32, #tpu.memory_space<vmem>>[vector<16xi32>], vector<16xf32>,
        %add3A_535 = arith.addf %add3A_471, %gather3A_534 : vector<16xf32>
        %add3A_536 = arith.constant 48 : i32
        %add3A_537 = vector.broadcast %add3A_536 : i32 to vector<16xi32>
        %add3A_538 = arith.addi %add3A_138, %add3A_537 : vector<16xi32>
        %add3A_539 = arith.constant 5 : i32
        %add3A_540 = vector.broadcast %add3A_539 : i32 to vector<16xi32>
        %add3A_541 = arith.addi %add3A_538, %add3A_540 : vector<16xi32>
        %gather3A_542 = tpu.vector_load_idx %arg7[%add3A_541] : memref<11104xf32, #tpu.memory_space<vmem>>[vector<16xi32>], vector<16xf32>,
        %add3A_543 = arith.addf %add3A_479, %gather3A_542 : vector<16xf32>
        %add3A_544 = arith.constant 48 : i32
        %add3A_545 = vector.broadcast %add3A_544 : i32 to vector<16xi32>
        %add3A_546 = arith.addi %add3A_138, %add3A_545 : vector<16xi32>
        %add3A_547 = arith.constant 6 : i32
        %add3A_548 = vector.broadcast %add3A_547 : i32 to vector<16xi32>
        %add3A_549 = arith.addi %add3A_546, %add3A_548 : vector<16xi32>
        %gather3A_550 = tpu.vector_load_idx %arg7[%add3A_549] : memref<11104xf32, #tpu.memory_space<vmem>>[vector<16xi32>], vector<16xf32>,
        %add3A_551 = arith.addf %add3A_487, %gather3A_550 : vector<16xf32>
        %add3A_552 = arith.constant 48 : i32
        %add3A_553 = vector.broadcast %add3A_552 : i32 to vector<16xi32>
        %add3A_554 = arith.addi %add3A_138, %add3A_553 : vector<16xi32>
        %add3A_555 = arith.constant 7 : i32
        %add3A_556 = vector.broadcast %add3A_555 : i32 to vector<16xi32>
        %add3A_557 = arith.addi %add3A_554, %add3A_556 : vector<16xi32>
        %gather3A_558 = tpu.vector_load_idx %arg7[%add3A_557] : memref<11104xf32, #tpu.memory_space<vmem>>[vector<16xi32>], vector<16xf32>,
        %add3A_559 = arith.addf %add3A_495, %gather3A_558 : vector<16xf32>
        %add3A_560 = arith.constant 56 : i32
        %add3A_561 = vector.broadcast %add3A_560 : i32 to vector<16xi32>
        %add3A_562 = arith.addi %add3A_138, %add3A_561 : vector<16xi32>
        %add3A_563 = arith.constant 0 : i32
        %add3A_564 = vector.broadcast %add3A_563 : i32 to vector<16xi32>
        %add3A_565 = arith.addi %add3A_562, %add3A_564 : vector<16xi32>
        %gather3A_566 = tpu.vector_load_idx %arg7[%add3A_565] : memref<11104xf32, #tpu.memory_space<vmem>>[vector<16xi32>], vector<16xf32>,
        %add3A_567 = arith.addf %add3A_503, %gather3A_566 : vector<16xf32>
        %add3A_568 = arith.constant 56 : i32
        %add3A_569 = vector.broadcast %add3A_568 : i32 to vector<16xi32>
        %add3A_570 = arith.addi %add3A_138, %add3A_569 : vector<16xi32>
        %add3A_571 = arith.constant 1 : i32
        %add3A_572 = vector.broadcast %add3A_571 : i32 to vector<16xi32>
        %add3A_573 = arith.addi %add3A_570, %add3A_572 : vector<16xi32>
        %gather3A_574 = tpu.vector_load_idx %arg7[%add3A_573] : memref<11104xf32, #tpu.memory_space<vmem>>[vector<16xi32>], vector<16xf32>,
        %add3A_575 = arith.addf %add3A_511, %gather3A_574 : vector<16xf32>
        %add3A_576 = arith.constant 56 : i32
        %add3A_577 = vector.broadcast %add3A_576 : i32 to vector<16xi32>
        %add3A_578 = arith.addi %add3A_138, %add3A_577 : vector<16xi32>
        %add3A_579 = arith.constant 2 : i32
        %add3A_580 = vector.broadcast %add3A_579 : i32 to vector<16xi32>
        %add3A_581 = arith.addi %add3A_578, %add3A_580 : vector<16xi32>
        %gather3A_582 = tpu.vector_load_idx %arg7[%add3A_581] : memref<11104xf32, #tpu.memory_space<vmem>>[vector<16xi32>], vector<16xf32>,
        %add3A_583 = arith.addf %add3A_519, %gather3A_582 : vector<16xf32>
        %add3A_584 = arith.constant 56 : i32
        %add3A_585 = vector.broadcast %add3A_584 : i32 to vector<16xi32>
        %add3A_586 = arith.addi %add3A_138, %add3A_585 : vector<16xi32>
        %add3A_587 = arith.constant 3 : i32
        %add3A_588 = vector.broadcast %add3A_587 : i32 to vector<16xi32>
        %add3A_589 = arith.addi %add3A_586, %add3A_588 : vector<16xi32>
        %gather3A_590 = tpu.vector_load_idx %arg7[%add3A_589] : memref<11104xf32, #tpu.memory_space<vmem>>[vector<16xi32>], vector<16xf32>,
        %add3A_591 = arith.addf %add3A_527, %gather3A_590 : vector<16xf32>
        %add3A_592 = arith.constant 56 : i32
        %add3A_593 = vector.broadcast %add3A_592 : i32 to vector<16xi32>
        %add3A_594 = arith.addi %add3A_138, %add3A_593 : vector<16xi32>
        %add3A_595 = arith.constant 4 : i32
        %add3A_596 = vector.broadcast %add3A_595 : i32 to vector<16xi32>
        %add3A_597 = arith.addi %add3A_594, %add3A_596 : vector<16xi32>
        %gather3A_598 = tpu.vector_load_idx %arg7[%add3A_597] : memref<11104xf32, #tpu.memory_space<vmem>>[vector<16xi32>], vector<16xf32>,
        %add3A_599 = arith.addf %add3A_535, %gather3A_598 : vector<16xf32>
        %add3A_600 = arith.constant 56 : i32
        %add3A_601 = vector.broadcast %add3A_600 : i32 to vector<16xi32>
        %add3A_602 = arith.addi %add3A_138, %add3A_601 : vector<16xi32>
        %add3A_603 = arith.constant 5 : i32
        %add3A_604 = vector.broadcast %add3A_603 : i32 to vector<16xi32>
        %add3A_605 = arith.addi %add3A_602, %add3A_604 : vector<16xi32>
        %gather3A_606 = tpu.vector_load_idx %arg7[%add3A_605] : memref<11104xf32, #tpu.memory_space<vmem>>[vector<16xi32>], vector<16xf32>,
        %add3A_607 = arith.addf %add3A_543, %gather3A_606 : vector<16xf32>
        %add3A_608 = arith.constant 56 : i32
        %add3A_609 = vector.broadcast %add3A_608 : i32 to vector<16xi32>
        %add3A_610 = arith.addi %add3A_138, %add3A_609 : vector<16xi32>
        %add3A_611 = arith.constant 6 : i32
        %add3A_612 = vector.broadcast %add3A_611 : i32 to vector<16xi32>
        %add3A_613 = arith.addi %add3A_610, %add3A_612 : vector<16xi32>
        %gather3A_614 = tpu.vector_load_idx %arg7[%add3A_613] : memref<11104xf32, #tpu.memory_space<vmem>>[vector<16xi32>], vector<16xf32>,
        %add3A_615 = arith.addf %add3A_551, %gather3A_614 : vector<16xf32>
        %add3A_616 = arith.addf %add3A_567, %add3A_575 : vector<16xf32>
        %add3A_617 = arith.addf %add3A_583, %add3A_591 : vector<16xf32>
        %add3A_618 = arith.addf %add3A_599, %add3A_607 : vector<16xf32>
        %add3A_619 = arith.addf %add3A_615, %add3A_559 : vector<16xf32>
        %add3A_620 = arith.addf %add3A_616, %add3A_617 : vector<16xf32>
        %add3A_621 = arith.addf %add3A_618, %add3A_619 : vector<16xf32>
        %add3A_622 = arith.addf %add3A_620, %add3A_621 : vector<16xf32>
        %jit3A = arith.constant 0.000000e+00 : f32
        %broadcast_in_dim3A = vector.broadcast %jit3A : f32 to vector<16xf32>
        %select_n3A = arith.select %eq3A_143, %add3A_622, %broadcast_in_dim3A : vector<16xi1>, vector<16xf32>
        %swap3A = arith.index_cast %mul3A_133 : i32 to index
        %swap3A_623 = tpu.vector_load %arg9[%swap3A] {strides = array<i32>} : memref<3168xf32, #tpu.memory_space<vmem>>, vector<16xf32>,
        tpu.vector_store %arg9[%swap3A], %select_n3A {strides = array<i32>} : memref<3168xf32, #tpu.memory_space<vmem>>, vector<16xf32>,
        %swap3A_624 = arith.index_cast %mul3A_133 : i32 to index
        %swap3A_625 = tpu.vector_load %arg10[%swap3A_624] {strides = array<i32>} : memref<3168xi32, #tpu.memory_space<vmem>>, vector<16xi32>,
        tpu.vector_store %arg10[%swap3A_624], %gather3A {strides = array<i32>} : memref<3168xi32, #tpu.memory_space<vmem>>, vector<16xi32>,
        %not3A = arith.constant dense<true> : vector<16xi1>
        %not3A_626 = arith.xori %eq3A_143, %not3A : vector<16xi1>
        %all_reduce_population_count3A = tpu.all_reduce %not3A_626 {dim = 0 : i64, kind = #tpu.reduction_kind<sum>} : vector<16xi1> -> vector<16xi32>
        %slice3A = vector.extract_strided_slice %all_reduce_population_count3A {offsets = [0], sizes = [1], strides = [1]} : vector<16xi32> to vector<1xi32>
        %squeeze3A = vector.extract %slice3A[0] : i32 from vector<1xi32>
        %gt3A = arith.constant 0 : i32
        %gt3A_627 = arith.cmpi sgt, %squeeze3A, %gt3A : i32
        %convert_element_type3A_628 = arith.extui %gt3A_627 : i1 to i32
        %cond3A_629 = arith.constant 0 : i32
        %cond3A_630 = arith.cmpi ne, %convert_element_type3A_628, %cond3A_629 : i32
        scf.if %cond3A_630 {
          %convert_element_type3A_632 = arith.extui %not3A_626 : vector<16xi1> to vector<16xi32>
          %sub3A = arith.constant 0 : i32
          %sub3A_633 = arith.subi %squeeze3A, %sub3A : i32
          %sub3A_634 = arith.constant 1 : i32
          %sub3A_635 = arith.constant 1 : i32
          %sub3A_636 = arith.subi %sub3A_634, %sub3A_635 : i32
          %add3A_637 = arith.addi %sub3A_633, %sub3A_636 : i32
          %div3A = arith.constant 1 : i32
          %div3A_638 = arith.divsi %add3A_637, %div3A : i32
          %while3A = arith.constant 1 : i32
          %while3A_639 = arith.constant 0 : i32
          %while3A_640 = arith.constant 0 : i32
          %while3A_641 = arith.subi %div3A_638, %while3A_640 : i32
          %while3A_642 = arith.addi %while3A_640, %while3A_641 : i32
          %while3A_643 = arith.constant 1 : i32
          %while3A_644 = arith.divsi %while3A_641, %while3A_643 : i32
          %while3A_645 = arith.muli %while3A_644, %while3A_643 : i32
          %while3A_646 = arith.addi %while3A_640, %while3A_645 : i32
          %while3A_647 = arith.constant 1 : i32
          %while3A_648 = scf.for %while3A_651 = %while3A_640 to %while3A_646 step %while3A_647 iter_args(%while3A_652 = %convert_element_type3A_632) -> (vector<16xi32>)  : i32 {
            %mul3A_653 = arith.muli %while3A_651, %while3A : i32
            %add3A_654 = arith.addi %while3A_639, %mul3A_653 : i32
            %ne3A = arith.constant 0 : i32
            %ne3A_655 = vector.broadcast %ne3A : i32 to vector<16xi32>
            %ne3A_656 = arith.cmpi ne, %while3A_652, %ne3A_655 : vector<16xi32>
            %all_reduce_ffs3A = tpu.all_reduce %ne3A_656 {dim = 0 : i64, kind = #tpu.reduction_kind<find_first_set>} : vector<16xi1> -> vector<16xi32>
            %slice3A_657 = vector.extract_strided_slice %all_reduce_ffs3A {offsets = [0], sizes = [1], strides = [1]} : vector<16xi32> to vector<1xi32>
            %squeeze3A_658 = vector.extract %slice3A_657[0] : i32 from vector<1xi32>
            %add3A_659 = arith.addi %scan3A_122, %add3A_654 : i32
            %rem3A = arith.constant 8 : i32
            %rem3A_660 = arith.remsi %add3A_659, %rem3A : i32
            %ge3A = arith.constant 8 : i32
            %ge3A_661 = arith.cmpi sge, %add3A_659, %ge3A : i32
            %convert_element_type3A_662 = arith.extui %ge3A_661 : i1 to i32
            %cond3A_663 = arith.constant 0 : i32
            %cond3A_664 = arith.cmpi ne, %convert_element_type3A_662, %cond3A_663 : i32
            scf.if %cond3A_664 {
              %dma_wait3A_740 = arith.constant 0 : i32
              %dma_wait3A_741 = tpu.memref_slice %arg11[%rem3A_660, %dma_wait3A_740] : memref<8x64xf32, #tpu.memory_space<vmem>> -> memref<1x64xf32, #tpu.memory_space<vmem>>
              %dma_wait3A_742 = tpu.memref_squeeze %dma_wait3A_741 : memref<1x64xf32, #tpu.memory_space<vmem>> -> memref<64xf32, #tpu.memory_space<vmem>>
              %dma_wait3A_743 = arith.constant 0 : i32
              %dma_wait3A_744 = tpu.memref_slice %arg12[%rem3A_660, %dma_wait3A_743] : memref<8x64xi32, #tpu.memory_space<vmem>> -> memref<1x64xi32, #tpu.memory_space<vmem>>
              %dma_wait3A_745 = tpu.memref_squeeze %dma_wait3A_744 : memref<1x64xi32, #tpu.memory_space<vmem>> -> memref<64xi32, #tpu.memory_space<vmem>>
              %dma_wait3A_746 = arith.constant 0 : i32
              %dma_wait3A_747 = tpu.memref_slice %arg16[%dma_wait3A_746] : memref<4096xf32, #tpu.memory_space<vmem_shared>> -> memref<4096xf32, #tpu.memory_space<vmem_shared>>
              tpu.wait_indirect_dma semaphore(%arg18 : memref<!tpu.dma_semaphore, #tpu.memory_space<semaphore_mem>>) src(%dma_wait3A_742 : memref<64xf32, #tpu.memory_space<vmem>>) dst(%dma_wait3A_747 : memref<4096xf32, #tpu.memory_space<vmem_shared>>)
            } else {
            }
            %mul3A_665 = arith.constant 63 : i32
            %mul3A_666 = arith.muli %squeeze3A_658, %mul3A_665 : i32
            %add3A_667 = arith.addi %mul3A_128, %mul3A_666 : i32
            %add3A_668 = arith.constant 0 : i32
            %add3A_669 = arith.addi %add3A_667, %add3A_668 : i32
            %get3A = arith.index_cast %add3A_669 : i32 to index
            %get3A_670 = tpu.vector_load %arg7[%get3A] {strides = array<i32>} : memref<11104xf32, #tpu.memory_space<vmem>>, vector<16xf32>,
            %swap3A_671 = arith.index_cast %rem3A_660 : i32 to index
            %swap3A_672 = arith.constant 0 : index
            %swap3A_673 = tpu.vector_load %arg11[%swap3A_671, %swap3A_672] {strides = array<i32>} : memref<8x64xf32, #tpu.memory_space<vmem>>, vector<16xf32>,
            tpu.vector_store %arg11[%swap3A_671, %swap3A_672], %get3A_670 {strides = array<i32>} : memref<8x64xf32, #tpu.memory_space<vmem>>, vector<16xf32>,
            %add3A_674 = arith.constant 0 : i32
            %add3A_675 = arith.addi %add3A_667, %add3A_674 : i32
            %get3A_676 = arith.index_cast %add3A_675 : i32 to index
            %get3A_677 = tpu.vector_load %arg8[%get3A_676] {strides = array<i32>} : memref<11104xi32, #tpu.memory_space<vmem>>, vector<16xi32>,
            %swap3A_678 = arith.index_cast %rem3A_660 : i32 to index
            %swap3A_679 = arith.constant 0 : index
            %swap3A_680 = tpu.vector_load %arg12[%swap3A_678, %swap3A_679] {strides = array<i32>} : memref<8x64xi32, #tpu.memory_space<vmem>>, vector<16xi32>,
            tpu.vector_store %arg12[%swap3A_678, %swap3A_679], %get3A_677 {strides = array<i32>} : memref<8x64xi32, #tpu.memory_space<vmem>>, vector<16xi32>,
            %add3A_681 = arith.constant 16 : i32
            %add3A_682 = arith.addi %add3A_667, %add3A_681 : i32
            %get3A_683 = arith.index_cast %add3A_682 : i32 to index
            %get3A_684 = tpu.vector_load %arg7[%get3A_683] {strides = array<i32>} : memref<11104xf32, #tpu.memory_space<vmem>>, vector<16xf32>,
            %swap3A_685 = arith.index_cast %rem3A_660 : i32 to index
            %swap3A_686 = arith.constant 16 : index
            %swap3A_687 = tpu.vector_load %arg11[%swap3A_685, %swap3A_686] {strides = array<i32>} : memref<8x64xf32, #tpu.memory_space<vmem>>, vector<16xf32>,
            tpu.vector_store %arg11[%swap3A_685, %swap3A_686], %get3A_684 {strides = array<i32>} : memref<8x64xf32, #tpu.memory_space<vmem>>, vector<16xf32>,
            %add3A_688 = arith.constant 16 : i32
            %add3A_689 = arith.addi %add3A_667, %add3A_688 : i32
            %get3A_690 = arith.index_cast %add3A_689 : i32 to index
            %get3A_691 = tpu.vector_load %arg8[%get3A_690] {strides = array<i32>} : memref<11104xi32, #tpu.memory_space<vmem>>, vector<16xi32>,
            %swap3A_692 = arith.index_cast %rem3A_660 : i32 to index
            %swap3A_693 = arith.constant 16 : index
            %swap3A_694 = tpu.vector_load %arg12[%swap3A_692, %swap3A_693] {strides = array<i32>} : memref<8x64xi32, #tpu.memory_space<vmem>>, vector<16xi32>,
            tpu.vector_store %arg12[%swap3A_692, %swap3A_693], %get3A_691 {strides = array<i32>} : memref<8x64xi32, #tpu.memory_space<vmem>>, vector<16xi32>,
            %add3A_695 = arith.constant 32 : i32
            %add3A_696 = arith.addi %add3A_667, %add3A_695 : i32
            %get3A_697 = arith.index_cast %add3A_696 : i32 to index
            %get3A_698 = tpu.vector_load %arg7[%get3A_697] {strides = array<i32>} : memref<11104xf32, #tpu.memory_space<vmem>>, vector<16xf32>,
            %swap3A_699 = arith.index_cast %rem3A_660 : i32 to index
            %swap3A_700 = arith.constant 32 : index
            %swap3A_701 = tpu.vector_load %arg11[%swap3A_699, %swap3A_700] {strides = array<i32>} : memref<8x64xf32, #tpu.memory_space<vmem>>, vector<16xf32>,
            tpu.vector_store %arg11[%swap3A_699, %swap3A_700], %get3A_698 {strides = array<i32>} : memref<8x64xf32, #tpu.memory_space<vmem>>, vector<16xf32>,
            %add3A_702 = arith.constant 32 : i32
            %add3A_703 = arith.addi %add3A_667, %add3A_702 : i32
            %get3A_704 = arith.index_cast %add3A_703 : i32 to index
            %get3A_705 = tpu.vector_load %arg8[%get3A_704] {strides = array<i32>} : memref<11104xi32, #tpu.memory_space<vmem>>, vector<16xi32>,
            %swap3A_706 = arith.index_cast %rem3A_660 : i32 to index
            %swap3A_707 = arith.constant 32 : index
            %swap3A_708 = tpu.vector_load %arg12[%swap3A_706, %swap3A_707] {strides = array<i32>} : memref<8x64xi32, #tpu.memory_space<vmem>>, vector<16xi32>,
            tpu.vector_store %arg12[%swap3A_706, %swap3A_707], %get3A_705 {strides = array<i32>} : memref<8x64xi32, #tpu.memory_space<vmem>>, vector<16xi32>,
            %add3A_709 = arith.constant 48 : i32
            %add3A_710 = arith.addi %add3A_667, %add3A_709 : i32
            %get3A_711 = arith.index_cast %add3A_710 : i32 to index
            %get3A_712 = tpu.vector_load %arg7[%get3A_711] {strides = array<i32>} : memref<11104xf32, #tpu.memory_space<vmem>>, vector<16xf32>,
            %jit3A_713 = arith.constant 0.000000e+00 : f32
            %broadcast_in_dim3A_714 = vector.broadcast %jit3A_713 : f32 to vector<16xf32>
            %select_n3A_715 = arith.select %eq3A_10, %broadcast_in_dim3A_714, %get3A_712 : vector<16xi1>, vector<16xf32>
            %swap3A_716 = arith.index_cast %rem3A_660 : i32 to index
            %swap3A_717 = arith.constant 48 : index
            %swap3A_718 = tpu.vector_load %arg11[%swap3A_716, %swap3A_717] {strides = array<i32>} : memref<8x64xf32, #tpu.memory_space<vmem>>, vector<16xf32>,
            tpu.vector_store %arg11[%swap3A_716, %swap3A_717], %select_n3A_715 {strides = array<i32>} : memref<8x64xf32, #tpu.memory_space<vmem>>, vector<16xf32>,
            %add3A_719 = arith.constant 48 : i32
            %add3A_720 = arith.addi %add3A_667, %add3A_719 : i32
            %get3A_721 = arith.index_cast %add3A_720 : i32 to index
            %get3A_722 = tpu.vector_load %arg8[%get3A_721] {strides = array<i32>} : memref<11104xi32, #tpu.memory_space<vmem>>, vector<16xi32>,
            %jit3A_723 = arith.constant 0 : i32
            %broadcast_in_dim3A_724 = vector.broadcast %jit3A_723 : i32 to vector<16xi32>
            %select_n3A_725 = arith.select %eq3A_10, %broadcast_in_dim3A_724, %get3A_722 : vector<16xi1>, vector<16xi32>
            %swap3A_726 = arith.index_cast %rem3A_660 : i32 to index
            %swap3A_727 = arith.constant 48 : index
            %swap3A_728 = tpu.vector_load %arg12[%swap3A_726, %swap3A_727] {strides = array<i32>} : memref<8x64xi32, #tpu.memory_space<vmem>>, vector<16xi32>,
            tpu.vector_store %arg12[%swap3A_726, %swap3A_727], %select_n3A_725 {strides = array<i32>} : memref<8x64xi32, #tpu.memory_space<vmem>>, vector<16xi32>,
            %dma_start3A_729 = arith.constant 0 : i32
            %dma_start3A_730 = tpu.memref_slice %arg11[%rem3A_660, %dma_start3A_729] : memref<8x64xf32, #tpu.memory_space<vmem>> -> memref<1x64xf32, #tpu.memory_space<vmem>>
            %dma_start3A_731 = tpu.memref_squeeze %dma_start3A_730 : memref<1x64xf32, #tpu.memory_space<vmem>> -> memref<64xf32, #tpu.memory_space<vmem>>
            %dma_start3A_732 = arith.constant 0 : i32
            %dma_start3A_733 = tpu.memref_slice %arg12[%rem3A_660, %dma_start3A_732] : memref<8x64xi32, #tpu.memory_space<vmem>> -> memref<1x64xi32, #tpu.memory_space<vmem>>
            %dma_start3A_734 = tpu.memref_squeeze %dma_start3A_733 : memref<1x64xi32, #tpu.memory_space<vmem>> -> memref<64xi32, #tpu.memory_space<vmem>>
            %dma_start3A_735 = arith.constant 0 : i32
            %dma_start3A_736 = tpu.memref_slice %arg16[%dma_start3A_735] : memref<4096xf32, #tpu.memory_space<vmem_shared>> -> memref<4096xf32, #tpu.memory_space<vmem_shared>>
            tpu.enqueue_indirect_dma source(%dma_start3A_731 : memref<64xf32, #tpu.memory_space<vmem>>) target(%dma_start3A_736 : memref<4096xf32, #tpu.memory_space<vmem_shared>>) offsets(%dma_start3A_734 : memref<64xi32, #tpu.memory_space<vmem>>) semaphore(%arg18 : memref<!tpu.dma_semaphore, #tpu.memory_space<semaphore_mem>>) {add = true}
            %ne3A_737 = vector.broadcast %squeeze3A_658 : i32 to vector<16xi32>
            %ne3A_738 = arith.cmpi ne, %iota3A, %ne3A_737 : vector<16xi32>
            %convert_element_type3A_739 = arith.extui %ne3A_738 : vector<16xi1> to vector<16xi32>
            %and3A = arith.andi %while3A_652, %convert_element_type3A_739 : vector<16xi32>
            scf.yield %and3A : vector<16xi32>
          }
          %while3A_649 = arith.constant 1 : i32
          %while3A_650 = scf.for %while3A_651 = %while3A_646 to %while3A_642 step %while3A_649 iter_args(%while3A_652 = %while3A_648) -> (vector<16xi32>)  : i32 {
            %mul3A_653 = arith.muli %while3A_651, %while3A : i32
            %add3A_654 = arith.addi %while3A_639, %mul3A_653 : i32
            %ne3A = arith.constant 0 : i32
            %ne3A_655 = vector.broadcast %ne3A : i32 to vector<16xi32>
            %ne3A_656 = arith.cmpi ne, %while3A_652, %ne3A_655 : vector<16xi32>
            %all_reduce_ffs3A = tpu.all_reduce %ne3A_656 {dim = 0 : i64, kind = #tpu.reduction_kind<find_first_set>} : vector<16xi1> -> vector<16xi32>
            %slice3A_657 = vector.extract_strided_slice %all_reduce_ffs3A {offsets = [0], sizes = [1], strides = [1]} : vector<16xi32> to vector<1xi32>
            %squeeze3A_658 = vector.extract %slice3A_657[0] : i32 from vector<1xi32>
            %add3A_659 = arith.addi %scan3A_122, %add3A_654 : i32
            %rem3A = arith.constant 8 : i32
            %rem3A_660 = arith.remsi %add3A_659, %rem3A : i32
            %ge3A = arith.constant 8 : i32
            %ge3A_661 = arith.cmpi sge, %add3A_659, %ge3A : i32
            %convert_element_type3A_662 = arith.extui %ge3A_661 : i1 to i32
            %cond3A_663 = arith.constant 0 : i32
            %cond3A_664 = arith.cmpi ne, %convert_element_type3A_662, %cond3A_663 : i32
            scf.if %cond3A_664 {
              %dma_wait3A_740 = arith.constant 0 : i32
              %dma_wait3A_741 = tpu.memref_slice %arg11[%rem3A_660, %dma_wait3A_740] : memref<8x64xf32, #tpu.memory_space<vmem>> -> memref<1x64xf32, #tpu.memory_space<vmem>>
              %dma_wait3A_742 = tpu.memref_squeeze %dma_wait3A_741 : memref<1x64xf32, #tpu.memory_space<vmem>> -> memref<64xf32, #tpu.memory_space<vmem>>
              %dma_wait3A_743 = arith.constant 0 : i32
              %dma_wait3A_744 = tpu.memref_slice %arg12[%rem3A_660, %dma_wait3A_743] : memref<8x64xi32, #tpu.memory_space<vmem>> -> memref<1x64xi32, #tpu.memory_space<vmem>>
              %dma_wait3A_745 = tpu.memref_squeeze %dma_wait3A_744 : memref<1x64xi32, #tpu.memory_space<vmem>> -> memref<64xi32, #tpu.memory_space<vmem>>
              %dma_wait3A_746 = arith.constant 0 : i32
              %dma_wait3A_747 = tpu.memref_slice %arg16[%dma_wait3A_746] : memref<4096xf32, #tpu.memory_space<vmem_shared>> -> memref<4096xf32, #tpu.memory_space<vmem_shared>>
              tpu.wait_indirect_dma semaphore(%arg18 : memref<!tpu.dma_semaphore, #tpu.memory_space<semaphore_mem>>) src(%dma_wait3A_742 : memref<64xf32, #tpu.memory_space<vmem>>) dst(%dma_wait3A_747 : memref<4096xf32, #tpu.memory_space<vmem_shared>>)
            } else {
            }
            %mul3A_665 = arith.constant 63 : i32
            %mul3A_666 = arith.muli %squeeze3A_658, %mul3A_665 : i32
            %add3A_667 = arith.addi %mul3A_128, %mul3A_666 : i32
            %add3A_668 = arith.constant 0 : i32
            %add3A_669 = arith.addi %add3A_667, %add3A_668 : i32
            %get3A = arith.index_cast %add3A_669 : i32 to index
            %get3A_670 = tpu.vector_load %arg7[%get3A] {strides = array<i32>} : memref<11104xf32, #tpu.memory_space<vmem>>, vector<16xf32>,
            %swap3A_671 = arith.index_cast %rem3A_660 : i32 to index
            %swap3A_672 = arith.constant 0 : index
            %swap3A_673 = tpu.vector_load %arg11[%swap3A_671, %swap3A_672] {strides = array<i32>} : memref<8x64xf32, #tpu.memory_space<vmem>>, vector<16xf32>,
            tpu.vector_store %arg11[%swap3A_671, %swap3A_672], %get3A_670 {strides = array<i32>} : memref<8x64xf32, #tpu.memory_space<vmem>>, vector<16xf32>,
            %add3A_674 = arith.constant 0 : i32
            %add3A_675 = arith.addi %add3A_667, %add3A_674 : i32
            %get3A_676 = arith.index_cast %add3A_675 : i32 to index
            %get3A_677 = tpu.vector_load %arg8[%get3A_676] {strides = array<i32>} : memref<11104xi32, #tpu.memory_space<vmem>>, vector<16xi32>,
            %swap3A_678 = arith.index_cast %rem3A_660 : i32 to index
            %swap3A_679 = arith.constant 0 : index
            %swap3A_680 = tpu.vector_load %arg12[%swap3A_678, %swap3A_679] {strides = array<i32>} : memref<8x64xi32, #tpu.memory_space<vmem>>, vector<16xi32>,
            tpu.vector_store %arg12[%swap3A_678, %swap3A_679], %get3A_677 {strides = array<i32>} : memref<8x64xi32, #tpu.memory_space<vmem>>, vector<16xi32>,
            %add3A_681 = arith.constant 16 : i32
            %add3A_682 = arith.addi %add3A_667, %add3A_681 : i32
            %get3A_683 = arith.index_cast %add3A_682 : i32 to index
            %get3A_684 = tpu.vector_load %arg7[%get3A_683] {strides = array<i32>} : memref<11104xf32, #tpu.memory_space<vmem>>, vector<16xf32>,
            %swap3A_685 = arith.index_cast %rem3A_660 : i32 to index
            %swap3A_686 = arith.constant 16 : index
            %swap3A_687 = tpu.vector_load %arg11[%swap3A_685, %swap3A_686] {strides = array<i32>} : memref<8x64xf32, #tpu.memory_space<vmem>>, vector<16xf32>,
            tpu.vector_store %arg11[%swap3A_685, %swap3A_686], %get3A_684 {strides = array<i32>} : memref<8x64xf32, #tpu.memory_space<vmem>>, vector<16xf32>,
            %add3A_688 = arith.constant 16 : i32
            %add3A_689 = arith.addi %add3A_667, %add3A_688 : i32
            %get3A_690 = arith.index_cast %add3A_689 : i32 to index
            %get3A_691 = tpu.vector_load %arg8[%get3A_690] {strides = array<i32>} : memref<11104xi32, #tpu.memory_space<vmem>>, vector<16xi32>,
            %swap3A_692 = arith.index_cast %rem3A_660 : i32 to index
            %swap3A_693 = arith.constant 16 : index
            %swap3A_694 = tpu.vector_load %arg12[%swap3A_692, %swap3A_693] {strides = array<i32>} : memref<8x64xi32, #tpu.memory_space<vmem>>, vector<16xi32>,
            tpu.vector_store %arg12[%swap3A_692, %swap3A_693], %get3A_691 {strides = array<i32>} : memref<8x64xi32, #tpu.memory_space<vmem>>, vector<16xi32>,
            %add3A_695 = arith.constant 32 : i32
            %add3A_696 = arith.addi %add3A_667, %add3A_695 : i32
            %get3A_697 = arith.index_cast %add3A_696 : i32 to index
            %get3A_698 = tpu.vector_load %arg7[%get3A_697] {strides = array<i32>} : memref<11104xf32, #tpu.memory_space<vmem>>, vector<16xf32>,
            %swap3A_699 = arith.index_cast %rem3A_660 : i32 to index
            %swap3A_700 = arith.constant 32 : index
            %swap3A_701 = tpu.vector_load %arg11[%swap3A_699, %swap3A_700] {strides = array<i32>} : memref<8x64xf32, #tpu.memory_space<vmem>>, vector<16xf32>,
            tpu.vector_store %arg11[%swap3A_699, %swap3A_700], %get3A_698 {strides = array<i32>} : memref<8x64xf32, #tpu.memory_space<vmem>>, vector<16xf32>,
            %add3A_702 = arith.constant 32 : i32
            %add3A_703 = arith.addi %add3A_667, %add3A_702 : i32
            %get3A_704 = arith.index_cast %add3A_703 : i32 to index
            %get3A_705 = tpu.vector_load %arg8[%get3A_704] {strides = array<i32>} : memref<11104xi32, #tpu.memory_space<vmem>>, vector<16xi32>,
            %swap3A_706 = arith.index_cast %rem3A_660 : i32 to index
            %swap3A_707 = arith.constant 32 : index
            %swap3A_708 = tpu.vector_load %arg12[%swap3A_706, %swap3A_707] {strides = array<i32>} : memref<8x64xi32, #tpu.memory_space<vmem>>, vector<16xi32>,
            tpu.vector_store %arg12[%swap3A_706, %swap3A_707], %get3A_705 {strides = array<i32>} : memref<8x64xi32, #tpu.memory_space<vmem>>, vector<16xi32>,
            %add3A_709 = arith.constant 48 : i32
            %add3A_710 = arith.addi %add3A_667, %add3A_709 : i32
            %get3A_711 = arith.index_cast %add3A_710 : i32 to index
            %get3A_712 = tpu.vector_load %arg7[%get3A_711] {strides = array<i32>} : memref<11104xf32, #tpu.memory_space<vmem>>, vector<16xf32>,
            %jit3A_713 = arith.constant 0.000000e+00 : f32
            %broadcast_in_dim3A_714 = vector.broadcast %jit3A_713 : f32 to vector<16xf32>
            %select_n3A_715 = arith.select %eq3A_10, %broadcast_in_dim3A_714, %get3A_712 : vector<16xi1>, vector<16xf32>
            %swap3A_716 = arith.index_cast %rem3A_660 : i32 to index
            %swap3A_717 = arith.constant 48 : index
            %swap3A_718 = tpu.vector_load %arg11[%swap3A_716, %swap3A_717] {strides = array<i32>} : memref<8x64xf32, #tpu.memory_space<vmem>>, vector<16xf32>,
            tpu.vector_store %arg11[%swap3A_716, %swap3A_717], %select_n3A_715 {strides = array<i32>} : memref<8x64xf32, #tpu.memory_space<vmem>>, vector<16xf32>,
            %add3A_719 = arith.constant 48 : i32
            %add3A_720 = arith.addi %add3A_667, %add3A_719 : i32
            %get3A_721 = arith.index_cast %add3A_720 : i32 to index
            %get3A_722 = tpu.vector_load %arg8[%get3A_721] {strides = array<i32>} : memref<11104xi32, #tpu.memory_space<vmem>>, vector<16xi32>,
            %jit3A_723 = arith.constant 0 : i32
            %broadcast_in_dim3A_724 = vector.broadcast %jit3A_723 : i32 to vector<16xi32>
            %select_n3A_725 = arith.select %eq3A_10, %broadcast_in_dim3A_724, %get3A_722 : vector<16xi1>, vector<16xi32>
            %swap3A_726 = arith.index_cast %rem3A_660 : i32 to index
            %swap3A_727 = arith.constant 48 : index
            %swap3A_728 = tpu.vector_load %arg12[%swap3A_726, %swap3A_727] {strides = array<i32>} : memref<8x64xi32, #tpu.memory_space<vmem>>, vector<16xi32>,
            tpu.vector_store %arg12[%swap3A_726, %swap3A_727], %select_n3A_725 {strides = array<i32>} : memref<8x64xi32, #tpu.memory_space<vmem>>, vector<16xi32>,
            %dma_start3A_729 = arith.constant 0 : i32
            %dma_start3A_730 = tpu.memref_slice %arg11[%rem3A_660, %dma_start3A_729] : memref<8x64xf32, #tpu.memory_space<vmem>> -> memref<1x64xf32, #tpu.memory_space<vmem>>
            %dma_start3A_731 = tpu.memref_squeeze %dma_start3A_730 : memref<1x64xf32, #tpu.memory_space<vmem>> -> memref<64xf32, #tpu.memory_space<vmem>>
            %dma_start3A_732 = arith.constant 0 : i32
            %dma_start3A_733 = tpu.memref_slice %arg12[%rem3A_660, %dma_start3A_732] : memref<8x64xi32, #tpu.memory_space<vmem>> -> memref<1x64xi32, #tpu.memory_space<vmem>>
            %dma_start3A_734 = tpu.memref_squeeze %dma_start3A_733 : memref<1x64xi32, #tpu.memory_space<vmem>> -> memref<64xi32, #tpu.memory_space<vmem>>
            %dma_start3A_735 = arith.constant 0 : i32
            %dma_start3A_736 = tpu.memref_slice %arg16[%dma_start3A_735] : memref<4096xf32, #tpu.memory_space<vmem_shared>> -> memref<4096xf32, #tpu.memory_space<vmem_shared>>
            tpu.enqueue_indirect_dma source(%dma_start3A_731 : memref<64xf32, #tpu.memory_space<vmem>>) target(%dma_start3A_736 : memref<4096xf32, #tpu.memory_space<vmem_shared>>) offsets(%dma_start3A_734 : memref<64xi32, #tpu.memory_space<vmem>>) semaphore(%arg18 : memref<!tpu.dma_semaphore, #tpu.memory_space<semaphore_mem>>) {add = true}
            %ne3A_737 = vector.broadcast %squeeze3A_658 : i32 to vector<16xi32>
            %ne3A_738 = arith.cmpi ne, %iota3A, %ne3A_737 : vector<16xi32>
            %convert_element_type3A_739 = arith.extui %ne3A_738 : vector<16xi1> to vector<16xi32>
            %and3A = arith.andi %while3A_652, %convert_element_type3A_739 : vector<16xi32>
            scf.yield %and3A : vector<16xi32>
          }
        } else {
        }
        %add3A_631 = arith.addi %scan3A_122, %squeeze3A : i32
        scf.yield %add3A_631 : i32
      }
      %scan3A_120 = arith.constant 11 : i32
      scf.yield %scan3A_119 : i32
    }
    %scan3A_30 = arith.constant 9 : i32
    %scan3A_31 = arith.constant 0 : i32
    %scan3A_32 = arith.constant 8 : i32
    %scan3A_33 = arith.addi %scan3A_31, %scan3A_32 : i32
    %scan3A_34 = arith.constant 1 : i32
    scf.for %scan3A_44 = %scan3A_31 to %scan3A_33 step %scan3A_34  : i32 {
      %mul3A_45 = arith.constant 1 : i32
      %mul3A_46 = arith.muli %scan3A_44, %mul3A_45 : i32
      %add3A_47 = arith.constant 0 : i32
      %add3A_48 = arith.addi %add3A_47, %mul3A_46 : i32
      %min3A = arith.constant 8 : i32
      %min3A_49 = arith.minsi %scan3A_29, %min3A : i32
      %lt3A_50 = arith.cmpi slt, %add3A_48, %min3A_49 : i32
      %convert_element_type3A_51 = arith.extui %lt3A_50 : i1 to i32
      %cond3A_52 = arith.constant 0 : i32
      %cond3A_53 = arith.cmpi ne, %convert_element_type3A_51, %cond3A_52 : i32
      scf.if %cond3A_53 {
        %dma_wait3A = arith.constant 0 : i32
        %dma_wait3A_54 = tpu.memref_slice %arg11[%add3A_48, %dma_wait3A] : memref<8x64xf32, #tpu.memory_space<vmem>> -> memref<1x64xf32, #tpu.memory_space<vmem>>
        %dma_wait3A_55 = tpu.memref_squeeze %dma_wait3A_54 : memref<1x64xf32, #tpu.memory_space<vmem>> -> memref<64xf32, #tpu.memory_space<vmem>>
        %dma_wait3A_56 = arith.constant 0 : i32
        %dma_wait3A_57 = tpu.memref_slice %arg12[%add3A_48, %dma_wait3A_56] : memref<8x64xi32, #tpu.memory_space<vmem>> -> memref<1x64xi32, #tpu.memory_space<vmem>>
        %dma_wait3A_58 = tpu.memref_squeeze %dma_wait3A_57 : memref<1x64xi32, #tpu.memory_space<vmem>> -> memref<64xi32, #tpu.memory_space<vmem>>
        %dma_wait3A_59 = arith.constant 0 : i32
        %dma_wait3A_60 = tpu.memref_slice %arg16[%dma_wait3A_59] : memref<4096xf32, #tpu.memory_space<vmem_shared>> -> memref<4096xf32, #tpu.memory_space<vmem_shared>>
        tpu.wait_indirect_dma semaphore(%arg18 : memref<!tpu.dma_semaphore, #tpu.memory_space<semaphore_mem>>) src(%dma_wait3A_55 : memref<64xf32, #tpu.memory_space<vmem>>) dst(%dma_wait3A_60 : memref<4096xf32, #tpu.memory_space<vmem_shared>>)
      } else {
      }
    }
    %scan3A_35 = arith.constant 8 : i32
    "tpu.region"() ({
      %run_scoped3A = tpu.sem_alloc : memref<!tpu.dma_semaphore, #tpu.memory_space<semaphore_mem>>
      %dma_start3A_44 = arith.constant 0 : i32
      %dma_start3A_45 = tpu.memref_slice %arg16[%dma_start3A_44] : memref<4096xf32, #tpu.memory_space<vmem_shared>> -> memref<4096xf32, #tpu.memory_space<vmem_shared>>
      tpu.enqueue_indirect_dma source(%arg9 : memref<3168xf32, #tpu.memory_space<vmem>>) target(%dma_start3A_45 : memref<4096xf32, #tpu.memory_space<vmem_shared>>) offsets(%arg10 : memref<3168xi32, #tpu.memory_space<vmem>>) semaphore(%run_scoped3A : memref<!tpu.dma_semaphore, #tpu.memory_space<semaphore_mem>>) {add = true}
      %dma_wait3A = arith.constant 0 : i32
      %dma_wait3A_46 = tpu.memref_slice %arg16[%dma_wait3A] : memref<4096xf32, #tpu.memory_space<vmem_shared>> -> memref<4096xf32, #tpu.memory_space<vmem_shared>>
      tpu.wait_indirect_dma semaphore(%run_scoped3A : memref<!tpu.dma_semaphore, #tpu.memory_space<semaphore_mem>>) src(%arg9 : memref<3168xf32, #tpu.memory_space<vmem>>) dst(%dma_wait3A_46 : memref<4096xf32, #tpu.memory_space<vmem_shared>>)
      tpu.yield
    }) : () -> ()
    %lt3A = arith.constant 13 : i32
    %lt3A_36 = arith.cmpi slt, %add3A, %lt3A : i32
    %convert_element_type3A = arith.extui %lt3A_36 : i1 to i32
    %cond3A = arith.constant 0 : i32
    %cond3A_37 = arith.cmpi ne, %convert_element_type3A, %cond3A : i32
    scf.if %cond3A_37 {
      %mul3A_44 = arith.constant 1024 : i32
      %mul3A_45 = arith.muli %add3A, %mul3A_44 : i32
      %add3A_46 = arith.constant 6386688 : i32
      %add3A_47 = arith.addi %add3A_46, %mul3A_45 : i32
      "tpu.region"() ({
        %run_scoped3A = tpu.sem_alloc : memref<!tpu.dma_semaphore, #tpu.memory_space<semaphore_mem>>
        %dma_start3A_48 = tpu.memref_slice %arg2[%add3A_47] : memref<6400000xf32, #tpu.memory_space<hbm>> -> memref<1024xf32, #tpu.memory_space<hbm>>
        %dma_start3A_49 = tpu.memref_slice %arg2[%add3A_47] : memref<6400000xf32, #tpu.memory_space<hbm>> -> memref<1024xf32, #tpu.memory_space<hbm>>
        tpu.enqueue_dma source(%dma_start3A_49 : memref<1024xf32, #tpu.memory_space<hbm>>) target(%arg13 : memref<1024xf32, #tpu.memory_space<vmem>>) target_semaphore(%run_scoped3A : memref<!tpu.dma_semaphore, #tpu.memory_space<semaphore_mem>>)
        %dma_wait3A = tpu.memref_slice %arg2[%add3A_47] : memref<6400000xf32, #tpu.memory_space<hbm>> -> memref<1024xf32, #tpu.memory_space<hbm>>
        %dma_wait3A_50 = tpu.memref_slice %arg2[%add3A_47] : memref<6400000xf32, #tpu.memory_space<hbm>> -> memref<1024xf32, #tpu.memory_space<hbm>>
        tpu.wait_dma2 semaphore(%run_scoped3A : memref<!tpu.dma_semaphore, #tpu.memory_space<semaphore_mem>>) src(%dma_wait3A_50 : memref<1024xf32, #tpu.memory_space<hbm>>) dst(%arg13 : memref<1024xf32, #tpu.memory_space<vmem>>)
        tpu.yield
      }) : () -> ()
      "tpu.region"() ({
        %run_scoped3A = tpu.sem_alloc : memref<!tpu.dma_semaphore, #tpu.memory_space<semaphore_mem>>
        %dma_start3A_48 = tpu.memref_slice %arg3[%add3A_47] : memref<6400000xi32, #tpu.memory_space<hbm>> -> memref<1024xi32, #tpu.memory_space<hbm>>
        %dma_start3A_49 = tpu.memref_slice %arg3[%add3A_47] : memref<6400000xi32, #tpu.memory_space<hbm>> -> memref<1024xi32, #tpu.memory_space<hbm>>
        tpu.enqueue_dma source(%dma_start3A_49 : memref<1024xi32, #tpu.memory_space<hbm>>) target(%arg14 : memref<1024xi32, #tpu.memory_space<vmem>>) target_semaphore(%run_scoped3A : memref<!tpu.dma_semaphore, #tpu.memory_space<semaphore_mem>>)
        %dma_wait3A = tpu.memref_slice %arg3[%add3A_47] : memref<6400000xi32, #tpu.memory_space<hbm>> -> memref<1024xi32, #tpu.memory_space<hbm>>
        %dma_wait3A_50 = tpu.memref_slice %arg3[%add3A_47] : memref<6400000xi32, #tpu.memory_space<hbm>> -> memref<1024xi32, #tpu.memory_space<hbm>>
        tpu.wait_dma2 semaphore(%run_scoped3A : memref<!tpu.dma_semaphore, #tpu.memory_space<semaphore_mem>>) src(%dma_wait3A_50 : memref<1024xi32, #tpu.memory_space<hbm>>) dst(%arg14 : memref<1024xi32, #tpu.memory_space<vmem>>)
        tpu.yield
      }) : () -> ()
      "tpu.region"() ({
        %run_scoped3A = tpu.sem_alloc : memref<!tpu.dma_semaphore, #tpu.memory_space<semaphore_mem>>
        %dma_start3A_48 = arith.constant 0 : i32
        %dma_start3A_49 = tpu.memref_slice %arg16[%dma_start3A_48] : memref<4096xf32, #tpu.memory_space<vmem_shared>> -> memref<4096xf32, #tpu.memory_space<vmem_shared>>
        tpu.enqueue_indirect_dma source(%arg13 : memref<1024xf32, #tpu.memory_space<vmem>>) target(%dma_start3A_49 : memref<4096xf32, #tpu.memory_space<vmem_shared>>) offsets(%arg14 : memref<1024xi32, #tpu.memory_space<vmem>>) semaphore(%run_scoped3A : memref<!tpu.dma_semaphore, #tpu.memory_space<semaphore_mem>>) {add = true}
        %dma_wait3A = arith.constant 0 : i32
        %dma_wait3A_50 = tpu.memref_slice %arg16[%dma_wait3A] : memref<4096xf32, #tpu.memory_space<vmem_shared>> -> memref<4096xf32, #tpu.memory_space<vmem_shared>>
        tpu.wait_indirect_dma semaphore(%run_scoped3A : memref<!tpu.dma_semaphore, #tpu.memory_space<semaphore_mem>>) src(%arg13 : memref<1024xf32, #tpu.memory_space<vmem>>) dst(%dma_wait3A_50 : memref<4096xf32, #tpu.memory_space<vmem_shared>>)
        tpu.yield
      }) : () -> ()
    } else {
    }
    %barrier3A_38 = arith.constant 0 : index
    tpu.barrier barrier_id(%barrier3A_38)
    %eq3A_39 = arith.constant 0 : i32
    %eq3A_40 = arith.cmpi eq, %arg1, %eq3A_39 : i32
    %convert_element_type3A_41 = arith.extui %eq3A_40 : i1 to i32
    %cond3A_42 = arith.constant 0 : i32
    %cond3A_43 = arith.cmpi ne, %convert_element_type3A_41, %cond3A_42 : i32
    scf.if %cond3A_43 {
      "tpu.region"() ({
        %run_scoped3A = tpu.sem_alloc : memref<!tpu.dma_semaphore, #tpu.memory_space<semaphore_mem>>
        %dma_start3A_44 = arith.constant 0 : i32
        %dma_start3A_45 = tpu.memref_slice %arg4[%arg0, %dma_start3A_44] : memref<2x4096xf32, #tpu.memory_space<hbm>> -> memref<1x4096xf32, #tpu.memory_space<hbm>>
        %dma_start3A_46 = tpu.memref_squeeze %dma_start3A_45 : memref<1x4096xf32, #tpu.memory_space<hbm>> -> memref<4096xf32, #tpu.memory_space<hbm>>
        tpu.enqueue_dma source(%arg16 : memref<4096xf32, #tpu.memory_space<vmem_shared>>) target(%dma_start3A_46 : memref<4096xf32, #tpu.memory_space<hbm>>) target_semaphore(%run_scoped3A : memref<!tpu.dma_semaphore, #tpu.memory_space<semaphore_mem>>)
        %dma_wait3A = arith.constant 0 : i32
        %dma_wait3A_47 = tpu.memref_slice %arg4[%arg0, %dma_wait3A] : memref<2x4096xf32, #tpu.memory_space<hbm>> -> memref<1x4096xf32, #tpu.memory_space<hbm>>
        %dma_wait3A_48 = tpu.memref_squeeze %dma_wait3A_47 : memref<1x4096xf32, #tpu.memory_space<hbm>> -> memref<4096xf32, #tpu.memory_space<hbm>>
        tpu.wait_dma2 semaphore(%run_scoped3A : memref<!tpu.dma_semaphore, #tpu.memory_space<semaphore_mem>>) src(%arg16 : memref<4096xf32, #tpu.memory_space<vmem_shared>>) dst(%dma_wait3A_48 : memref<4096xf32, #tpu.memory_space<hbm>>)
        tpu.yield
      }) : () -> ()
    } else {
    }
    return
  }
}

module attributes {stable_mosaic.version = 14 : i64} {
  func.func @body(%arg0: memref<2x4096xf32, #tpu.memory_space<vmem>>, %arg1: memref<4096xf32, #tpu.memory_space<vmem>>) attributes {dimension_semantics = [], scalar_prefetch = 0 : i64, scratch_operands = 0 : i64, tpu.core_type = #tpu.core_type<tc>} {
    %get3A = arith.constant 0 : index
    %get3A_0 = arith.constant 0 : index
    %get3A_1 = vector.load %arg0[%get3A, %get3A_0] : memref<2x4096xf32, #tpu.memory_space<vmem>>, vector<1x4096xf32>
    %get3A_2 = vector.shape_cast %get3A_1 : vector<1x4096xf32> to vector<4096xf32>
    %get3A_3 = arith.constant 1 : index
    %get3A_4 = arith.constant 0 : index
    %get3A_5 = vector.load %arg0[%get3A_3, %get3A_4] : memref<2x4096xf32, #tpu.memory_space<vmem>>, vector<1x4096xf32>
    %get3A_6 = vector.shape_cast %get3A_5 : vector<1x4096xf32> to vector<4096xf32>
    %add3A = arith.addf %get3A_2, %get3A_6 : vector<4096xf32>
    %swap3A = arith.constant 0 : index
    %swap3A_7 = vector.load %arg1[%swap3A] : memref<4096xf32, #tpu.memory_space<vmem>>, vector<4096xf32>
    tpu.vector_store %arg1[%swap3A], %add3A {strides = array<i32>} : memref<4096xf32, #tpu.memory_space<vmem>>, vector<4096xf32>,
    return
  }
}

</mosaic_0001>

<sc_bundles>
// kernel: _run.4.cloned.1.call-start
scs
__scs_entry_jumppad:
0x0: {  	(pc) =	sbr.rel $0x88, $3  }
0x1: {  	(tag) =	ssettag $0x0;
	lr =	simm.s32 $0x1  }
0x2: {  	[smem:$0x3F9F] =	sst lr;
	_ =	strace $0xD0000000  }
0x3: {  	_ = 	snop  }
0x4: {  	_ = 	snop  }
0x5: {  	_ = 	snop  }
0x6: {  	_ = 	snop  }
0x7: {  	_ = 	snop  }
__scs_overlays_trampoline_lowered:
0x8: {  	[smem:$0x3FAE] =	sst s0  }
0x9: {  	[smem:$0x3FAF] =	sst s1  }
0xa: {  	[smem:$0x3FB0] =	sst s2  }
0xb: {  	[smem:$0x3FB1] =	sst s3  }
0xc: {  	[smem:$0x3FB2] =	sst s4  }
0xd: {  	[smem:$0x3FB3] =	sst s5  }
0xe: {  	[smem:$0x3FB4] =	sst s6  }
0xf: {  	[smem:$0x3FB5] =	sst s7  }
0x10: {  	[smem:$0x3FB6] =	sst s8  }
0x11: {  	[smem:$0x3FB7] =	sst s9;
	s0 =	simm.s32 @!p0 $0x0  }
0x12: {  	s1 =	sld [smem:$0x3F9D];
	s0 =	simm.s32 @p0 $0x1  }
0x13: {  	[smem:$0x3FB8] =	sst s0;
	s0 =	simm.s32 @!p1 $0x0  }
0x14: {  	s2 =	sld [smem:$0x3F9C];
	s0 =	simm.s32 @p1 $0x1  }
0x15: {  	[smem:$0x3FB9] =	sst s0;
	s0 =	simm.s32 @!p2 $0x0  }
0x16: {  	s3 =	sld [smem:$0x3FDB];
	s0 =	simm.s32 @p2 $0x1  }
0x17: {  	s4 =	simm.s32 $0x1BF5;
	[smem:$0x3FBB] =	sst s0  }
0x18: {  	s0 =	sld [smem:$0x3F9E];
	_ =	swait.ge [sflag:s4], $0x0  }
0x19: {  	s7 =	sld [smem:$0x3F9F]  }
0x1a: {  	s8 =	sadd.s32 $0xFFFFE003, lr  }
0x1b: {  	s9 =	sadd.s32 $0xFFFFFEF7, lr;
	s5 =	simm.s32 $0xFFFFFFFF;
	p2 =	slt.u32 s8, $0xFFFFF086  }
0x1c: {  	p1 =	slt.u32 s9, $0xF7A;
	s5 =	simm.s32 @!p2 $0x0  }
0x1d: {  	s5 =	simm.s32 @p1 $0x1;
	p0 =	seq.s32 s7, s2  }
0x1e: {  	s7 =	smul.u32 @!p0 $0xF7A, s2;
	p2 =	seq.s32 @!p0 s5, $0x0  }
0x1f: {  	s9 =	smul.u32 $0xF7A, s1;
	s8 =	simm.s32 @!p0 $0x1BF5;
	p2 =	por !p2, p0  }
0x20: {  	[sflag:s8] =	ssyncset.s32 @!p0 $0xFFFFF086;
	s6 =	sadd.s32 @!p0 s3, s7;
	s7 =	simm.s32 @!p0 $0x108  }
0x21: {  	s3 =	sadd.s32 s3, s9;
	s6 =	sadd.s32 @!p0 $0x88, s6;
	s7 =	simm.s32 @p2 $0x1082  }
0x22: {  	[simem:s7], [sflag:s8] =	dma.local @!p0 [hbm:s6], $0xF7A  }
0x23: {  	s9 =	sor.u32 $0xD0000000, s2;
	s6 =	simm.s32 $0x108;
	_ =	swait.ge @!p0 [sflag:s8], $0x0  }
0x24: {  	s3 =	sadd.s32 $0x88, s3;
	s6 =	simm.s32 @!p1 $0x1082;
	[sflag:s4] =	ssyncset.s32 $0xFFFFF086  }
0x25: {  	[simem:s6], [sflag:s4] =	dma.local [hbm:s3], $0xF7A  }
0x26: {  	[smem:$0x3F9F] =	sst s1;
	(tag) =	ssettag s2;
	_ =	strace s9  }
0x27: {  	s1 =	sld [smem:$0x3FAF]  }
0x28: {  	s2 =	sld [smem:$0x3FB0]  }
0x29: {  	s4 =	sld [smem:$0x3FB2]  }
0x2a: {  	p0 =	seq.s32 s5, $0x0;
	s5 =	sld [smem:$0x3FB3]  }
0x2b: {  	s6 =	sld [smem:$0x3FB4]  }
0x2c: {  	s7 =	sld [smem:$0x3FB5]  }
0x2d: {  	s3 =	simm.s32 $0x108;
	s8 =	sld [smem:$0x3FB6]  }
0x2e: {  	s3 =	simm.s32 @!p0 $0x1082;
	s9 =	sld [smem:$0x3FB7]  }
0x2f: {  	lr =	sadd.s32 s0, s3;
	s0 =	sld [smem:$0x3FAE]  }
0x30: {  	s3 =	sld [smem:$0x3FB1]  }
0x31: {  	[smem:$0x3FBA] =	sst s10  }
0x32: {  	s10 =	sld [smem:$0x3FB8];
	_ =	sdelay $0x3  }
0x33: {  	p0 =	seq.s32 s10, $0x1;
	s10 =	sld [smem:$0x3FBA];
	_ =	sdelay $0x3  }
0x34: {  	[smem:$0x3FBA] =	sst s10  }
0x35: {  	s10 =	sld [smem:$0x3FB9];
	_ =	sdelay $0x3  }
0x36: {  	p1 =	seq.s32 s10, $0x1;
	s10 =	sld [smem:$0x3FBA];
	_ =	sdelay $0x3  }
0x37: {  	[smem:$0x3FBA] =	sst s10  }
0x38: {  	s10 =	sld [smem:$0x3FBB]  }
0x39: {  	_ = 	snop;
	(pc) =	sbr.ind lr, $3  }
0x3a: {  	_ = 	snop  }
0x3b: {  	_ = 	snop  }
0x3c: {  	p2 =	seq.s32 s10, $0x1;
	s10 =	sld [smem:$0x3FBA]  }
0x3d: {  	_ =	shalt  }
0x3e: {  	_ =	shalt  }
0x3f: {  	_ =	shalt  }
0x40: {  	_ =	shalt  }
0x41: {  	_ =	shalt  }
0x42: {  	_ =	shalt  }
0x43: {  	_ =	shalt  }
0x44: {  	_ =	shalt  }
0x45: {  	_ =	shalt  }
0x46: {  	_ =	shalt  }
0x47: {  	_ =	shalt  }
0x48: {  	_ =	shalt  }
0x49: {  	_ =	shalt  }
0x4a: {  	_ =	shalt  }
0x4b: {  	_ =	shalt  }
0x4c: {  	_ =	shalt  }
0x4d: {  	_ =	shalt  }
0x4e: {  	_ =	shalt  }
0x4f: {  	_ =	shalt  }
0x50: {  	_ =	shalt  }
0x51: {  	_ =	shalt  }
0x52: {  	_ =	shalt  }
0x53: {  	_ =	shalt  }
0x54: {  	_ =	shalt  }
0x55: {  	_ =	shalt  }
0x56: {  	_ =	shalt  }
0x57: {  	_ =	shalt  }
0x58: {  	_ =	shalt  }
0x59: {  	_ =	shalt  }
0x5a: {  	_ =	shalt  }
0x5b: {  	_ =	shalt  }
0x5c: {  	_ =	shalt  }
0x5d: {  	_ =	shalt  }
0x5e: {  	_ =	shalt  }
0x5f: {  	_ =	shalt  }
0x60: {  	_ =	shalt  }
0x61: {  	_ =	shalt  }
0x62: {  	_ =	shalt  }
0x63: {  	_ =	shalt  }
0x64: {  	_ =	shalt  }
0x65: {  	_ =	shalt  }
0x66: {  	_ =	shalt  }
0x67: {  	_ =	shalt  }
0x68: {  	_ =	shalt  }
0x69: {  	_ =	shalt  }
0x6a: {  	_ =	shalt  }
0x6b: {  	_ =	shalt  }
0x6c: {  	_ =	shalt  }
0x6d: {  	_ =	shalt  }
0x6e: {  	_ =	shalt  }
0x6f: {  	_ =	shalt  }
0x70: {  	_ =	shalt  }
0x71: {  	_ =	shalt  }
0x72: {  	_ =	shalt  }
0x73: {  	_ =	shalt  }
0x74: {  	_ =	shalt  }
0x75: {  	_ =	shalt  }
0x76: {  	_ =	shalt  }
0x77: {  	_ =	shalt  }
0x78: {  	_ =	shalt  }
0x79: {  	_ =	shalt  }
0x7a: {  	_ =	shalt  }
0x7b: {  	_ =	shalt  }
0x7c: {  	_ =	shalt  }
0x7d: {  	_ =	shalt  }
0x7e: {  	_ =	shalt  }
0x7f: {  	_ =	shalt  }
0x80: {  	_ =	shalt  }
0x81: {  	_ =	shalt  }
0x82: {  	_ =	shalt  }
0x83: {  	_ =	shalt  }
0x84: {  	_ =	shalt  }
0x85: {  	_ =	shalt  }
0x86: {  	_ =	shalt  }
0x87: {  	_ =	shalt  }
.Lfunc_end0:
.L_simem_size_0:
called_computation_lowered:
.L_overlay_start_0:
0x88: {  	s2 =	sld [smem:$0x3FD9]  }
0x89: {  	s3 =	sld [smem:$0x3FFE];
	_ =	sdelay $0x1  }
0x8a: {  	s1 =	srdreg.scid  }
0x8b: {  	s0 =	sand.u32 $0x1, s1  }
0x8c: {  	s17 =	sshll.u32 s0, $0xA;
	s2 =	sadd.s32 s3, s2  }
0x8d: {  	s2 =	sadd.s32 s2, s17  }
0x8e: {  	[smem:$0x3FC6] =	sst s2  }
0x8f: {  	_ = 	snop  }
0x90: {  	s2 =	sld [smem:$0x3FC9]  }
0x91: {  	s18 =	sld [smem:$0x3FC8];
	(tm) =	ssettm $0x1  }
0x92: {  	s4 =	sld [smem:$0x3FFB];
	_ =	sdelay $0x3  }
0x93: {  	_ =	strace s4  }
0x94: {  	s4 =	sld [smem:$0x3FFC];
	_ =	sdelay $0x3  }
0x95: {  	_ =	strace s4  }
0x96: {  	s4 =	sld [smem:$0x3FFD];
	_ =	sdelay $0x3  }
0x97: {  	_ =	strace s4  }
0x98: {  	_ =	strace $0x8FFFFFFF  }
0x99: {  	s19 =	sld [smem:$0x3FDB];
	_ =	sdelay $0x1  }
0x9a: {  	s5 =	simm.s32 $_scs_section_size  }
0x9b: {  	s6 =	simm.s32 $_size__tile_overlayer_lowered;
	s7 =	simm.s32 $_tile_overlayer_lowered  }
0x9c: {  	s22 =	simm.s32 $0x1BFF;
	s21 =	sshll.u32 s7, $0x1;
	s4 =	sadd.s32 s5, s19  }
0x9d: {  	s8 =	simm.s32 $0x0;
	s20 =	sshll.u32 s6, $0x1;
	s6 =	sadd.s32 s21, s4  }
0x9e: {  	[timem:s8], [sflag:s22] =	dma.local [hbm:s6], s20  }
0x9f: {  	_ =	swait.ge [sflag:s22], s20  }
0xa0: {  	s5 =	ssub.s32 $0x0, s20;
	[sflag:s22] =	ssyncset.done $0x0  }
0xa1: {  	[sflag:s22] =	ssyncadd.s32 s5;
	_ =	sdelay $0x1  }
0xa2: {  	s23 =	simm.s32 $0x1B8B  }
0xa3: {  	_ =	swait.ge [sflag:s23], $0x1  }
0xa4: {  	[sflag:s23] =	ssyncset.done $0x0  }
0xa5: {  	s25 =	simm.s32 $0x1B8E;
	s24 =	sld [smem:$0x3FFE];
	[sflag:s23] =	ssyncadd.s32 $0xFFFFFFFF  }
0xa6: {  	s26 =	simm.s32 $execute0_lowered;
	[smem:$0x3FD2] =	sst s25  }
0xa7: {  	s6 =	sshll.u32 s26, $0x1;
	_ =	strace $0x80000046;
	[dreg:$0x1] =	wrdreg $0xFFFFFFFF  }
0xa8: {  	s28 =	simm.s32 $_size_execute0_lowered;
	s4 =	sadd.s32 s4, s6;
	[dreg:$0x0] =	wrdreg $0x0  }
0xa9: {  	s6 =	sshll.u32 s28, $0x1;
	[dreg:$0x2] =	wrdreg s4  }
0xaa: {  	[dreg:$0x3] =	wrdreg s6  }
0xab: {  	[dreg:$0x4] =	wrdreg $0xC0  }
0xac: {  	_ =	task [dreg:s8], $0x5FFFF  }
0xad: {  	[dreg:$0x1] =	wrdreg $0xFFFFFFFF  }
0xae: {  	[dreg:$0x0] =	wrdreg $0x60  }
0xaf: {  	[dreg:$0x2] =	wrdreg s2  }
0xb0: {  	[dreg:$0x3] =	wrdreg s18  }
0xb1: {  	[dreg:$0x4] =	wrdreg s24  }
0xb2: {  	[dreg:$0x5] =	wrdreg $0xD8000  }
0xb3: {  	[dreg:$0x6] =	wrdreg $0x9  }
0xb4: {  	_ =	task.clear_ibuf [dreg:s8], $0x7FFFF;
	_ =	strace $0x90000046  }
0xb5: {  	s29 =	simm.s32 $0x9;
	_ =	strace $0x80000048  }
0xb6: {  	_ =	swait.ge [sflag:s29], $0x1  }
0xb7: {  	[sflag:s29] =	ssyncadd.s32 $0xFFFFFFFF  }
0xb8: {  	_ =	strace $0x90000048  }
0xb9: {  	_ =	sfence  }
0xba: {  	s30 =	sld [smem:$0x0];
	_ =	sdelay $0x2  }
0xbb: {  	s31 =	sshll.u32 s1, $0xD;
	s1 =	sshrl.u32 s1, $0x2  }
0xbc: {  	s3 =	sand.u32 $0x4000, s31;
	s1 =	sadd.s32 s1, s30  }
0xbd: {  	s0 =	sor.u32 s3, s0;
	s1 =	sshll.u32 s1, $0x11  }
0xbe: {  	s0 =	sor.u32 s1, s0  }
0xbf: {  	s0 =	sadd.s32 $0x8F2B, s0  }
0xc0: {  	[sflag:s0] =	ssyncadd.remote.s32 $0x1  }
0xc1: {  	_ =	sfence.sel $0xFFFF  }
0xc2: {  	[dreg:$0x0] =	wrdreg $0xFFFFFFFF;
	(pc) =	sbr.abs _section_cstart, $3  }
0xc3: {  	[dreg:$0x1] =	wrdreg $0xFFFFFFFF  }
0xc4: {  	_ =	task.clear_ibuf [dreg:s8], $0x2FFFF;
	_ =	strace $0x9FFFFFFF  }
0xc5: {  	(tm) =	ssettm $0x7FFFFFFF  }
tec
execute0_lowered:
.L_overlay_start_1:
0x0: {  	(tag) =	ssettag $0x1  }
0x1: {  	v0 =	vlaneseq.u32  }
0x2: {  	v1 =	vmul.u32 $0x3F, v0;
	_ =	sdelay $0x1  }
0x3: {  	v2 =	vadd.s32 $0x3E, v1  }
0x4: {  	[tilespmem:$0x1FD00] =	vst v2;
	v2 =	vadd.s32 $0x1, v1  }
0x5: {  	[tilespmem:$0x1FD10] =	vst v2;
	v2 =	vadd.s32 $0x2, v1  }
0x6: {  	[tilespmem:$0x1FD20] =	vst v2;
	v2 =	vadd.s32 $0x3, v1  }
0x7: {  	[tilespmem:$0x1FD30] =	vst v2;
	v2 =	vadd.s32 $0x4, v1  }
0x8: {  	[tilespmem:$0x1FD40] =	vst v2;
	v2 =	vadd.s32 $0x5, v1  }
0x9: {  	[tilespmem:$0x1FD50] =	vst v2;
	v2 =	vadd.s32 $0x6, v1  }
0xa: {  	[tilespmem:$0x1FD60] =	vst v2;
	v2 =	vadd.s32 $0x7, v1  }
0xb: {  	[tilespmem:$0x1FD70] =	vst v2;
	v2 =	vadd.s32 $0x8, v1  }
0xc: {  	[tilespmem:$0x1FD80] =	vst v2;
	v2 =	vadd.s32 $0x9, v1  }
0xd: {  	[tilespmem:$0x1FD90] =	vst v2;
	v2 =	vadd.s32 $0xA, v1  }
0xe: {  	[tilespmem:$0x1FDA0] =	vst v2;
	v2 =	vadd.s32 $0xB, v1  }
0xf: {  	[tilespmem:$0x1FDB0] =	vst v2;
	v2 =	vadd.s32 $0xC, v1  }
0x10: {  	[tilespmem:$0x1FDC0] =	vst v2;
	v2 =	vadd.s32 $0xD, v1  }
0x11: {  	[tilespmem:$0x1FDD0] =	vst v2;
	v2 =	vadd.s32 $0xE, v1  }
0x12: {  	[tilespmem:$0x1FDE0] =	vst v2;
	v2 =	vadd.s32 $0xF, v1  }
0x13: {  	[tilespmem:$0x1FDF0] =	vst v2;
	v2 =	vadd.s32 $0x10, v1  }
0x14: {  	[tilespmem:$0x1FE00] =	vst v2;
	v2 =	vadd.s32 $0x11, v1  }
0x15: {  	[tilespmem:$0x1FE10] =	vst v2;
	v2 =	vadd.s32 $0x12, v1  }
0x16: {  	[tilespmem:$0x1FE20] =	vst v2;
	v2 =	vadd.s32 $0x13, v1  }
0x17: {  	[tilespmem:$0x1FE30] =	vst v2;
	v2 =	vadd.s32 $0x14, v1  }
0x18: {  	[tilespmem:$0x1FE40] =	vst v2;
	v2 =	vadd.s32 $0x15, v1  }
0x19: {  	[tilespmem:$0x1FE50] =	vst v2;
	v2 =	vadd.s32 $0x16, v1  }
0x1a: {  	[tilespmem:$0x1FE60] =	vst v2;
	v2 =	vadd.s32 $0x17, v1  }
0x1b: {  	[tilespmem:$0x1FE70] =	vst v2;
	v2 =	vadd.s32 $0x18, v1  }
0x1c: {  	[tilespmem:$0x1FE80] =	vst v2;
	v2 =	vadd.s32 $0x19, v1  }
0x1d: {  	[tilespmem:$0x1FE90] =	vst v2;
	v2 =	vadd.s32 $0x1A, v1  }
0x1e: {  	[tilespmem:$0x1FEA0] =	vst v2;
	v2 =	vadd.s32 $0x1B, v1  }
0x1f: {  	[tilespmem:$0x1FEB0] =	vst v2;
	v2 =	vadd.s32 $0x1C, v1  }
0x20: {  	[tilespmem:$0x1FEC0] =	vst v2;
	v2 =	vadd.s32 $0x1D, v1  }
0x21: {  	s0 =	rddreg [dreg:$0x0];
	[tilespmem:$0x1FED0] =	vst v2;
	v2 =	vadd.s32 $0x1E, v1  }
0x22: {  	s1 =	rddreg [dreg:$0x1];
	[tilespmem:$0x1FEE0] =	vst v2;
	v2 =	vadd.s32 $0x1F, v1  }
0x23: {  	s6 =	rddreg [dreg:$0x2];
	s4 =	simm.s32 $0x0;
	[tilespmem:$0x1FEF0] =	vst v2;
	v2 =	vadd.s32 $0x20, v1  }
0x24: {  	s2 =	srdreg.scid;
	[smem:$0x7FF] =	sst s4;
	[tilespmem:$0x1FF00] =	vst v2;
	v2 =	vadd.s32 $0x21, v1  }
0x25: {  	s5 =	sand.u32 $0x1, s2;
	s2 =	rddreg [dreg:$0x3];
	_ =	strace $0x80000047;
	[tilespmem:$0x1FF10] =	vst v2;
	v2 =	vadd.s32 $0x22, v1  }
0x26: {  	[tilespmem:$0x1FF20] =	vst v2;
	v2 =	vadd.s32 $0x23, v1  }
0x27: {  	s3 =	stileid.u32;
	s15 =	simm.s32 $0x3;
	[tilespmem:$0x1FF30] =	vst v2;
	v2 =	vadd.s32 $0x24, v1  }
0x28: {  	s16 =	simm.s32 $0x2B80;
	s17 =	simm.s32 $0x5700;
	s18 =	simm.s32 $0x8280;
	[tilespmem:$0x1FF40] =	vst v2;
	v2 =	vadd.s32 $0x25, v1  }
0x29: {  	s19 =	simm.s32 $0x1;
	s20 =	simm.s32 $0x40;
	s25 =	simm.s32 $0x0;
	[tilespmem:$0x1FF50] =	vst v2;
	v2 =	vadd.s32 $0x26, v1  }
0x2a: {  	s29 =	sshll.u32 s3, $0x8;
	s10 =	sshll.u32 s3, $0x7;
	p1 =	sne.s32 s3, $0x0;
	[tilespmem:$0x1FF60] =	vst v2;
	v2 =	vadd.s32 $0x27, v1  }
0x2b: {  	s7 =	sshll.u32 s5, $0x4;
	s8 =	ssub.s32 $0x2, s5;
	s11 =	sadd.s32 $0xC2E80, s10;
	[tilespmem:$0x1FF70] =	vst v2;
	v2 =	vadd.s32 $0x28, v1  }
0x2c: {  	s14 =	sor.u32 s3, s7;
	s6 =	sadd.s32 s7, s6;
	s28 =	sshrl.u32 s8, $0x1;
	[tilespmem:$0x1FF80] =	vst v2;
	v2 =	vadd.s32 $0x29, v1  }
0x2d: {  	s7 =	sadd.s32 s29, s2;
	s10 =	sadd.s32 s0, s11;
	s11 =	sadd.s32 s1, s11;
	v51 =	vadd.s32 $0x30, v1;
	v52 =	vadd.s32 $0x31, v1;
	[tilespmem:$0x1FF90] =	vst v2;
	v2 =	vadd.s32 $0x2A, v1  }
0x2e: {  	v53 =	vadd.s32 $0x32, v1;
	v54 =	vadd.s32 $0x33, v1;
	s3 =	simm.s32 @!p1 $0x0;
	s5 =	smul.u32 $0x30BA0, s14;
	s13 =	ssub.s32 s8, s28;
	[tilespmem:$0x1FFA0] =	vst v2;
	v2 =	vadd.s32 $0x2B, v1  }
.Ltmp0:
0x2f: {  	v55 =	vadd.s32 $0x34, v1;
	s12 =	sadd.s32 $0x600, s6;
	p5 =	sgt.u32 s14, $0xC;
	[tilespmem:$0x1FFB0] =	vst v2;
	v2 =	vadd.s32 $0x2C, v1;
	(pc) =	sbr.rel .LBB2_1-.Ltmp0, $4  }
0x30: {  	v56 =	vadd.s32 $0x35, v1;
	v57 =	vadd.s32 $0x36, v1;
	s3 =	simm.s32 @p1 $0x1;
	s30 =	sshrl.u32 s5, $0x3;
	[dreg:$0x5] =	wrdreg s7;
	[tilespmem:$0x1FFC0] =	vst v2;
	v2 =	vadd.s32 $0x2D, v1  }
0x31: {  	v58 =	vadd.s32 $0x37, v1;
	v59 =	vadd.s32 $0x38, v1;
	s31 =	sadd.s32 s0, s30;
	[smem:$0x7FC] =	sst s3;
	s3 =	simm.s32 @!p5 $0x0;
	[tilespmem:$0x1FFD0] =	vst v2;
	v2 =	vadd.s32 $0x2E, v1  }
0x32: {  	v60 =	vadd.s32 $0x39, v1;
	v61 =	vadd.s32 $0x3A, v1;
	s13 =	smax.u32 s13, $0x1;
	[dreg:$0x6] =	wrdreg s31;
	s3 =	simm.s32 @p5 $0x1;
	[tilespmem:$0x1FFE0] =	vst v2;
	v2 =	vadd.s32 $0x2F, v1  }
0x33: {  	v62 =	vadd.s32 $0x3B, v1;
	v63 =	vadd.s32 $0x3C, v1;
	v50 =	vmovc v1;
	s9 =	sadd.s32 $0x56A0, s5;
	s8 =	sadd.s32 s1, s30;
	[smem:$0x7FD] =	sst s3;
	[tilespmem:$0x1FFF0] =	vst v2;
	v2 =	vadd.s32 $0x3D, v1  }
.LBB2_9:
0x34: {  	s3 =	simm.s32 $0xC60;
	s6 =	simm.s32 $0xBA80;
	s7 =	simm.s32 $0xAE00  }
0x35: {  	[spmem:s2] =	stream.indirect.scatter.add.f32 [tilespmem:s7], [sflag:$0x3], $0x1, s6, s3, $0xb8;
	[tilespmem:$0xD900] =	vst v63  }
0x36: {  	_ =	swait.ge [sflag:s15], $0xC60  }
0x37: {  	s3 =	simm.s32 @!p5 $0x0;
	[sflag:s15] =	ssyncset.done $0x0  }
0x38: {  	s6 =	simm.s32 @!p5 $0xCF00;
	s7 =	simm.s32 @!p5 $0x3;
	[sflag:s15] =	ssyncadd.s32 $0xFFFFF3A0  }
0x39: {  	[tilespmem:s6], [sflag:$0x3] =	stream.linear.gather @!p5 [hbm4b:s10+s3], $0x400, $0x38;
	[tilespmem:$0xD900] =	vst v63  }
0x3a: {  	_ =	swait.ge @!p5 [sflag:s7], $0x400  }
0x3b: {  	[sflag:s7] =	ssyncset.done @!p5 $0x0  }
0x3c: {  	s14 =	simm.s32 @!p5 $0xD300;
	[sflag:s7] =	ssyncadd.s32 @!p5 $0xFFFFFC00  }
0x3d: {  	[tilespmem:s14], [sflag:$0x3] =	stream.linear.gather @!p5 [hbm4b:s11+s3], $0x400, $0x38;
	[tilespmem:$0xD900] =	vst v63  }
0x3e: {  	_ =	swait.ge @!p5 [sflag:s7], $0x400  }
0x3f: {  	[sflag:s7] =	ssyncset.done @!p5 $0x0  }
0x40: {  	s3 =	simm.s32 @!p5 $0x400;
	[sflag:s7] =	ssyncadd.s32 @!p5 $0xFFFFFC00  }
0x41: {  	[spmem:s2] =	stream.indirect.scatter.add.f32 @!p5 [tilespmem:s6], [sflag:$0x3], $0x1, s14, s3, $0xb8;
	[tilespmem:$0xD900] =	vst v63  }
0x42: {  	s25 =	sadd.s32 $0x1, s25;
	_ =	swait.ge @!p5 [sflag:s7], $0x400  }
0x43: {  	s21 =	simm.s32 @!p1 $0x1C03;
	p0 =	sne.s32 s25, s13;
	[sflag:s7] =	ssyncset.done @!p5 $0x0  }
0x44: {  	s3 =	sshrl.u32 @!p1 s2, $0x3;
	s6 =	simm.s32 @!p1 $0x1;
	[sflag:s7] =	ssyncadd.s32 @!p5 $0xFFFFFC00  }
0x45: {  	s14 =	simm.s32 @!p1 $0x10;
	s7 =	simm.s32 @!p1 $0x20;
	[bflag:$0x0] =	sbarrier.arrive $0xFFFF  }
0x46: {  	[hbm:s12@s7], [sflag:s21] =	dma.strided @!p1 [spmem:s3@s14], $0x200, s6, $0x10   }
.Ltmp1:
0x47: {  	_ = 	snop;
	(pc) =	sbr.rel @!p0 .LBB2_10-.Ltmp1, $4  }
0x48: {  	s3 =	simm.s32 @!p1 $0x3  }
0x49: {  	_ =	swait.ge @!p1 [sflag:s3], $0x200  }
0x4a: {  	[sflag:s3] =	ssyncset.done @!p1 $0x0  }
0x4b: {  	[sflag:s3] =	ssyncadd.s32 @!p1 $0xFFFFFE00  }
.LBB2_1:
0x4c: {  	v1 =	vimm.f32 $0.0e+00  }
0x4d: {  	[tilespmem:$0xD700] =	vst v1  }
0x4e: {  	[tilespmem:$0xD710] =	vst v1  }
0x4f: {  	[tilespmem:$0xD720] =	vst v1  }
0x50: {  	[tilespmem:$0xD730] =	vst v1  }
0x51: {  	[tilespmem:$0xD740] =	vst v1  }
0x52: {  	[tilespmem:$0xD750] =	vst v1  }
0x53: {  	[tilespmem:$0xD760] =	vst v1  }
0x54: {  	[tilespmem:$0xD770] =	vst v1  }
0x55: {  	[tilespmem:$0xD780] =	vst v1  }
0x56: {  	[tilespmem:$0xD790] =	vst v1  }
0x57: {  	[tilespmem:$0xD7A0] =	vst v1  }
0x58: {  	[tilespmem:$0xD7B0] =	vst v1  }
0x59: {  	[tilespmem:$0xD7C0] =	vst v1  }
0x5a: {  	[tilespmem:$0xD7D0] =	vst v1  }
0x5b: {  	[tilespmem:$0xD7E0] =	vst v1  }
0x5c: {  	s3 =	rddreg [dreg:$0x5];
	s6 =	simm.s32 $0xD700;
	[tilespmem:$0xD7F0] =	vst v1  }
0x5d: {  	[spmem:s3] =	stream.linear.scatter [tilespmem:s6], [sflag:$0x3], $0x100, $0x38;
	[tilespmem:$0xD900] =	vst v63  }
0x5e: {  	_ =	swait.ge [sflag:s15], $0x100  }
0x5f: {  	[sflag:s15] =	ssyncset.done $0x0  }
0x60: {  	[sflag:s15] =	ssyncadd.s32 $0xFFFFFF00  }
.Ltmp2:
0x61: {  	[bflag:$0x0] =	sbarrier.arrive $0xFFFF;
	(pc) =	sbr.rel .LBB2_2-.Ltmp2, $4  }
0x62: {  	s31 =	rddreg [dreg:$0x6]  }
0x63: {  	[tilespmem:s4], [sflag:$0x1] =	stream.linear.gather [hbm4b:s31+s4], $0x2B50, $0x38;
	[tilespmem:$0xD900] =	vst v63  }
0x64: {  	s26 =	simm.s32 $0x0;
	s29 =	simm.s32 $0x0  }
0x65: {  	[tilespmem:s16], [sflag:$0x1] =	stream.linear.gather [hbm4b:s8+s4], $0x2B50, $0x38;
	[tilespmem:$0xD900] =	vst v63  }
.LBB2_6:
0x66: {  	p2 =	sne.s32 s29, $0x9  }
.Ltmp3:
0x67: {  	_ = 	snop;
	(pc) =	sbr.rel @!p2 .LBB2_7-.Ltmp3, $1  }
0x68: {  	_ =	sdelay $0x3  }
.LBB2_2:
0x69: {  	s28 =	sshllo.u32 s29, $0x1  }
0x6a: {  	s3 =	smul.u32 $0x2B50, s28;
	_ =	sdelay $0x1  }
0x6b: {  	s3 =	sadd.s32 s5, s3  }
0x6c: {  	s3 =	sshrl.u32 s3, $0x3  }
0x6d: {  	s30 =	simm.s32 $0x0;
	s6 =	sadd.s32 s0, s3  }
0x6e: {  	[tilespmem:s17], [sflag:$0x1] =	stream.linear.gather [hbm4b:s6+s30], $0x2B50, $0x38;
	[tilespmem:$0xD900] =	vst v63  }
0x6f: {  	s3 =	sadd.s32 s1, s3  }
0x70: {  	[tilespmem:s18], [sflag:$0x1] =	stream.linear.gather [hbm4b:s3+s30], $0x2B50, $0x38;
	[tilespmem:$0xD900] =	vst v63  }
0x71: {  	_ =	swait.ge [sflag:s19], $0x2B50  }
.Ltmp4:
0x72: {  	[sflag:s19] =	ssyncset.done $0x0;
	(pc) =	sbr.rel .LBB2_3-.Ltmp4, $4  }
0x73: {  	[sflag:s19] =	ssyncadd.s32 $0xFFFFD4B0  }
0x74: {  	_ =	swait.ge [sflag:s19], $0x2B50  }
0x75: {  	[sflag:s19] =	ssyncset.done $0x0  }
0x76: {  	s31 =	smul.u32 $0x16, s29;
	[sflag:s19] =	ssyncadd.s32 $0xFFFFD4B0  }
.LBB2_5:
0x77: {  	s14 =	smov.u32 s26  }
.LBB2_13:
0x78: {  	v3 =	vsel @p2 vm0, $0x0, v4  }
0x79: {  	s6 =	simm.s32 @!p4 $0x2;
	s7 =	spop (v2sf);
	[tilespmem:s22+$0xCB30] =	vst @p2 v3  }
0x7a: {  	[spmem:s2] =	stream.indirect.scatter.add.f32 @p2 [tilespmem:s24], [sflag:$0x2], $0x1, s21, s20, $0xb8;
	[tilespmem:$0xD900] =	vst v63  }
0x7b: {  	_ =	swait.ge @!p4 [sflag:s6], $0x40  }
0x7c: {  	s7 =	smul.u32 $0x3F, s7;
	[sflag:s6] =	ssyncset.done @!p4 $0x0  }
0x7d: {  	s22 =	sshra.s32 s14, $0x1F;
	[sflag:s6] =	ssyncadd.s32 @!p4 $0xFFFFFFC0  }
0x7e: {  	s6 =	sshrl.u32 s22, $0x1D;
	v3 =	vld.idx.msk [tilespmem:v1+s7+$0x0 ss:$0x1], $0xffff  }
0x7f: {  	s6 =	sadd.s32 s6, s14  }
0x80: {  	s6 =	sand.u32 $0xFFFFFFF8, s6  }
0x81: {  	s6 =	ssub.s32 s14, s6  }
0x82: {  	s6 =	sshll.u32 s6, $0x7  }
0x83: {  	[tilespmem:s6+$0xC700] =	vst v3  }
0x84: {  	v3 =	vld.idx.msk [tilespmem:v1+s7+$0x2B80 ss:$0x1], $0xffff;
	_ =	sdelay $0x4  }
0x85: {  	[tilespmem:s6+$0xCB00] =	vst v3  }
0x86: {  	v3 =	vld.idx.msk [tilespmem:v1+s7+$0x10 ss:$0x1], $0xffff;
	_ =	sdelay $0x4  }
0x87: {  	[tilespmem:s6+$0xC710] =	vst v3  }
0x88: {  	v3 =	vld.idx.msk [tilespmem:v1+s7+$0x2B90 ss:$0x1], $0xffff;
	_ =	sdelay $0x4  }
0x89: {  	[tilespmem:s6+$0xCB10] =	vst v3  }
0x8a: {  	v3 =	vld.idx.msk [tilespmem:v1+s7+$0x20 ss:$0x1], $0xffff;
	_ =	sdelay $0x4  }
0x8b: {  	[tilespmem:s6+$0xC720] =	vst v3  }
0x8c: {  	v3 =	vld.idx.msk [tilespmem:v1+s7+$0x2BA0 ss:$0x1], $0xffff;
	_ =	sdelay $0x4  }
0x8d: {  	[tilespmem:s6+$0xCB20] =	vst v3  }
0x8e: {  	v3 =	vld.idx.msk [tilespmem:v1+s7+$0x30 ss:$0x1], $0xffff;
	_ =	sdelay $0x3  }
0x8f: {  	vm15 =	veq.s32 v0, $0xF  }
0x90: {  	v3 =	vsel vm15, $0x0, v3  }
0x91: {  	[tilespmem:s6+$0xC730] =	vst v3  }
0x92: {  	v1 =	vld.idx.msk [tilespmem:v1+s7+$0x2BB0 ss:$0x1], $0xffff;
	_ =	sdelay $0x4  }
0x93: {  	v1 =	vsel vm15, $0x0, v1  }
0x94: {  	s23 =	sadd.s32 $0xC700, s6;
	s24 =	sadd.s32 $0xCB00, s6;
	[tilespmem:s6+$0xCB30] =	vst v1  }
0x95: {  	[spmem:s2] =	stream.indirect.scatter.add.f32 [tilespmem:s23], [sflag:$0x2], $0x1, s24, s20, $0xb8;
	[tilespmem:$0xD900] =	vst v63  }
.LBB2_14:
0x96: {  	s30 =	sadd.s32 $0x1, s30  }
0x97: {  	p2 =	sne.s32 s30, $0xB  }
.Ltmp5:
0x98: {  	_ = 	snop;
	(pc) =	sbr.rel @!p2 .LBB2_15-.Ltmp5, $2  }
0x99: {  	_ =	sdelay $0x2  }
0x9a: {  	s26 =	sadd.s32 s26, s3  }
.LBB2_3:
0x9b: {  	v1 =	vld [tilespmem:$0x1FD00]  }
0x9c: {  	v4 =	vld [tilespmem:$0x1FD30]  }
0x9d: {  	v9 =	vld [tilespmem:$0x1FD40]  }
0x9e: {  	v10 =	vld [tilespmem:$0x1FD50]  }
0x9f: {  	v11 =	vld [tilespmem:$0x1FD60]  }
0xa0: {  	v12 =	vld [tilespmem:$0x1FD70]  }
0xa1: {  	v13 =	vld [tilespmem:$0x1FD80]  }
0xa2: {  	v14 =	vld [tilespmem:$0x1FD90]  }
0xa3: {  	v15 =	vld [tilespmem:$0x1FDA0]  }
0xa4: {  	v16 =	vld [tilespmem:$0x1FDB0]  }
0xa5: {  	v17 =	vld [tilespmem:$0x1FDC0]  }
0xa6: {  	v18 =	vld [tilespmem:$0x1FDD0]  }
0xa7: {  	v19 =	vld [tilespmem:$0x1FDE0]  }
0xa8: {  	v20 =	vld [tilespmem:$0x1FDF0]  }
0xa9: {  	v21 =	vld [tilespmem:$0x1FE00]  }
0xaa: {  	v22 =	vld [tilespmem:$0x1FE10]  }
0xab: {  	v23 =	vld [tilespmem:$0x1FE20]  }
0xac: {  	v24 =	vld [tilespmem:$0x1FE30]  }
0xad: {  	v25 =	vld [tilespmem:$0x1FE40]  }
0xae: {  	v26 =	vld [tilespmem:$0x1FE50]  }
0xaf: {  	v27 =	vld [tilespmem:$0x1FE60]  }
0xb0: {  	v28 =	vld [tilespmem:$0x1FE70]  }
0xb1: {  	v29 =	vld [tilespmem:$0x1FE80]  }
0xb2: {  	v30 =	vld [tilespmem:$0x1FE90]  }
0xb3: {  	v31 =	vld [tilespmem:$0x1FEA0]  }
0xb4: {  	v32 =	vld [tilespmem:$0x1FEB0]  }
0xb5: {  	v33 =	vld [tilespmem:$0x1FEC0]  }
0xb6: {  	v34 =	vld [tilespmem:$0x1FED0]  }
0xb7: {  	v35 =	vld [tilespmem:$0x1FEE0]  }
0xb8: {  	v36 =	vld [tilespmem:$0x1FEF0]  }
0xb9: {  	v37 =	vld [tilespmem:$0x1FF00]  }
0xba: {  	v38 =	vld [tilespmem:$0x1FF10]  }
0xbb: {  	v39 =	vld [tilespmem:$0x1FF20]  }
0xbc: {  	v40 =	vld [tilespmem:$0x1FF30]  }
0xbd: {  	v41 =	vld [tilespmem:$0x1FF40]  }
0xbe: {  	v42 =	vld [tilespmem:$0x1FF50]  }
0xbf: {  	v43 =	vld [tilespmem:$0x1FF60]  }
0xc0: {  	s14 =	smul.u32 $0x3F0, s30;
	v44 =	vld [tilespmem:$0x1FF70]  }
0xc1: {  	v45 =	vld [tilespmem:$0x1FF80]  }
0xc2: {  	v3 =	vadd.s32 s14, v1;
	v1 =	vld [tilespmem:$0x1FD10]  }
0xc3: {  	v46 =	vld [tilespmem:$0x1FF90]  }
0xc4: {  	v47 =	vld [tilespmem:$0x1FFA0];
	v8 =	vadd.s32 s14, v4  }
0xc5: {  	v48 =	vld [tilespmem:$0x1FFB0];
	v9 =	vadd.s32 s14, v9  }
0xc6: {  	v49 =	vld [tilespmem:$0x1FFC0];
	v10 =	vadd.s32 s14, v10  }
0xc7: {  	v11 =	vadd.s32 s14, v11;
	v6 =	vadd.s32 s14, v1;
	v1 =	vld [tilespmem:$0x1FD20]  }
0xc8: {  	v12 =	vadd.s32 s14, v12;
	v4 =	vld.idx.msk [tilespmem:v3+s16+$0x0], $0xffff  }
0xc9: {  	v13 =	vadd.s32 s14, v13;
	v8 =	vld.idx.msk [tilespmem:v8+s4+$0x0], $0xffff  }
0xca: {  	v14 =	vadd.s32 s14, v14;
	v9 =	vld.idx.msk [tilespmem:v9+s4+$0x0], $0xffff  }
0xcb: {  	v15 =	vadd.s32 s14, v15;
	v10 =	vld.idx.msk [tilespmem:v10+s4+$0x0], $0xffff  }
0xcc: {  	v16 =	vadd.s32 s14, v16;
	v11 =	vld.idx.msk [tilespmem:v11+s4+$0x0], $0xffff  }
0xcd: {  	v17 =	vadd.s32 s14, v17;
	v12 =	vld.idx.msk [tilespmem:v12+s4+$0x0], $0xffff  }
0xce: {  	v18 =	vadd.s32 s14, v18;
	v13 =	vld.idx.msk [tilespmem:v13+s4+$0x0], $0xffff  }
0xcf: {  	v19 =	vadd.s32 s14, v19;
	v14 =	vld.idx.msk [tilespmem:v14+s4+$0x0], $0xffff  }
0xd0: {  	v20 =	vadd.s32 s14, v20;
	v15 =	vld.idx.msk [tilespmem:v15+s4+$0x0], $0xffff  }
0xd1: {  	v21 =	vadd.s32 s14, v21;
	v16 =	vld.idx.msk [tilespmem:v16+s4+$0x0], $0xffff  }
0xd2: {  	v22 =	vadd.s32 s14, v22;
	v17 =	vld.idx.msk [tilespmem:v17+s4+$0x0], $0xffff  }
0xd3: {  	v23 =	vadd.s32 s14, v23;
	v18 =	vld.idx.msk [tilespmem:v18+s4+$0x0], $0xffff  }
0xd4: {  	v24 =	vadd.s32 s14, v24;
	v19 =	vld.idx.msk [tilespmem:v19+s4+$0x0], $0xffff  }
0xd5: {  	v25 =	vadd.s32 s14, v25;
	v20 =	vld.idx.msk [tilespmem:v20+s4+$0x0], $0xffff  }
0xd6: {  	v26 =	vadd.s32 s14, v26;
	v21 =	vld.idx.msk [tilespmem:v21+s4+$0x0], $0xffff  }
0xd7: {  	v27 =	vadd.s32 s14, v27;
	v22 =	vld.idx.msk [tilespmem:v22+s4+$0x0], $0xffff  }
0xd8: {  	v28 =	vadd.s32 s14, v28;
	v23 =	vld.idx.msk [tilespmem:v23+s4+$0x0], $0xffff  }
0xd9: {  	v29 =	vadd.s32 s14, v29;
	v24 =	vld.idx.msk [tilespmem:v24+s4+$0x0], $0xffff  }
0xda: {  	v30 =	vadd.s32 s14, v30;
	v25 =	vld.idx.msk [tilespmem:v25+s4+$0x0], $0xffff  }
0xdb: {  	v31 =	vadd.s32 s14, v31;
	v26 =	vld.idx.msk [tilespmem:v26+s4+$0x0], $0xffff  }
0xdc: {  	v32 =	vadd.s32 s14, v32;
	v27 =	vld.idx.msk [tilespmem:v27+s4+$0x0], $0xffff  }
0xdd: {  	v33 =	vadd.s32 s14, v33;
	v28 =	vld.idx.msk [tilespmem:v28+s4+$0x0], $0xffff  }
0xde: {  	v34 =	vadd.s32 s14, v34;
	v29 =	vld.idx.msk [tilespmem:v29+s4+$0x0], $0xffff  }
0xdf: {  	v35 =	vadd.s32 s14, v35;
	v30 =	vld.idx.msk [tilespmem:v30+s4+$0x0], $0xffff  }
0xe0: {  	v36 =	vadd.s32 s14, v36;
	v31 =	vld.idx.msk [tilespmem:v31+s4+$0x0], $0xffff  }
0xe1: {  	v37 =	vadd.s32 s14, v37;
	v32 =	vld.idx.msk [tilespmem:v32+s4+$0x0], $0xffff  }
0xe2: {  	v38 =	vadd.s32 s14, v38;
	v33 =	vld.idx.msk [tilespmem:v33+s4+$0x0], $0xffff  }
0xe3: {  	v39 =	vadd.s32 s14, v39;
	v34 =	vld.idx.msk [tilespmem:v34+s4+$0x0], $0xffff  }
0xe4: {  	v40 =	vadd.s32 s14, v40;
	v35 =	vld.idx.msk [tilespmem:v35+s4+$0x0], $0xffff  }
0xe5: {  	v41 =	vadd.s32 s14, v41;
	v36 =	vld.idx.msk [tilespmem:v36+s4+$0x0], $0xffff  }
0xe6: {  	v42 =	vadd.s32 s14, v42;
	v37 =	vld.idx.msk [tilespmem:v37+s4+$0x0], $0xffff  }
0xe7: {  	v43 =	vadd.s32 s14, v43;
	v38 =	vld.idx.msk [tilespmem:v38+s4+$0x0], $0xffff  }
0xe8: {  	v44 =	vadd.s32 s14, v44;
	v39 =	vld.idx.msk [tilespmem:v39+s4+$0x0], $0xffff  }
0xe9: {  	v40 =	vld.idx.msk [tilespmem:v40+s4+$0x0], $0xffff  }
0xea: {  	v5 =	vadd.s32 s14, v50;
	v41 =	vld.idx.msk [tilespmem:v41+s4+$0x0], $0xffff  }
0xeb: {  	v42 =	vld.idx.msk [tilespmem:v42+s4+$0x0], $0xffff  }
0xec: {  	v47 =	vadd.s32 s14, v47;
	v43 =	vld.idx.msk [tilespmem:v43+s4+$0x0], $0xffff  }
0xed: {  	v44 =	vld.idx.msk [tilespmem:v44+s4+$0x0], $0xffff  }
0xee: {  	v48 =	vadd.s32 s14, v48;
	v3 =	vld.idx.msk [tilespmem:v3+s4+$0x0], $0xffff  }
0xef: {  	v7 =	vadd.s32 s14, v1;
	v1 =	vld.idx.msk [tilespmem:v5+s16+$0x0], $0xffff  }
0xf0: {  	v5 =	vld.idx.msk [tilespmem:v5+s4+$0x0], $0xffff  }
0xf1: {  	v45 =	vadd.s32 s14, v45;
	v9 =	vadd.f32 v17, v9;
	v17 =	vld.idx.msk [tilespmem:v47+s4+$0x0], $0xffff  }
0xf2: {  	v47 =	vld [tilespmem:$0x1FFF0]  }
0xf3: {  	v11 =	vadd.f32 v19, v11;
	v19 =	vld.idx.msk [tilespmem:v48+s4+$0x0], $0xffff;
	v48 =	vadd.s32 s14, v55  }
0xf4: {  	v49 =	vadd.s32 s14, v49;
	v6 =	vld.idx.msk [tilespmem:v6+s4+$0x0], $0xffff;
	v8 =	vadd.f32 v16, v8  }
0xf5: {  	v46 =	vadd.s32 s14, v46;
	v10 =	vadd.f32 v18, v10;
	v12 =	vadd.f32 v20, v12;
	v7 =	vld.idx.msk [tilespmem:v7+s4+$0x0], $0xffff  }
0xf6: {  	v8 =	vadd.f32 v24, v8;
	v5 =	vadd.f32 v13, v5;
	v13 =	vld.idx.msk [tilespmem:v45+s4+$0x0], $0xffff  }
0xf7: {  	v20 =	vadd.s32 s14, v51;
	v9 =	vadd.f32 v25, v9;
	v10 =	vadd.f32 v26, v10;
	v45 =	vld [tilespmem:$0x1FFD0]  }
0xf8: {  	v11 =	vadd.f32 v27, v11;
	v12 =	vadd.f32 v28, v12;
	v18 =	vadd.s32 s14, v47;
	v25 =	vld.idx.msk [tilespmem:v48+s4+$0x0], $0xffff  }
0xf9: {  	v8 =	vadd.f32 v32, v8;
	v47 =	vadd.s32 s14, v54;
	v5 =	vadd.f32 v21, v5;
	v21 =	vld.idx.msk [tilespmem:v49+s4+$0x0], $0xffff  }
0xfa: {  	v9 =	vadd.f32 v33, v9;
	v49 =	vadd.s32 s14, v56;
	v7 =	vadd.f32 v15, v7;
	v15 =	vld.idx.msk [tilespmem:v46+s4+$0x0], $0xffff  }
0xfb: {  	v10 =	vadd.f32 v34, v10;
	v11 =	vadd.f32 v35, v11;
	v48 =	vadd.s32 s14, v60;
	v46 =	vld [tilespmem:$0x1FFE0]  }
0xfc: {  	v12 =	vadd.f32 v36, v12;
	v6 =	vadd.f32 v14, v6;
	v20 =	vld.idx.msk [tilespmem:v20+s4+$0x0], $0xffff;
	v14 =	vadd.s32 s14, v45  }
0xfd: {  	vm0 =	vne.s32 v1, v4;
	v8 =	vadd.f32 v40, v8;
	v45 =	vadd.s32 s14, v52;
	v18 =	vld.idx.msk [tilespmem:v18+s4+$0x0], $0xffff  }
0xfe: {  	v9 =	vadd.f32 v41, v9;
	v10 =	vadd.f32 v42, v10;
	v24 =	vld.idx.msk [tilespmem:v47+s4+$0x0], $0xffff;
	v47 =	vadd.s32 s14, v59  }
0xff: {  	v11 =	vadd.f32 v43, v11;
	v6 =	vadd.f32 v22, v6;
	v26 =	vld.idx.msk [tilespmem:v49+s4+$0x0], $0xffff;
	v49 =	vadd.s32 s14, v61  }
0x100: {  	v42 =	vld.idx.msk [tilespmem:v48+s4+$0x0], $0xffff;
	v7 =	vadd.f32 v23, v7;
	v16 =	vadd.s32 s14, v46;
	v46 =	vadd.s32 s14, v53  }
0x101: {  	v12 =	vadd.f32 v44, v12;
	v44 =	vmpcnt.ones.xlane vm0;
	v6 =	vadd.f32 v30, v6;
	v14 =	vld.idx.msk [tilespmem:v14+s4+$0x0], $0xffff  }
0x102: {  	v5 =	vadd.f32 v29, v5;
	v7 =	vadd.f32 v31, v7;
	v22 =	vld.idx.msk [tilespmem:v45+s4+$0x0], $0xffff;
	v45 =	vadd.s32 s14, v57  }
0x103: {  	v36 =	vadd.s32 s14, v62;
	(v2sf) =	vpush v44, $0x0;
	v6 =	vadd.f32 v38, v6;
	v38 =	vld.idx.msk [tilespmem:v47+s4+$0x0], $0xffff  }
0x104: {  	v5 =	vadd.f32 v37, v5;
	v7 =	vadd.f32 v39, v7;
	v39 =	vadd.s32 s14, v2;
	v43 =	vld.idx.msk [tilespmem:v49+s4+$0x0], $0xffff  }
0x105: {  	v9 =	vadd.f32 v21, v9;
	v23 =	vld.idx.msk [tilespmem:v46+s4+$0x0], $0xffff;
	v46 =	vadd.s32 s14, v58  }
0x106: {  	v41 =	vadd.f32 v19, v8;
	v37 =	vadd.s32 s14, v63;
	v5 =	vadd.f32 v13, v5;
	v16 =	vld.idx.msk [tilespmem:v16+s4+$0x0], $0xffff  }
0x107: {  	v9 =	vadd.f32 v25, v9;
	v6 =	vadd.f32 v15, v6;
	v27 =	vld.idx.msk [tilespmem:v45+s4+$0x0], $0xffff  }
0x108: {  	v12 =	vadd.f32 v18, v12;
	v5 =	vadd.f32 v20, v5;
	v45 =	vld.idx.msk [tilespmem:v36+s4+$0x0], $0xffff  }
0x109: {  	v40 =	vadd.f32 v17, v7;
	v7 =	vadd.f32 v24, v41;
	v15 =	vld.idx.msk [tilespmem:v39+s4+$0x0], $0xffff  }
0x10a: {  	v10 =	vadd.f32 v14, v10;
	v6 =	vadd.f32 v22, v6;
	v28 =	vld.idx.msk [tilespmem:v46+s4+$0x0], $0xffff  }
0x10b: {  	v5 =	vadd.f32 v38, v5;
	v11 =	vadd.f32 v16, v11;
	v46 =	vld.idx.msk [tilespmem:v37+s4+$0x0], $0xffff  }
0x10c: {  	v10 =	vadd.f32 v26, v10;
	v6 =	vadd.f32 v42, v6  }
0x10d: {  	v4 =	vadd.f32 v23, v40;
	v11 =	vadd.f32 v27, v11  }
0x10e: {  	v7 =	vadd.f32 v45, v7;
	v48 =	vadd.f32 v15, v10  }
0x10f: {  	v4 =	vadd.f32 v43, v4;
	v3 =	vadd.f32 v3, v11  }
0x110: {  	v12 =	vadd.f32 v28, v12;
	v47 =	vadd.f32 v46, v9  }
0x111: {  	v5 =	vadd.f32 v6, v5;
	v4 =	vadd.f32 v7, v4  }
0x112: {  	s3 =	sadd.s32 s31, s30;
	v49 =	vadd.f32 v48, v47;
	v3 =	vadd.f32 v3, v12  }
0x113: {  	s6 =	sshll.u32 s3, $0x4;
	s3 =	spop (v2sf)  }
0x114: {  	p2 =	slt.s32 s3, $0x1;
	v4 =	vadd.f32 v4, v5;
	v3 =	vadd.f32 v3, v49  }
.Ltmp6:
0x115: {  	_ = 	snop;
	(pc) =	sbr.rel @p2 .LBB2_14-.Ltmp6, $3  }
0x116: {  	v3 =	vadd.f32 v3, v4;
	_ =	sdelay $0x1  }
0x117: {  	[tilespmem:s6+$0xBA80] =	vst v1;
	v3 =	vsel vm0, $0x0, v3  }
0x118: {  	[tilespmem:s6+$0xAE00] =	vst v3  }
0x119: {  	v1 =	vimm.s32 $0x0  }
0x11a: {  	v3 =	vsel vm0, $0x1, v1  }
0x11b: {  	vm0 =	vne.s32 v3, $0x0  }
0x11c: {  	v4 =	vmctz.xlane vm0;
	_ =	sdelay $0x1  }
0x11d: {  	(v2sf) =	vpush v4, $0x0;
	_ =	sdelay $0x6  }
0x11e: {  	s6 =	sadd.s32 $0xFFFFFFFF, s3  }
0x11f: {  	p3 =	sne.s32 s6, $0x0  }
.Ltmp7:
0x120: {  	_ = 	snop;
	(pc) =	sbr.rel @!p3 .LBB2_5-.Ltmp7, $3  }
0x121: {  	v1 =	vbroadcast v4, $0x0;
	_ =	sdelay $0x1  }
0x122: {  	vm15 =	veq.s32 v1, v0  }
0x123: {  	p4 =	slt.s32 s26, $0x8;
	p2 =	por $0x0, $0x0;
	v1 =	vmov s14;
	v3 =	vsel vm15, $0x0, v3  }
0x124: {  	_ = 	snop  }
0x125: {  	s14 =	simm.s32 @!p4 $0x2;
	s21 =	spop (v2sf)  }
0x126: {  	_ =	swait.ge @!p4 [sflag:s14], $0x40  }
0x127: {  	s21 =	smul.u32 $0x3F, s21;
	[sflag:s14] =	ssyncset.done @!p4 $0x0  }
0x128: {  	s24 =	sshra.s32 s26, $0x1F;
	[sflag:s14] =	ssyncadd.s32 @!p4 $0xFFFFFFC0  }
0x129: {  	s14 =	sshrl.u32 s24, $0x1D;
	v4 =	vld.idx.msk [tilespmem:v1+s21+$0x0 ss:$0x1], $0xffff  }
0x12a: {  	s14 =	sadd.s32 s14, s26  }
0x12b: {  	s14 =	sand.u32 $0xFFFFFFF8, s14  }
0x12c: {  	s14 =	ssub.s32 s26, s14  }
0x12d: {  	s22 =	sshll.u32 s14, $0x7  }
0x12e: {  	[tilespmem:s22+$0xC700] =	vst v4  }
0x12f: {  	v4 =	vld.idx.msk [tilespmem:v1+s21+$0x2B80 ss:$0x1], $0xffff;
	_ =	sdelay $0x4  }
0x130: {  	[tilespmem:s22+$0xCB00] =	vst v4  }
0x131: {  	v4 =	vld.idx.msk [tilespmem:v1+s21+$0x10 ss:$0x1], $0xffff;
	_ =	sdelay $0x4  }
0x132: {  	[tilespmem:s22+$0xC710] =	vst v4  }
0x133: {  	v4 =	vld.idx.msk [tilespmem:v1+s21+$0x2B90 ss:$0x1], $0xffff;
	_ =	sdelay $0x4  }
0x134: {  	[tilespmem:s22+$0xCB10] =	vst v4  }
0x135: {  	v4 =	vld.idx.msk [tilespmem:v1+s21+$0x20 ss:$0x1], $0xffff;
	_ =	sdelay $0x4  }
0x136: {  	[tilespmem:s22+$0xC720] =	vst v4  }
0x137: {  	v4 =	vld.idx.msk [tilespmem:v1+s21+$0x2BA0 ss:$0x1], $0xffff  }
0x138: {  	vm0 =	vne.s32 v3, $0x0  }
0x139: {  	v5 =	vmctz.xlane vm0;
	_ =	sdelay $0x1  }
0x13a: {  	(v2sf) =	vpush v5, $0x0  }
0x13b: {  	[tilespmem:s22+$0xCB20] =	vst v4  }
0x13c: {  	v4 =	vld.idx.msk [tilespmem:v1+s21+$0x30 ss:$0x1], $0xffff;
	_ =	sdelay $0x3  }
0x13d: {  	vm0 =	veq.s32 v0, $0xF  }
0x13e: {  	s23 =	sadd.s32 $0xFFFFFFFF, s6;
	v4 =	vsel vm0, $0x0, v4  }
0x13f: {  	p3 =	sne.s32 s23, $0x0;
	[tilespmem:s22+$0xC730] =	vst v4  }
.Ltmp8:
0x140: {  	v4 =	vld.idx.msk [tilespmem:v1+s21+$0x2BB0 ss:$0x1], $0xffff;
	(pc) =	sbr.rel @!p3 .LBB2_13-.Ltmp8, $3  }
0x141: {  	v6 =	vbroadcast v5, $0x0;
	_ =	sdelay $0x1  }
0x142: {  	p2 =	por $0x1, $0x1;
	vm1 =	veq.s32 v6, v0;
	s14 =	sadd.s32 $0x1, s26  }
0x143: {  	v3 =	vsel vm1, $0x0, v3;
	s24 =	sadd.s32 $0xC700, s22;
	p4 =	slt.s32 s14, $0x8;
	s21 =	sadd.s32 $0xCB00, s22  }
.LBB2_12:
0x144: {  	s23 =	sadd.s32 $0xFFFFFFFF, s23;
	v4 =	vsel vm0, $0x0, v4  }
0x145: {  	s7 =	simm.s32 @!p4 $0x2;
	p3 =	sne.s32 s23, $0x0;
	s6 =	spop (v2sf);
	[tilespmem:s22+$0xCB30] =	vst v4  }
0x146: {  	[spmem:s2] =	stream.indirect.scatter.add.f32 [tilespmem:s24], [sflag:$0x2], $0x1, s21, s20, $0xb8;
	[tilespmem:$0xD900] =	vst v63  }
0x147: {  	_ =	swait.ge @!p4 [sflag:s7], $0x40  }
0x148: {  	s6 =	smul.u32 $0x3F, s6;
	[sflag:s7] =	ssyncset.done @!p4 $0x0  }
0x149: {  	[sflag:s7] =	ssyncadd.s32 @!p4 $0xFFFFFFC0  }
0x14a: {  	s7 =	sshra.s32 s14, $0x1F;
	v4 =	vld.idx.msk [tilespmem:v1+s6+$0x0 ss:$0x1], $0xffff  }
0x14b: {  	s7 =	sshrl.u32 s7, $0x1D  }
0x14c: {  	s7 =	sadd.s32 s7, s14  }
0x14d: {  	s7 =	sand.u32 $0xFFFFFFF8, s7  }
0x14e: {  	s7 =	ssub.s32 s14, s7  }
0x14f: {  	s22 =	sshll.u32 s7, $0x7  }
0x150: {  	s24 =	sadd.s32 $0xC700, s22;
	s21 =	sadd.s32 $0xCB00, s22;
	[tilespmem:s22+$0xC700] =	vst v4  }
0x151: {  	v4 =	vld.idx.msk [tilespmem:v1+s6+$0x2B80 ss:$0x1], $0xffff;
	_ =	sdelay $0x5  }
0x152: {  	[tilespmem:s22+$0xCB00] =	vst v4  }
0x153: {  	v4 =	vld.idx.msk [tilespmem:v1+s6+$0x10 ss:$0x1], $0xffff;
	_ =	sdelay $0x5  }
0x154: {  	[tilespmem:s22+$0xC710] =	vst v4  }
0x155: {  	v4 =	vld.idx.msk [tilespmem:v1+s6+$0x2B90 ss:$0x1], $0xffff;
	_ =	sdelay $0x5  }
0x156: {  	[tilespmem:s22+$0xCB10] =	vst v4  }
0x157: {  	v4 =	vld.idx.msk [tilespmem:v1+s6+$0x20 ss:$0x1], $0xffff;
	_ =	sdelay $0x5  }
0x158: {  	[tilespmem:s22+$0xC720] =	vst v4  }
0x159: {  	v4 =	vld.idx.msk [tilespmem:v1+s6+$0x2BA0 ss:$0x1], $0xffff;
	_ =	sdelay $0x3  }
0x15a: {  	vm1 =	vne.s32 v3, $0x0  }
0x15b: {  	v5 =	vmctz.xlane vm1  }
0x15c: {  	[tilespmem:s22+$0xCB20] =	vst v4  }
0x15d: {  	v4 =	vbroadcast v5, $0x0;
	(v2sf) =	vpush v5, $0x0;
	v5 =	vld.idx.msk [tilespmem:v1+s6+$0x30 ss:$0x1], $0xffff;
	_ =	sdelay $0x1  }
0x15e: {  	vm1 =	veq.s32 v4, v0  }
0x15f: {  	v3 =	vsel vm1, $0x0, v3;
	_ =	sdelay $0x2  }
0x160: {  	v4 =	vsel vm0, $0x0, v5  }
0x161: {  	[tilespmem:s22+$0xC730] =	vst v4  }
0x162: {  	v4 =	vld.idx.msk [tilespmem:v1+s6+$0x2BB0 ss:$0x1], $0xffff  }
.Ltmp9:
0x163: {  	(pc) =	sbr.rel @p3 .LBB2_12-.Ltmp9, $3  }
0x164: {  	_ =	sdelay $0x1  }
0x165: {  	s14 =	sadd.s32 $0x1, s14  }
0x166: {  	p4 =	slt.s32 s14, $0x8  }
.Ltmp10:
0x167: {  	_ = 	snop;
	(pc) =	sbr.rel .LBB2_13-.Ltmp10, $1  }
0x168: {  	_ =	sdelay $0x3  }
.LBB2_15:
0x169: {  	p2 =	seq.s32 s29, $0x8  }
0x16a: {  	s3 =	smul.u32 @!p2 $0x56A0, s29;
	_ =	sdelay $0x1  }
0x16b: {  	s3 =	sadd.s32 @!p2 s3, s9  }
0x16c: {  	s3 =	sshrl.u32 @!p2 s3, $0x3  }
0x16d: {  	s7 =	simm.s32 @!p2 $0x0;
	s6 =	sadd.s32 @!p2 s0, s3  }
0x16e: {  	[tilespmem:s7], [sflag:$0x1] =	stream.linear.gather @!p2 [hbm4b:s6+s7], $0x2B50, $0x38;
	[tilespmem:$0xD900] =	vst v63  }
0x16f: {  	s3 =	sadd.s32 @!p2 s1, s3;
	s6 =	simm.s32 @!p2 $0x2B80  }
0x170: {  	[tilespmem:s6], [sflag:$0x1] =	stream.linear.gather @!p2 [hbm4b:s3+s7], $0x2B50, $0x38;
	[tilespmem:$0xD900] =	vst v63  }
0x171: {  	_ =	swait.ge [sflag:s19], $0x2B50  }
.Ltmp11:
0x172: {  	[sflag:s19] =	ssyncset.done $0x0;
	(pc) =	sbr.rel .LBB2_16-.Ltmp11, $4  }
0x173: {  	[sflag:s19] =	ssyncadd.s32 $0xFFFFD4B0  }
0x174: {  	_ =	swait.ge [sflag:s19], $0x2B50  }
0x175: {  	s28 =	smul.u32 $0xB, s28;
	[sflag:s19] =	ssyncset.done $0x0  }
0x176: {  	s30 =	simm.s32 $0x0;
	s29 =	sadd.s32 $0x1, s29;
	[sflag:s19] =	ssyncadd.s32 $0xFFFFD4B0  }
.LBB2_18:
0x177: {  	s14 =	smov.u32 s26  }
.LBB2_21:
0x178: {  	v3 =	vsel @p2 vm0, $0x0, v4  }
0x179: {  	s6 =	simm.s32 @!p4 $0x2;
	s7 =	spop (v2sf);
	[tilespmem:s22+$0xCB30] =	vst @p2 v3  }
0x17a: {  	[spmem:s2] =	stream.indirect.scatter.add.f32 @p2 [tilespmem:s24], [sflag:$0x2], $0x1, s21, s20, $0xb8;
	[tilespmem:$0xD900] =	vst v63  }
0x17b: {  	_ =	swait.ge @!p4 [sflag:s6], $0x40  }
0x17c: {  	s7 =	smul.u32 $0x3F, s7;
	[sflag:s6] =	ssyncset.done @!p4 $0x0  }
0x17d: {  	s23 =	sshra.s32 s14, $0x1F;
	[sflag:s6] =	ssyncadd.s32 @!p4 $0xFFFFFFC0  }
0x17e: {  	s6 =	sshrl.u32 s23, $0x1D;
	v3 =	vld.idx.msk [tilespmem:v1+s7+$0x5700 ss:$0x1], $0xffff  }
0x17f: {  	s6 =	sadd.s32 s6, s14  }
0x180: {  	s6 =	sand.u32 $0xFFFFFFF8, s6  }
0x181: {  	s6 =	ssub.s32 s14, s6  }
0x182: {  	s6 =	sshll.u32 s6, $0x7  }
0x183: {  	[tilespmem:s6+$0xC700] =	vst v3  }
0x184: {  	v3 =	vld.idx.msk [tilespmem:v1+s7+$0x8280 ss:$0x1], $0xffff;
	_ =	sdelay $0x4  }
0x185: {  	[tilespmem:s6+$0xCB00] =	vst v3  }
0x186: {  	v3 =	vld.idx.msk [tilespmem:v1+s7+$0x5710 ss:$0x1], $0xffff;
	_ =	sdelay $0x4  }
0x187: {  	[tilespmem:s6+$0xC710] =	vst v3  }
0x188: {  	v3 =	vld.idx.msk [tilespmem:v1+s7+$0x8290 ss:$0x1], $0xffff;
	_ =	sdelay $0x4  }
0x189: {  	[tilespmem:s6+$0xCB10] =	vst v3  }
0x18a: {  	v3 =	vld.idx.msk [tilespmem:v1+s7+$0x5720 ss:$0x1], $0xffff;
	_ =	sdelay $0x4  }
0x18b: {  	[tilespmem:s6+$0xC720] =	vst v3  }
0x18c: {  	v3 =	vld.idx.msk [tilespmem:v1+s7+$0x82A0 ss:$0x1], $0xffff;
	_ =	sdelay $0x4  }
0x18d: {  	[tilespmem:s6+$0xCB20] =	vst v3  }
0x18e: {  	v3 =	vld.idx.msk [tilespmem:v1+s7+$0x5730 ss:$0x1], $0xffff;
	_ =	sdelay $0x3  }
0x18f: {  	vm15 =	veq.s32 v0, $0xF  }
0x190: {  	v3 =	vsel vm15, $0x0, v3  }
0x191: {  	[tilespmem:s6+$0xC730] =	vst v3  }
0x192: {  	v1 =	vld.idx.msk [tilespmem:v1+s7+$0x82B0 ss:$0x1], $0xffff;
	_ =	sdelay $0x4  }
0x193: {  	v1 =	vsel vm15, $0x0, v1  }
0x194: {  	s24 =	sadd.s32 $0xC700, s6;
	s31 =	sadd.s32 $0xCB00, s6;
	[tilespmem:s6+$0xCB30] =	vst v1  }
0x195: {  	[spmem:s2] =	stream.indirect.scatter.add.f32 [tilespmem:s24], [sflag:$0x2], $0x1, s31, s20, $0xb8;
	[tilespmem:$0xD900] =	vst v63  }
.LBB2_22:
0x196: {  	s30 =	sadd.s32 $0x1, s30  }
0x197: {  	p2 =	seq.s32 s30, $0xB  }
.Ltmp12:
0x198: {  	_ = 	snop;
	(pc) =	sbr.rel @p2 .LBB2_6-.Ltmp12, $2  }
0x199: {  	_ =	sdelay $0x2  }
0x19a: {  	s26 =	sadd.s32 s26, s3  }
.LBB2_16:
0x19b: {  	v1 =	vld [tilespmem:$0x1FD00]  }
0x19c: {  	v4 =	vld [tilespmem:$0x1FD30]  }
0x19d: {  	v9 =	vld [tilespmem:$0x1FD40]  }
0x19e: {  	v10 =	vld [tilespmem:$0x1FD50]  }
0x19f: {  	v11 =	vld [tilespmem:$0x1FD60]  }
0x1a0: {  	v12 =	vld [tilespmem:$0x1FD70]  }
0x1a1: {  	v13 =	vld [tilespmem:$0x1FD80]  }
0x1a2: {  	v14 =	vld [tilespmem:$0x1FD90]  }
0x1a3: {  	v15 =	vld [tilespmem:$0x1FDA0]  }
0x1a4: {  	v16 =	vld [tilespmem:$0x1FDB0]  }
0x1a5: {  	v17 =	vld [tilespmem:$0x1FDC0]  }
0x1a6: {  	v18 =	vld [tilespmem:$0x1FDD0]  }
0x1a7: {  	v19 =	vld [tilespmem:$0x1FDE0]  }
0x1a8: {  	v20 =	vld [tilespmem:$0x1FDF0]  }
0x1a9: {  	v21 =	vld [tilespmem:$0x1FE00]  }
0x1aa: {  	v22 =	vld [tilespmem:$0x1FE10]  }
0x1ab: {  	v23 =	vld [tilespmem:$0x1FE20]  }
0x1ac: {  	v24 =	vld [tilespmem:$0x1FE30]  }
0x1ad: {  	v25 =	vld [tilespmem:$0x1FE40]  }
0x1ae: {  	v26 =	vld [tilespmem:$0x1FE50]  }
0x1af: {  	v27 =	vld [tilespmem:$0x1FE60]  }
0x1b0: {  	v28 =	vld [tilespmem:$0x1FE70]  }
0x1b1: {  	v29 =	vld [tilespmem:$0x1FE80]  }
0x1b2: {  	v30 =	vld [tilespmem:$0x1FE90]  }
0x1b3: {  	v31 =	vld [tilespmem:$0x1FEA0]  }
0x1b4: {  	v32 =	vld [tilespmem:$0x1FEB0]  }
0x1b5: {  	v33 =	vld [tilespmem:$0x1FEC0]  }
0x1b6: {  	v34 =	vld [tilespmem:$0x1FED0]  }
0x1b7: {  	v35 =	vld [tilespmem:$0x1FEE0]  }
0x1b8: {  	v36 =	vld [tilespmem:$0x1FEF0]  }
0x1b9: {  	v37 =	vld [tilespmem:$0x1FF00]  }
0x1ba: {  	v38 =	vld [tilespmem:$0x1FF10]  }
0x1bb: {  	v39 =	vld [tilespmem:$0x1FF20]  }
0x1bc: {  	v40 =	vld [tilespmem:$0x1FF30]  }
0x1bd: {  	v41 =	vld [tilespmem:$0x1FF40]  }
0x1be: {  	v42 =	vld [tilespmem:$0x1FF50]  }
0x1bf: {  	v43 =	vld [tilespmem:$0x1FF60]  }
0x1c0: {  	s14 =	smul.u32 $0x3F0, s30;
	v44 =	vld [tilespmem:$0x1FF70]  }
0x1c1: {  	v45 =	vld [tilespmem:$0x1FF80]  }
0x1c2: {  	v3 =	vadd.s32 s14, v1;
	v1 =	vld [tilespmem:$0x1FD10]  }
0x1c3: {  	v46 =	vld [tilespmem:$0x1FF90]  }
0x1c4: {  	v47 =	vld [tilespmem:$0x1FFA0];
	v8 =	vadd.s32 s14, v4  }
0x1c5: {  	v48 =	vld [tilespmem:$0x1FFB0];
	v9 =	vadd.s32 s14, v9  }
0x1c6: {  	v49 =	vld [tilespmem:$0x1FFC0];
	v10 =	vadd.s32 s14, v10  }
0x1c7: {  	v11 =	vadd.s32 s14, v11;
	v6 =	vadd.s32 s14, v1;
	v1 =	vld [tilespmem:$0x1FD20]  }
0x1c8: {  	v12 =	vadd.s32 s14, v12;
	v4 =	vld.idx.msk [tilespmem:v3+s18+$0x0], $0xffff  }
0x1c9: {  	v13 =	vadd.s32 s14, v13;
	v8 =	vld.idx.msk [tilespmem:v8+s17+$0x0], $0xffff  }
0x1ca: {  	v14 =	vadd.s32 s14, v14;
	v9 =	vld.idx.msk [tilespmem:v9+s17+$0x0], $0xffff  }
0x1cb: {  	v15 =	vadd.s32 s14, v15;
	v10 =	vld.idx.msk [tilespmem:v10+s17+$0x0], $0xffff  }
0x1cc: {  	v16 =	vadd.s32 s14, v16;
	v11 =	vld.idx.msk [tilespmem:v11+s17+$0x0], $0xffff  }
0x1cd: {  	v17 =	vadd.s32 s14, v17;
	v12 =	vld.idx.msk [tilespmem:v12+s17+$0x0], $0xffff  }
0x1ce: {  	v18 =	vadd.s32 s14, v18;
	v13 =	vld.idx.msk [tilespmem:v13+s17+$0x0], $0xffff  }
0x1cf: {  	v19 =	vadd.s32 s14, v19;
	v14 =	vld.idx.msk [tilespmem:v14+s17+$0x0], $0xffff  }
0x1d0: {  	v20 =	vadd.s32 s14, v20;
	v15 =	vld.idx.msk [tilespmem:v15+s17+$0x0], $0xffff  }
0x1d1: {  	v21 =	vadd.s32 s14, v21;
	v16 =	vld.idx.msk [tilespmem:v16+s17+$0x0], $0xffff  }
0x1d2: {  	v22 =	vadd.s32 s14, v22;
	v17 =	vld.idx.msk [tilespmem:v17+s17+$0x0], $0xffff  }
0x1d3: {  	v23 =	vadd.s32 s14, v23;
	v18 =	vld.idx.msk [tilespmem:v18+s17+$0x0], $0xffff  }
0x1d4: {  	v24 =	vadd.s32 s14, v24;
	v19 =	vld.idx.msk [tilespmem:v19+s17+$0x0], $0xffff  }
0x1d5: {  	v25 =	vadd.s32 s14, v25;
	v20 =	vld.idx.msk [tilespmem:v20+s17+$0x0], $0xffff  }
0x1d6: {  	v26 =	vadd.s32 s14, v26;
	v21 =	vld.idx.msk [tilespmem:v21+s17+$0x0], $0xffff  }
0x1d7: {  	v27 =	vadd.s32 s14, v27;
	v22 =	vld.idx.msk [tilespmem:v22+s17+$0x0], $0xffff  }
0x1d8: {  	v28 =	vadd.s32 s14, v28;
	v23 =	vld.idx.msk [tilespmem:v23+s17+$0x0], $0xffff  }
0x1d9: {  	v29 =	vadd.s32 s14, v29;
	v24 =	vld.idx.msk [tilespmem:v24+s17+$0x0], $0xffff  }
0x1da: {  	v30 =	vadd.s32 s14, v30;
	v25 =	vld.idx.msk [tilespmem:v25+s17+$0x0], $0xffff  }
0x1db: {  	v31 =	vadd.s32 s14, v31;
	v26 =	vld.idx.msk [tilespmem:v26+s17+$0x0], $0xffff  }
0x1dc: {  	v32 =	vadd.s32 s14, v32;
	v27 =	vld.idx.msk [tilespmem:v27+s17+$0x0], $0xffff  }
0x1dd: {  	v33 =	vadd.s32 s14, v33;
	v28 =	vld.idx.msk [tilespmem:v28+s17+$0x0], $0xffff  }
0x1de: {  	v34 =	vadd.s32 s14, v34;
	v29 =	vld.idx.msk [tilespmem:v29+s17+$0x0], $0xffff  }
0x1df: {  	v35 =	vadd.s32 s14, v35;
	v30 =	vld.idx.msk [tilespmem:v30+s17+$0x0], $0xffff  }
0x1e0: {  	v36 =	vadd.s32 s14, v36;
	v31 =	vld.idx.msk [tilespmem:v31+s17+$0x0], $0xffff  }
0x1e1: {  	v37 =	vadd.s32 s14, v37;
	v32 =	vld.idx.msk [tilespmem:v32+s17+$0x0], $0xffff  }
0x1e2: {  	v38 =	vadd.s32 s14, v38;
	v33 =	vld.idx.msk [tilespmem:v33+s17+$0x0], $0xffff  }
0x1e3: {  	v39 =	vadd.s32 s14, v39;
	v34 =	vld.idx.msk [tilespmem:v34+s17+$0x0], $0xffff  }
0x1e4: {  	v40 =	vadd.s32 s14, v40;
	v35 =	vld.idx.msk [tilespmem:v35+s17+$0x0], $0xffff  }
0x1e5: {  	v41 =	vadd.s32 s14, v41;
	v36 =	vld.idx.msk [tilespmem:v36+s17+$0x0], $0xffff  }
0x1e6: {  	v42 =	vadd.s32 s14, v42;
	v37 =	vld.idx.msk [tilespmem:v37+s17+$0x0], $0xffff  }
0x1e7: {  	v43 =	vadd.s32 s14, v43;
	v38 =	vld.idx.msk [tilespmem:v38+s17+$0x0], $0xffff  }
0x1e8: {  	v44 =	vadd.s32 s14, v44;
	v39 =	vld.idx.msk [tilespmem:v39+s17+$0x0], $0xffff  }
0x1e9: {  	v40 =	vld.idx.msk [tilespmem:v40+s17+$0x0], $0xffff  }
0x1ea: {  	v5 =	vadd.s32 s14, v50;
	v41 =	vld.idx.msk [tilespmem:v41+s17+$0x0], $0xffff  }
0x1eb: {  	v42 =	vld.idx.msk [tilespmem:v42+s17+$0x0], $0xffff  }
0x1ec: {  	v47 =	vadd.s32 s14, v47;
	v43 =	vld.idx.msk [tilespmem:v43+s17+$0x0], $0xffff  }
0x1ed: {  	v44 =	vld.idx.msk [tilespmem:v44+s17+$0x0], $0xffff  }
0x1ee: {  	v48 =	vadd.s32 s14, v48;
	v3 =	vld.idx.msk [tilespmem:v3+s17+$0x0], $0xffff  }
0x1ef: {  	v7 =	vadd.s32 s14, v1;
	v1 =	vld.idx.msk [tilespmem:v5+s18+$0x0], $0xffff  }
0x1f0: {  	v5 =	vld.idx.msk [tilespmem:v5+s17+$0x0], $0xffff  }
0x1f1: {  	v45 =	vadd.s32 s14, v45;
	v9 =	vadd.f32 v17, v9;
	v17 =	vld.idx.msk [tilespmem:v47+s17+$0x0], $0xffff  }
0x1f2: {  	v47 =	vld [tilespmem:$0x1FFF0]  }
0x1f3: {  	v11 =	vadd.f32 v19, v11;
	v19 =	vld.idx.msk [tilespmem:v48+s17+$0x0], $0xffff;
	v48 =	vadd.s32 s14, v55  }
0x1f4: {  	v49 =	vadd.s32 s14, v49;
	v6 =	vld.idx.msk [tilespmem:v6+s17+$0x0], $0xffff;
	v8 =	vadd.f32 v16, v8  }
0x1f5: {  	v46 =	vadd.s32 s14, v46;
	v10 =	vadd.f32 v18, v10;
	v12 =	vadd.f32 v20, v12;
	v7 =	vld.idx.msk [tilespmem:v7+s17+$0x0], $0xffff  }
0x1f6: {  	v8 =	vadd.f32 v24, v8;
	v5 =	vadd.f32 v13, v5;
	v13 =	vld.idx.msk [tilespmem:v45+s17+$0x0], $0xffff  }
0x1f7: {  	v20 =	vadd.s32 s14, v51;
	v9 =	vadd.f32 v25, v9;
	v10 =	vadd.f32 v26, v10;
	v45 =	vld [tilespmem:$0x1FFD0]  }
0x1f8: {  	v11 =	vadd.f32 v27, v11;
	v12 =	vadd.f32 v28, v12;
	v18 =	vadd.s32 s14, v47;
	v25 =	vld.idx.msk [tilespmem:v48+s17+$0x0], $0xffff  }
0x1f9: {  	v8 =	vadd.f32 v32, v8;
	v47 =	vadd.s32 s14, v54;
	v5 =	vadd.f32 v21, v5;
	v21 =	vld.idx.msk [tilespmem:v49+s17+$0x0], $0xffff  }
0x1fa: {  	v9 =	vadd.f32 v33, v9;
	v49 =	vadd.s32 s14, v56;
	v7 =	vadd.f32 v15, v7;
	v15 =	vld.idx.msk [tilespmem:v46+s17+$0x0], $0xffff  }
0x1fb: {  	v10 =	vadd.f32 v34, v10;
	v11 =	vadd.f32 v35, v11;
	v48 =	vadd.s32 s14, v60;
	v46 =	vld [tilespmem:$0x1FFE0]  }
0x1fc: {  	v12 =	vadd.f32 v36, v12;
	v6 =	vadd.f32 v14, v6;
	v20 =	vld.idx.msk [tilespmem:v20+s17+$0x0], $0xffff;
	v14 =	vadd.s32 s14, v45  }
0x1fd: {  	vm0 =	vne.s32 v1, v4;
	v8 =	vadd.f32 v40, v8;
	v45 =	vadd.s32 s14, v52;
	v18 =	vld.idx.msk [tilespmem:v18+s17+$0x0], $0xffff  }
0x1fe: {  	v9 =	vadd.f32 v41, v9;
	v10 =	vadd.f32 v42, v10;
	v24 =	vld.idx.msk [tilespmem:v47+s17+$0x0], $0xffff;
	v47 =	vadd.s32 s14, v59  }
0x1ff: {  	v11 =	vadd.f32 v43, v11;
	v6 =	vadd.f32 v22, v6;
	v26 =	vld.idx.msk [tilespmem:v49+s17+$0x0], $0xffff;
	v49 =	vadd.s32 s14, v61  }
0x200: {  	v42 =	vld.idx.msk [tilespmem:v48+s17+$0x0], $0xffff;
	v7 =	vadd.f32 v23, v7;
	v16 =	vadd.s32 s14, v46;
	v46 =	vadd.s32 s14, v53  }
0x201: {  	v12 =	vadd.f32 v44, v12;
	v44 =	vmpcnt.ones.xlane vm0;
	v6 =	vadd.f32 v30, v6;
	v14 =	vld.idx.msk [tilespmem:v14+s17+$0x0], $0xffff  }
0x202: {  	v5 =	vadd.f32 v29, v5;
	v7 =	vadd.f32 v31, v7;
	v22 =	vld.idx.msk [tilespmem:v45+s17+$0x0], $0xffff;
	v45 =	vadd.s32 s14, v57  }
0x203: {  	v36 =	vadd.s32 s14, v62;
	(v2sf) =	vpush v44, $0x0;
	v6 =	vadd.f32 v38, v6;
	v38 =	vld.idx.msk [tilespmem:v47+s17+$0x0], $0xffff  }
0x204: {  	v5 =	vadd.f32 v37, v5;
	v7 =	vadd.f32 v39, v7;
	v39 =	vadd.s32 s14, v2;
	v43 =	vld.idx.msk [tilespmem:v49+s17+$0x0], $0xffff  }
0x205: {  	v9 =	vadd.f32 v21, v9;
	v23 =	vld.idx.msk [tilespmem:v46+s17+$0x0], $0xffff;
	v46 =	vadd.s32 s14, v58  }
0x206: {  	v41 =	vadd.f32 v19, v8;
	v37 =	vadd.s32 s14, v63;
	v5 =	vadd.f32 v13, v5;
	v16 =	vld.idx.msk [tilespmem:v16+s17+$0x0], $0xffff  }
0x207: {  	v9 =	vadd.f32 v25, v9;
	v6 =	vadd.f32 v15, v6;
	v27 =	vld.idx.msk [tilespmem:v45+s17+$0x0], $0xffff  }
0x208: {  	v12 =	vadd.f32 v18, v12;
	v5 =	vadd.f32 v20, v5;
	v45 =	vld.idx.msk [tilespmem:v36+s17+$0x0], $0xffff  }
0x209: {  	v40 =	vadd.f32 v17, v7;
	v7 =	vadd.f32 v24, v41;
	v15 =	vld.idx.msk [tilespmem:v39+s17+$0x0], $0xffff  }
0x20a: {  	v10 =	vadd.f32 v14, v10;
	v6 =	vadd.f32 v22, v6;
	v28 =	vld.idx.msk [tilespmem:v46+s17+$0x0], $0xffff  }
0x20b: {  	v5 =	vadd.f32 v38, v5;
	v11 =	vadd.f32 v16, v11;
	v46 =	vld.idx.msk [tilespmem:v37+s17+$0x0], $0xffff  }
0x20c: {  	v10 =	vadd.f32 v26, v10;
	v6 =	vadd.f32 v42, v6  }
0x20d: {  	v4 =	vadd.f32 v23, v40;
	v11 =	vadd.f32 v27, v11  }
0x20e: {  	v7 =	vadd.f32 v45, v7;
	v48 =	vadd.f32 v15, v10  }
0x20f: {  	v4 =	vadd.f32 v43, v4;
	v3 =	vadd.f32 v3, v11  }
0x210: {  	v12 =	vadd.f32 v28, v12;
	v47 =	vadd.f32 v46, v9  }
0x211: {  	v5 =	vadd.f32 v6, v5;
	v4 =	vadd.f32 v7, v4  }
0x212: {  	s3 =	sadd.s32 s28, s30;
	v49 =	vadd.f32 v48, v47;
	v3 =	vadd.f32 v3, v12  }
0x213: {  	s6 =	sshll.u32 s3, $0x4;
	s3 =	spop (v2sf)  }
0x214: {  	p2 =	slt.s32 s3, $0x1;
	v4 =	vadd.f32 v4, v5;
	v3 =	vadd.f32 v3, v49  }
.Ltmp13:
0x215: {  	_ = 	snop;
	(pc) =	sbr.rel @p2 .LBB2_22-.Ltmp13, $3  }
0x216: {  	v3 =	vadd.f32 v3, v4;
	_ =	sdelay $0x1  }
0x217: {  	[tilespmem:s6+$0xBA80] =	vst v1;
	v3 =	vsel vm0, $0x0, v3  }
0x218: {  	[tilespmem:s6+$0xAE00] =	vst v3  }
0x219: {  	v1 =	vimm.s32 $0x0  }
0x21a: {  	v3 =	vsel vm0, $0x1, v1  }
0x21b: {  	vm0 =	vne.s32 v3, $0x0  }
0x21c: {  	v4 =	vmctz.xlane vm0;
	_ =	sdelay $0x1  }
0x21d: {  	(v2sf) =	vpush v4, $0x0;
	_ =	sdelay $0x6  }
0x21e: {  	s6 =	sadd.s32 $0xFFFFFFFF, s3  }
0x21f: {  	p3 =	sne.s32 s6, $0x0  }
.Ltmp14:
0x220: {  	_ = 	snop;
	(pc) =	sbr.rel @!p3 .LBB2_18-.Ltmp14, $3  }
0x221: {  	v1 =	vbroadcast v4, $0x0;
	_ =	sdelay $0x1  }
0x222: {  	vm15 =	veq.s32 v1, v0  }
0x223: {  	p4 =	slt.s32 s26, $0x8;
	p2 =	por $0x0, $0x0;
	v1 =	vmov s14;
	v3 =	vsel vm15, $0x0, v3  }
0x224: {  	_ = 	snop  }
0x225: {  	s7 =	simm.s32 @!p4 $0x2;
	s14 =	spop (v2sf)  }
0x226: {  	_ =	swait.ge @!p4 [sflag:s7], $0x40  }
0x227: {  	s21 =	smul.u32 $0x3F, s14;
	[sflag:s7] =	ssyncset.done @!p4 $0x0  }
0x228: {  	s31 =	sshra.s32 s26, $0x1F;
	[sflag:s7] =	ssyncadd.s32 @!p4 $0xFFFFFFC0  }
0x229: {  	s7 =	sshrl.u32 s31, $0x1D;
	v4 =	vld.idx.msk [tilespmem:v1+s21+$0x5700 ss:$0x1], $0xffff  }
0x22a: {  	s7 =	sadd.s32 s7, s26  }
0x22b: {  	s7 =	sand.u32 $0xFFFFFFF8, s7  }
0x22c: {  	s7 =	ssub.s32 s26, s7  }
0x22d: {  	s22 =	sshll.u32 s7, $0x7  }
0x22e: {  	[tilespmem:s22+$0xC700] =	vst v4  }
0x22f: {  	v4 =	vld.idx.msk [tilespmem:v1+s21+$0x8280 ss:$0x1], $0xffff;
	_ =	sdelay $0x4  }
0x230: {  	[tilespmem:s22+$0xCB00] =	vst v4  }
0x231: {  	v4 =	vld.idx.msk [tilespmem:v1+s21+$0x5710 ss:$0x1], $0xffff;
	_ =	sdelay $0x4  }
0x232: {  	[tilespmem:s22+$0xC710] =	vst v4  }
0x233: {  	v4 =	vld.idx.msk [tilespmem:v1+s21+$0x8290 ss:$0x1], $0xffff;
	_ =	sdelay $0x4  }
0x234: {  	[tilespmem:s22+$0xCB10] =	vst v4  }
0x235: {  	v4 =	vld.idx.msk [tilespmem:v1+s21+$0x5720 ss:$0x1], $0xffff;
	_ =	sdelay $0x4  }
0x236: {  	[tilespmem:s22+$0xC720] =	vst v4  }
0x237: {  	v4 =	vld.idx.msk [tilespmem:v1+s21+$0x82A0 ss:$0x1], $0xffff  }
0x238: {  	vm0 =	vne.s32 v3, $0x0  }
0x239: {  	v5 =	vmctz.xlane vm0;
	_ =	sdelay $0x1  }
0x23a: {  	(v2sf) =	vpush v5, $0x0  }
0x23b: {  	[tilespmem:s22+$0xCB20] =	vst v4  }
0x23c: {  	v4 =	vld.idx.msk [tilespmem:v1+s21+$0x5730 ss:$0x1], $0xffff;
	_ =	sdelay $0x3  }
0x23d: {  	vm0 =	veq.s32 v0, $0xF  }
0x23e: {  	s23 =	sadd.s32 $0xFFFFFFFF, s6;
	v4 =	vsel vm0, $0x0, v4  }
0x23f: {  	p3 =	sne.s32 s23, $0x0;
	[tilespmem:s22+$0xC730] =	vst v4  }
.Ltmp15:
0x240: {  	v4 =	vld.idx.msk [tilespmem:v1+s21+$0x82B0 ss:$0x1], $0xffff;
	(pc) =	sbr.rel @!p3 .LBB2_21-.Ltmp15, $3  }
0x241: {  	v6 =	vbroadcast v5, $0x0;
	_ =	sdelay $0x1  }
0x242: {  	p2 =	por $0x1, $0x1;
	s14 =	sadd.s32 $0x1, s26;
	vm1 =	veq.s32 v6, v0  }
0x243: {  	p4 =	slt.s32 s14, $0x8;
	v3 =	vsel vm1, $0x0, v3;
	s24 =	sadd.s32 $0xC700, s22;
	s21 =	sadd.s32 $0xCB00, s22  }
.LBB2_20:
0x244: {  	s23 =	sadd.s32 $0xFFFFFFFF, s23;
	v4 =	vsel vm0, $0x0, v4  }
0x245: {  	s7 =	simm.s32 @!p4 $0x2;
	p3 =	sne.s32 s23, $0x0;
	s6 =	spop (v2sf);
	[tilespmem:s22+$0xCB30] =	vst v4  }
0x246: {  	[spmem:s2] =	stream.indirect.scatter.add.f32 [tilespmem:s24], [sflag:$0x2], $0x1, s21, s20, $0xb8;
	[tilespmem:$0xD900] =	vst v63  }
0x247: {  	_ =	swait.ge @!p4 [sflag:s7], $0x40  }
0x248: {  	s6 =	smul.u32 $0x3F, s6;
	[sflag:s7] =	ssyncset.done @!p4 $0x0  }
0x249: {  	[sflag:s7] =	ssyncadd.s32 @!p4 $0xFFFFFFC0  }
0x24a: {  	s7 =	sshra.s32 s14, $0x1F;
	v4 =	vld.idx.msk [tilespmem:v1+s6+$0x5700 ss:$0x1], $0xffff  }
0x24b: {  	s7 =	sshrl.u32 s7, $0x1D  }
0x24c: {  	s7 =	sadd.s32 s7, s14  }
0x24d: {  	s7 =	sand.u32 $0xFFFFFFF8, s7  }
0x24e: {  	s7 =	ssub.s32 s14, s7  }
0x24f: {  	s22 =	sshll.u32 s7, $0x7  }
0x250: {  	s24 =	sadd.s32 $0xC700, s22;
	s21 =	sadd.s32 $0xCB00, s22;
	[tilespmem:s22+$0xC700] =	vst v4  }
0x251: {  	v4 =	vld.idx.msk [tilespmem:v1+s6+$0x8280 ss:$0x1], $0xffff;
	_ =	sdelay $0x5  }
0x252: {  	[tilespmem:s22+$0xCB00] =	vst v4  }
0x253: {  	v4 =	vld.idx.msk [tilespmem:v1+s6+$0x5710 ss:$0x1], $0xffff;
	_ =	sdelay $0x5  }
0x254: {  	[tilespmem:s22+$0xC710] =	vst v4  }
0x255: {  	v4 =	vld.idx.msk [tilespmem:v1+s6+$0x8290 ss:$0x1], $0xffff;
	_ =	sdelay $0x5  }
0x256: {  	[tilespmem:s22+$0xCB10] =	vst v4  }
0x257: {  	v4 =	vld.idx.msk [tilespmem:v1+s6+$0x5720 ss:$0x1], $0xffff;
	_ =	sdelay $0x5  }
0x258: {  	[tilespmem:s22+$0xC720] =	vst v4  }
0x259: {  	v4 =	vld.idx.msk [tilespmem:v1+s6+$0x82A0 ss:$0x1], $0xffff;
	_ =	sdelay $0x3  }
0x25a: {  	vm1 =	vne.s32 v3, $0x0  }
0x25b: {  	v5 =	vmctz.xlane vm1  }
0x25c: {  	[tilespmem:s22+$0xCB20] =	vst v4  }
0x25d: {  	v4 =	vbroadcast v5, $0x0;
	(v2sf) =	vpush v5, $0x0;
	v5 =	vld.idx.msk [tilespmem:v1+s6+$0x5730 ss:$0x1], $0xffff;
	_ =	sdelay $0x1  }
0x25e: {  	vm1 =	veq.s32 v4, v0  }
0x25f: {  	v3 =	vsel vm1, $0x0, v3;
	_ =	sdelay $0x2  }
0x260: {  	v4 =	vsel vm0, $0x0, v5  }
0x261: {  	[tilespmem:s22+$0xC730] =	vst v4  }
0x262: {  	v4 =	vld.idx.msk [tilespmem:v1+s6+$0x82B0 ss:$0x1], $0xffff  }
.Ltmp16:
0x263: {  	(pc) =	sbr.rel @p3 .LBB2_20-.Ltmp16, $3  }
0x264: {  	_ =	sdelay $0x1  }
0x265: {  	s14 =	sadd.s32 $0x1, s14  }
0x266: {  	p4 =	slt.s32 s14, $0x8  }
.Ltmp17:
0x267: {  	_ = 	snop;
	(pc) =	sbr.rel .LBB2_21-.Ltmp17, $1  }
0x268: {  	_ =	sdelay $0x3  }
.LBB2_7:
0x269: {  	p2 =	sgt.s32 s26, $0x0  }
0x26a: {  	s3 =	simm.s32 @p2 $0x2  }
0x26b: {  	p3 =	seq.s32 @p2 s26, $0x1;
	_ =	swait.ge @p2 [sflag:s3], $0x40  }
0x26c: {  	p3 =	por !p2, p3;
	[sflag:s3] =	ssyncset.done @p2 $0x0  }
0x26d: {  	[sflag:s3] =	ssyncadd.s32 @p2 $0xFFFFFFC0;
	p2 =	slt.u32 @!p3 s26, $0x3  }
0x26e: {  	p2 =	por p3, p2  }
.Ltmp18:
0x26f: {  	_ = 	snop;
	(pc) =	sbr.rel @p2 .LBB2_9-.Ltmp18, $4  }
0x270: {  	s3 =	simm.s32 @!p3 $0x2  }
0x271: {  	_ =	swait.ge @!p3 [sflag:s3], $0x40  }
0x272: {  	[sflag:s3] =	ssyncset.done @!p3 $0x0  }
0x273: {  	[sflag:s3] =	ssyncadd.s32 @!p3 $0xFFFFFFC0  }
0x274: {  	p2 =	seq.s32 s26, $0x3  }
0x275: {  	p3 =	slt.u32 @!p2 s26, $0x5  }
0x276: {  	s3 =	simm.s32 $0x2;
	p4 =	por p3, p2  }
0x277: {  	_ =	swait.ge [sflag:s3], $0x40;
	p5 =	seq.s32 @!p4 s26, $0x5  }
0x278: {  	[sflag:s3] =	ssyncset.done $0x0;
	s6 =	simm.s32 @!p5 $0x0;
	p6 =	por @!p2 p5, p3  }
0x279: {  	[sflag:s3] =	ssyncadd.s32 $0xFFFFFFC0;
	s6 =	simm.s32 @p5 $0x1;
	p6 =	por p6, p2  }
0x27a: {  	s3 =	simm.s32 @!p2 $0x2;
	[smem:$0x7FB] =	sst s6;
	p0 =	slt.u32 @!p6 s26, $0x7  }
0x27b: {  	_ =	swait.ge @!p2 [sflag:s3], $0x40;
	s6 =	simm.s32 @!p0 $0x0  }
0x27c: {  	[sflag:s3] =	ssyncset.done @!p2 $0x0;
	s6 =	simm.s32 @p0 $0x1  }
0x27d: {  	[sflag:s3] =	ssyncadd.s32 @!p2 $0xFFFFFFC0;
	s3 =	simm.s32 @!p4 $0x2;
	[smem:$0x7FA] =	sst s6  }
0x27e: {  	_ =	swait.ge @!p4 [sflag:s3], $0x40  }
0x27f: {  	[sflag:s3] =	ssyncset.done @!p4 $0x0  }
0x280: {  	[sflag:s3] =	ssyncadd.s32 @!p4 $0xFFFFFFC0;
	s3 =	simm.s32 @!p6 $0x2  }
0x281: {  	_ =	swait.ge @!p6 [sflag:s3], $0x40  }
0x282: {  	p1 =	por @!p4 p0, p5;
	s28 =	sld [smem:$0x7FA]  }
0x283: {  	p1 =	por @!p2 p1, p3;
	s29 =	sld [smem:$0x7FB]  }
0x284: {  	p1 =	por p1, p2  }
0x285: {  	p0 =	seq.s32 @!p1 s26, $0x7;
	p5 =	seq.s32 s28, $0x1  }
0x286: {  	[sflag:s3] =	ssyncset.done @!p6 $0x0;
	p0 =	por @!p6 p0, p5;
	p5 =	seq.s32 s29, $0x1  }
0x287: {  	[sflag:s3] =	ssyncadd.s32 @!p6 $0xFFFFFFC0;
	s3 =	simm.s32 @!p1 $0x2;
	p0 =	por @!p4 p0, p5  }
0x288: {  	s30 =	sld [smem:$0x7FD];
	_ =	swait.ge @!p1 [sflag:s3], $0x40;
	p0 =	por @!p2 p0, p3  }
.Ltmp19:
0x289: {  	[sflag:s3] =	ssyncset.done @!p1 $0x0;
	p0 =	por p0, p2;
	(pc) =	sbr.rel .LBB2_9-.Ltmp19, $4  }
0x28a: {  	s31 =	sld [smem:$0x7FC];
	[sflag:s3] =	ssyncadd.s32 @!p1 $0xFFFFFFC0;
	s3 =	simm.s32 @!p0 $0x2  }
0x28b: {  	_ =	swait.ge @!p0 [sflag:s3], $0x40  }
0x28c: {  	[sflag:s3] =	ssyncset.done @!p0 $0x0  }
0x28d: {  	p5 =	seq.s32 s30, $0x1;
	p1 =	seq.s32 s31, $0x1;
	[sflag:s3] =	ssyncadd.s32 @!p0 $0xFFFFFFC0  }
.LBB2_10:
0x28e: {  	_ =	sfence.sel $0x180000  }
0x28f: {  	[bflag:$0x0] =	sbarrier.arrive $0xFFFF  }
0x290: {  	_ =	strace $0x90000047  }
0x291: {  	[bflag:$0x2] =	sbarrier.arrive $0xFFFF  }
0x292: {  	s0 =	rddreg [dreg:$0x4]  }
0x293: {  	s0 =	sadd.s32 @!p1 $0x100000, s0  }
0x294: {  	[sflag:s0] =	ssyncadd.tile.s32 @!p1 $0x1;
	_ =	shalt  }
.Lfunc_end2:
_tile_overlayer_lowered:
.L_overlay_start_2:
0x295: {  	(tag) =	ssettag $0x2  }
0x296: {  	s0 =	rddreg [dreg:$0x0];
	s2 =	stileid.u32  }
0x297: {  	s1 =	rddreg [dreg:$0x1];
	p0 =	sne.s32 s2, $0x0  }
0x298: {  	s3 =	rddreg [dreg:$0x2];
	[bflag:$0x3] =	sbarrier.arrive $0xFFFF;
	s2 =	simm.s32 @!p0 $0x1C03  }
0x299: {  	[timem:s3], [sflag:s2] =	dma.local @!p0 [hbm:s0], s1  }
0x29a: {  	s0 =	simm.s32 @!p0 $0x3  }
0x29b: {  	_ =	swait.ge @!p0 [sflag:s0], s1  }
0x29c: {  	s1 =	ssub.s32 @!p0 $0x0, s1;
	[sflag:s0] =	ssyncset.done @!p0 $0x0  }
0x29d: {  	[sflag:s0] =	ssyncadd.s32 @!p0 s1  }
0x29e: {  	[bflag:$0x3] =	sbarrier.arrive $0xFFFF  }
0x29f: {  	_ =	shalt  }

</sc_bundles>
